<compile_context>
chip_gen: v7x
topology: tpu7x:2x2x1
jax: 0.10.2.dev20260603
libtpu: 0.0.44.dev20260713+nightly
codegen_flags: <defaults>
</compile_context>

<pallas_src>
import functools
import math

import jax
import jax.numpy as jnp
from jax import lax
from jax.experimental import pallas as pl
from jax.experimental.pallas import tpu as pltpu
from jax.experimental.pallas import tpu_sc as plsc

N_POINTS = 10000
NB = 32
RADIUS = 0.2
F1, F2, FOUT = 128, 256, 512
N_FPS = int(math.ceil(N_POINTS / NB))
E = N_FPS * NB
NPAD = 320
EPAD = NPAD * NB
TBL_W = 16
GCHUNK = 80
NW = 32
ROWS_PER_W = EPAD // NW


NROW = 80


def _fps_body(points_ref, normals_ref, grid_ref, out_p_ref, out_n_ref):
    X = grid_ref[0:NROW, :]
    Y = grid_ref[NROW:2 * NROW, :]
    Z = grid_ref[2 * NROW:3 * NROW, :]
    out_p_ref[0:1, :] = points_ref[0:1, :]
    out_n_ref[0:1, :] = normals_ref[0:1, :]
    q0 = points_ref[0:1, :]
    x0 = jnp.sum(q0[:, 0:1])
    y0 = jnp.sum(q0[:, 1:2])
    z0 = jnp.sum(q0[:, 2:3])
    dx = X - x0
    dy = Y - y0
    dz = Z - z0
    iota = (lax.broadcasted_iota(jnp.int32, (NROW, 128), 0) * 128
            + lax.broadcasted_iota(jnp.int32, (NROW, 128), 1))
    neg_inf = jnp.float32(-jnp.inf)
    dists0 = jnp.where(iota < N_POINTS, dx * dx + dy * dy + dz * dz, neg_inf)

    def body(i, dists):
        m = jnp.max(dists)
        eqm = dists == m
        nxt = jnp.min(jnp.where(eqm, iota, N_POINTS))
        out_p_ref[pl.ds(i, 1), :] = points_ref[pl.ds(nxt, 1), :]
        out_n_ref[pl.ds(i, 1), :] = normals_ref[pl.ds(nxt, 1), :]
        qx = jnp.max(jnp.where(eqm, X, neg_inf))
        qy = jnp.max(jnp.where(eqm, Y, neg_inf))
        qz = jnp.max(jnp.where(eqm, Z, neg_inf))
        ddx = X - qx
        ddy = Y - qy
        ddz = Z - qz
        d = ddx * ddx + ddy * ddy + ddz * ddz
        return jnp.minimum(dists, d)

    lax.fori_loop(1, N_FPS, body, dists0)


def _run_fps(points, normals, grid):
    return pl.pallas_call(
        _fps_body,
        out_shape=[
            jax.ShapeDtypeStruct((N_FPS, 3), jnp.float32),
            jax.ShapeDtypeStruct((N_FPS, 3), jnp.float32),
        ],
    )(points, normals, grid)


TKR = 32


TKT = 8


def _topk_body(fps_ref, grid_ref, out_ref):
    X = grid_ref[0:NROW, :][None, :, :]
    Y = grid_ref[NROW:2 * NROW, :][None, :, :]
    Z = grid_ref[2 * NROW:3 * NROW, :][None, :, :]
    fx = fps_ref[:, 0:1][:, :, None]
    fy = fps_ref[:, 1:2][:, :, None]
    fz = fps_ref[:, 2:3][:, :, None]

    def dist3():
        dx = fx - X
        dy = fy - Y
        dz = fz - Z
        return dx * dx + dy * dy + dz * dz

    iota_s = lax.broadcasted_iota(jnp.int32, (TKR, NROW, 128), 1)
    iota_l = lax.broadcasted_iota(jnp.int32, (TKR, NROW, 128), 2)
    gidx3 = iota_s * 128 + iota_l
    iota_l1 = lax.broadcasted_iota(jnp.int32, (TKR, 1, 128), 2)
    inf = jnp.float32(jnp.inf)
    r2 = jnp.float32(RADIUS * RADIUS)
    bign = jnp.int32(NROW * 128)

    D = dist3()
    cv, ci = [], []
    for k in range(TKT):
        pm = jnp.min(D, axis=1, keepdims=True)
        eq = D == pm
        pc = jnp.min(jnp.where(eq, iota_s, NROW), axis=1,
                     keepdims=True)
        cv.append(pm)
        ci.append(pc * 128 + iota_l1)
        D = jnp.where(eq, inf, D)
    cand_v = jnp.concatenate(cv, axis=1)
    cand_i = jnp.concatenate(ci, axis=1)
    t_last = cv[-1]

    vals, idxs = [], []
    for k in range(NB):
        cm = jnp.min(jnp.min(cand_v, axis=1, keepdims=True), axis=2,
                     keepdims=True)
        eqc = cand_v == cm
        gi = jnp.min(jnp.min(jnp.where(eqc, cand_i, bign), axis=1,
                             keepdims=True), axis=2, keepdims=True)
        vals.append(cm[:, 0, :])
        idxs.append(gi[:, 0, :])
        cand_v = jnp.where(eqc & (cand_i == gi), inf, cand_v)
    v_last = vals[-1][:, :, None]

    bad_sl = (t_last <= r2) & (t_last < v_last)
    bad = jnp.any(bad_sl)

    @pl.when(jnp.logical_not(bad))
    def _fast():
        first = idxs[0]
        out_ref[:, 0:1] = first
        for k in range(1, NB):
            out_ref[:, k:k + 1] = jnp.where(vals[k] <= r2, idxs[k], first)

    @pl.when(bad)
    def _exact():
        Df = dist3()
        first = None
        for k in range(NB):
            m = jnp.min(jnp.min(Df, axis=1, keepdims=True), axis=2,
                        keepdims=True)
            eq = Df == m
            gi = jnp.min(jnp.min(jnp.where(eq, gidx3, bign), axis=1,
                                 keepdims=True), axis=2, keepdims=True)
            idx2 = gi[:, 0, :]
            if k == 0:
                first = idx2
                out_ref[:, 0:1] = idx2
            else:
                out_ref[:, k:k + 1] = jnp.where(m[:, 0, :] <= r2, idx2, first)
            Df = jnp.where(eq & (gidx3 == gi), inf, Df)


def _run_topk(fps_pad, grid):
    return pl.pallas_call(
        _topk_body,
        grid=(NPAD // TKR,),
        in_specs=[
            pl.BlockSpec((TKR, 3), lambda i: (i, 0)),
            pl.BlockSpec((3 * NROW, 128), lambda i: (0, 0)),
        ],
        out_specs=pl.BlockSpec((TKR, NB), lambda i: (i, 0)),
        out_shape=jax.ShapeDtypeStruct((NPAD, NB), jnp.int32),
    )(fps_pad, grid)


def _sc_gather(table, idx2d):
    mesh = plsc.VectorSubcoreMesh(core_axis_name="c", subcore_axis_name="s")

    @functools.partial(
        pl.kernel,
        mesh=mesh,
        compiler_params=pltpu.CompilerParams(use_tc_tiling_on_sc=False),
        out_type=jax.ShapeDtypeStruct((EPAD, TBL_W), jnp.float32),
        scratch_types=[
            pltpu.VMEM((ROWS_PER_W // GCHUNK, GCHUNK), jnp.int32),
            pltpu.VMEM((ROWS_PER_W, TBL_W), jnp.float32),
            pltpu.SemaphoreType.DMA,
        ],
    )
    def gather_kernel(table_hbm, idx_hbm, out_hbm, idx_v, rows_v, sem):
        wid = lax.axis_index("s") * 2 + lax.axis_index("c")
        nchunk = ROWS_PER_W // GCHUNK
        pltpu.sync_copy(idx_hbm.at[pl.ds(wid * nchunk, nchunk)], idx_v)
        for j in range(nchunk):
            pltpu.async_copy(
                table_hbm.at[idx_v.at[j]],
                rows_v.at[pl.ds(j * GCHUNK, GCHUNK)],
                sem,
            ).wait()
        pltpu.sync_copy(rows_v, out_hbm.at[pl.ds(wid * ROWS_PER_W, ROWS_PER_W)])

    return gather_kernel(table, idx2d)


def _enc_body(gt_ref, mt_ref, ones_ref, w1_ref, b1_ref, w2_ref, b2_ref,
              w3_ref, b3_ref, dw1a_ref, dw1b_ref, db1_ref, dw2_ref, db2_ref,
              dw3_ref, db3_ref, fps_ref, tile_ref, dec_ref, enc_s, ang_s):
    gt = gt_ref[...]
    mt = mt_ref[...]
    inv_r = jnp.float32(1.0 / RADIUS)
    rx = gt[0:1, :]
    ry = gt[1:2, :]
    rz = gt[2:3, :]
    nx = gt[3:4, :]
    ny = gt[4:5, :]
    nz = gt[5:6, :]
    mx = mt[0:1, :]
    my = mt[1:2, :]
    mz = mt[2:3, :]
    ax = mt[3:4, :]
    ay = mt[4:5, :]
    az = mt[5:6, :]
    ex = (rx - mx) * inv_r
    ey = (ry - my) * inv_r
    ez = (rz - mz) * inv_r
    n_rel = ex * ex + ey * ey + ez * ez
    n_mn = ax * ax + ay * ay + az * az
    n_rn = nx * nx + ny * ny + nz * nz
    d1 = ax * ex + ay * ey + az * ez
    d2 = nx * ex + ny * ey + nz * ez
    d3 = ax * nx + ay * ny + az * nz
    eps = jnp.float32(1e-12)

    def angle(na, nb, d):
        c2 = jnp.maximum(na * nb - d * d, 0.0)
        return jnp.arctan2(jnp.sqrt(c2 + eps), d)

    a1 = angle(n_mn, n_rel, d1)
    a2 = angle(n_rn, n_rel, d2)
    a3 = angle(n_mn, n_rn, d3)
    norms = jnp.sqrt(n_rel + eps)
    inv4 = jnp.concatenate([a1, a2, a3, norms], axis=0)
    tn = (((0,), (0,)), ((), ()))
    h = lax.dot_general(inv4, w1_ref[...], tn,
                        preferred_element_type=jnp.float32)
    h = jnp.maximum(h + b1_ref[...], 0.0)
    h = jnp.dot(h, w2_ref[...], preferred_element_type=jnp.float32)
    h = jnp.maximum(h + b2_ref[...], 0.0)
    h = jnp.dot(h, w3_ref[...], preferred_element_type=jnp.float32)
    h = h + b3_ref[...]
    eb = h.shape[0]
    cb = eb // NB
    i = pl.program_id(0)
    enc_s[pl.ds(i * cb, cb), :] = jnp.max(h.reshape(cb, NB, FOUT), axis=1)
    rel3 = jnp.concatenate([ex, ey, ez], axis=0)
    tt = (((0,), (1,)), ((), ()))
    ang = lax.dot_general(ones_ref[...], rel3, tt,
                          preferred_element_type=jnp.float32)
    ang_s[pl.ds(i * cb, cb), :] = ang * jnp.float32(1.0 / NB)

    @pl.when(i == pl.num_programs(0) - 1)
    def _decode():
        g = jnp.dot(ang_s[...], dw1a_ref[...],
                    preferred_element_type=jnp.float32)
        g = g + jnp.dot(enc_s[...], dw1b_ref[...],
                        preferred_element_type=jnp.float32)
        g = jnp.maximum(g + db1_ref[...], 0.0)
        g = jnp.maximum(
            jnp.dot(g, dw2_ref[...], preferred_element_type=jnp.float32)
            + db2_ref[...], 0.0)
        g = jnp.dot(g, dw3_ref[...],
                    preferred_element_type=jnp.float32) + db3_ref[...]
        mid96 = jnp.dot(fps_ref[...], tile_ref[...],
                        preferred_element_type=jnp.float32)
        dec_ref[...] = g * jnp.float32(RADIUS) + mid96


def _run_encdec(GT, MT, ones, w1, b1, w2, b2, w3, b3,
                dw1a, dw1b, db1, dw2, db2, dw3, db3, fps_pad, tile):
    EB = 1024
    CB = EB // NB
    full = lambda shape: pl.BlockSpec(shape, lambda i: (0, 0))
    return pl.pallas_call(
        _enc_body,
        grid=(EPAD // EB,),
        in_specs=[
            pl.BlockSpec((TBL_W, EB), lambda i: (0, i)),
            pl.BlockSpec((TBL_W, EB), lambda i: (0, i)),
            full((EB, CB)),
            full((4, F1)), full((1, F1)),
            full((F1, F2)), full((1, F2)),
            full((F2, FOUT)), full((1, FOUT)),
            full((3, F2)), full((FOUT, F2)), full((1, F2)),
            full((F2, F1)), full((1, F1)),
            full((F1, NB * 3)), full((1, NB * 3)),
            full((NPAD, 3)), full((3, NB * 3)),
        ],
        out_specs=pl.BlockSpec((NPAD, NB * 3), lambda i: (0, 0)),
        out_shape=jax.ShapeDtypeStruct((NPAD, NB * 3), jnp.float32),
        scratch_shapes=[
            pltpu.VMEM((NPAD, FOUT), jnp.float32),
            pltpu.VMEM((NPAD, 3), jnp.float32),
        ],
    )(GT, MT, ones, w1, b1, w2, b2, w3, b3,
      dw1a, dw1b, db1, dw2, db2, dw3, db3, fps_pad, tile)


def kernel(points, normals, enc_W1, enc_b1, enc_W2, enc_b2, enc_W3, enc_b3,
           dec_W1, dec_b1, dec_W2, dec_b2, dec_W3, dec_b3):
    grid = jnp.pad(points.T, ((0, 0), (0, NROW * 128 - N_POINTS)),
                   constant_values=1e9).reshape(3 * NROW, 128)
    fps_p, fps_n = _run_fps(points, normals, grid)

    fps_pad = jnp.pad(fps_p, ((0, NPAD - N_FPS), (0, 0)),
                      constant_values=1e6)
    idx = _run_topk(fps_pad, grid)
    rad_inds = idx[:N_FPS].reshape(-1)

    idx_flat = jnp.pad(rad_inds, (0, EPAD - E))
    idx2d = idx_flat.reshape(EPAD // GCHUNK, GCHUNK)
    table = jnp.pad(jnp.concatenate([points, normals], axis=1),
                    ((0, 0), (0, TBL_W - 6)))
    G = _sc_gather(table, idx2d)

    mid6 = jnp.concatenate([fps_p, fps_n], axis=1)
    M = jnp.broadcast_to(mid6[:, None, :], (N_FPS, NB, 6)).reshape(E, 6)
    M = jnp.pad(M, ((0, EPAD - E), (0, TBL_W - 6)))
    ones = (jnp.arange(1024, dtype=jnp.int32)[:, None] // NB
            == jnp.arange(1024 // NB, dtype=jnp.int32)[None, :]
            ).astype(jnp.float32)

    b = lambda v: v.reshape(1, -1)
    tile3 = jnp.tile(jnp.eye(3, dtype=jnp.float32), (1, NB))
    fps_p_pad = jnp.pad(fps_p, ((0, NPAD - N_FPS), (0, 0)))
    dec = _run_encdec(G.T, M.T, ones, enc_W1, b(enc_b1), enc_W2, b(enc_b2),
                      enc_W3, b(enc_b3),
                      dec_W1[:3], dec_W1[3:], b(dec_b1),
                      dec_W2, b(dec_b2), dec_W3, b(dec_b3),
                      fps_p_pad, tile3)

    rad_points = G[:E, 0:3]
    decoded_abs = dec[:N_FPS].reshape(E, 3)
    rad_cluster = jnp.broadcast_to(
        jnp.arange(N_FPS, dtype=jnp.int32)[:, None], (N_FPS, NB)).reshape(-1)
    return (rad_points, rad_cluster, decoded_abs, rad_cluster)

# --- scband reference (transcript-rebuilt; emitter-appended) ---
"""Pipeline reference for scband-rotation-invariant-layer-71004399337912 (READ-ONLY COPY).

The authoritative reference and input builder live on the scoring server;
editing this copy changes nothing except your own understanding.
"""

import jax, jax.numpy as jnp
import numpy as np
import math

N_POINTS = 10000
NB = 32
RADIUS = 0.2
F1, F2, FOUT = 128, 256, 512
N_FPS = int(math.ceil(N_POINTS / NB))  # ratio = 1/nb_neighbours -> 313
E = N_FPS * NB


def _glorot(k, shape):
    fan_in, fan_out = shape
    s = math.sqrt(2.0 / (fan_in + fan_out))
    return (jax.random.normal(k, shape, dtype=jnp.float32) * s)


def setup_inputs(seed: int = 0) -> dict:
    key = jax.random.key(seed)
    ks = jax.random.split(key, 16)
    points = jax.random.uniform(ks[0], (N_POINTS, 3), dtype=jnp.float32)
    normals = jax.random.normal(ks[1], (N_POINTS, 3), dtype=jnp.float32)
    normals = normals / (jnp.linalg.norm(normals, axis=-1, keepdims=True) + 1e-12)
    inp = {
        'points': points,
        'normals': normals,
        # RotationInvariantEncoder: per-edge MLP on 4 invariant features -> segment pooling
        'enc_W1': _glorot(ks[2], (4, F1)),   'enc_b1': jnp.zeros((F1,), jnp.float32),
        'enc_W2': _glorot(ks[3], (F1, F2)),  'enc_b2': jnp.zeros((F2,), jnp.float32),
        'enc_W3': _glorot(ks[4], (F2, FOUT)),'enc_b3': jnp.zeros((FOUT,), jnp.float32),
        # RelativeDecoder: per-cluster MLP -> NB relative points
        'dec_W1': _glorot(ks[5], (FOUT + 3, F2)), 'dec_b1': jnp.zeros((F2,), jnp.float32),
        'dec_W2': _glorot(ks[6], (F2, F1)),       'dec_b2': jnp.zeros((F1,), jnp.float32),
        'dec_W3': _glorot(ks[7], (F1, NB * 3)),   'dec_b3': jnp.zeros((NB * 3,), jnp.float32),
    }
    return inp


def get_angle(v1, v2):
    cross = jnp.cross(v1, v2)
    cn = jnp.sqrt(jnp.sum(cross * cross, axis=-1) + 1e-12)
    dot = jnp.sum(v1 * v2, axis=-1)
    return jnp.arctan2(cn, dot)


def fps(points, n_samples):
    N = points.shape[0]
    inds0 = jnp.zeros((n_samples,), jnp.int32)
    d0 = jnp.sum((points - points[0]) ** 2, axis=-1)
    def body(i, carry):
        inds, dists = carry
        nxt = jnp.argmax(dists).astype(jnp.int32)
        inds = inds.at[i].set(nxt)
        d = jnp.sum((points - points[nxt]) ** 2, axis=-1)
        return (inds, jnp.minimum(dists, d))
    inds, _ = jax.lax.fori_loop(1, n_samples, body, (inds0, d0))
    return inds


def radius_neighbors(points, fps_points, r, k):
    # fixed-k version of torch_geometric radius (max_num_neighbors=k);
    # out-of-radius slots are clamped to the nearest in-radius point
    d = jnp.sum((fps_points[:, None, :] - points[None, :, :]) ** 2, axis=-1)
    negd, idx = jax.lax.top_k(-d, k)
    valid = (-negd) <= r * r
    idx = jnp.where(valid, idx, idx[:, :1])
    rad_cluster = jnp.repeat(jnp.arange(fps_points.shape[0], dtype=jnp.int32), k)
    rad_inds = idx.reshape(-1)
    return rad_cluster, rad_inds


def reference(points, normals, enc_W1, enc_b1, enc_W2, enc_b2, enc_W3, enc_b3,
              dec_W1, dec_b1, dec_W2, dec_b2, dec_W3, dec_b3):
    fps_inds = fps(points, N_FPS)
    fps_points = points[fps_inds]
    fps_normals = normals[fps_inds]
    rad_cluster, rad_inds = radius_neighbors(points, fps_points, RADIUS, NB)
    rad_points = points[rad_inds]
    rad_normals = normals[rad_inds]
    midpoints = fps_points[rad_cluster]
    midpoints_normals = fps_normals[rad_cluster]
    relative = (rad_points - midpoints) / RADIUS
    # inv_features
    a1 = get_angle(midpoints_normals, relative)
    a2 = get_angle(rad_normals, relative)
    a3 = get_angle(midpoints_normals, rad_normals)
    norms = jnp.sqrt(jnp.sum(relative * relative, axis=-1) + 1e-12)
    inv = jnp.stack([a1, a2, a3, norms], axis=0).T  # [E,4]
    # encoder: per-edge MLP + segment max pool; per-cluster mean direction as 'angles'
    h = jax.nn.relu(inv @ enc_W1 + enc_b1)
    h = jax.nn.relu(h @ enc_W2 + enc_b2)
    h = h @ enc_W3 + enc_b3
    encoding = jax.ops.segment_max(h, rad_cluster, num_segments=N_FPS)
    angles = jax.ops.segment_sum(relative, rad_cluster, num_segments=N_FPS) / float(NB)
    concat = jnp.concatenate([angles, encoding], axis=-1)
    # decoder: per-cluster MLP -> NB relative points
    g = jax.nn.relu(concat @ dec_W1 + dec_b1)
    g = jax.nn.relu(g @ dec_W2 + dec_b2)
    g = g @ dec_W3 + dec_b3
    decoded = g.reshape(N_FPS * NB, 3)
    cluster_inds = jnp.repeat(jnp.arange(N_FPS, dtype=jnp.int32), NB)
    cluster_midpoints = fps_points[cluster_inds]
    decoded_abs = decoded * RADIUS + cluster_midpoints
    return (rad_points, rad_cluster, decoded_abs, cluster_inds)

if __name__ == "__main__":
    import jax
    _d = setup_inputs()
    print(jax.jit(kernel)(*tuple(_d.values())))

</pallas_src>

<mosaic_0001>
#map = affine_map<(d0, d1) -> (0, 0)>
module attributes {stable_mosaic.version = 14 : i64} {
  func.func @gather_kernel(%arg0: i32, %arg1: i32, %arg2: memref<10000x16xf32, #tpu.memory_space<hbm>>, %arg3: memref<128x80xi32, #tpu.memory_space<hbm>>, %arg4: memref<10240x16xf32, #tpu.memory_space<hbm>>, %arg5: memref<4x80xi32, #tpu.memory_space<vmem>>, %arg6: memref<320x16xf32, #tpu.memory_space<vmem>>, %arg7: memref<!tpu.dma_semaphore, #tpu.memory_space<semaphore_mem>>) attributes {dimension_semantics = [#tpu.dimension_semantics<core_parallel>, #tpu.dimension_semantics<subcore_parallel>], iteration_bounds = array<i64: 2, 16>, scalar_prefetch = 0 : i64, scratch_operands = 3 : i64, tpu.core_type = #tpu.core_type<sc_vector_subcore>, window_params = [{transform_indices = #map}, {transform_indices = #map}, {transform_indices = #map}]} {
    %mul3A = arith.constant 2 : i32
    %mul3A_0 = arith.muli %arg1, %mul3A : i32
    %add3A = arith.addi %mul3A_0, %arg0 : i32
    %mul3A_1 = arith.constant 4 : i32
    %mul3A_2 = arith.muli %add3A, %mul3A_1 : i32
    "tpu.region"() ({
      %run_scoped3A = tpu.sem_alloc : memref<!tpu.dma_semaphore, #tpu.memory_space<semaphore_mem>>
      %dma_start3A_83 = arith.constant 0 : i32
      %dma_start3A_84 = tpu.memref_slice %arg3[%mul3A_2, %dma_start3A_83] : memref<128x80xi32, #tpu.memory_space<hbm>> -> memref<4x80xi32, #tpu.memory_space<hbm>>
      %dma_start3A_85 = arith.constant 0 : i32
      %dma_start3A_86 = tpu.memref_slice %arg3[%mul3A_2, %dma_start3A_85] : memref<128x80xi32, #tpu.memory_space<hbm>> -> memref<4x80xi32, #tpu.memory_space<hbm>>
      tpu.enqueue_dma source(%dma_start3A_86 : memref<4x80xi32, #tpu.memory_space<hbm>>) target(%arg5 : memref<4x80xi32, #tpu.memory_space<vmem>>) target_semaphore(%run_scoped3A : memref<!tpu.dma_semaphore, #tpu.memory_space<semaphore_mem>>)
      %dma_wait3A_87 = arith.constant 0 : i32
      %dma_wait3A_88 = tpu.memref_slice %arg3[%mul3A_2, %dma_wait3A_87] : memref<128x80xi32, #tpu.memory_space<hbm>> -> memref<4x80xi32, #tpu.memory_space<hbm>>
      %dma_wait3A_89 = arith.constant 0 : i32
      %dma_wait3A_90 = tpu.memref_slice %arg3[%mul3A_2, %dma_wait3A_89] : memref<128x80xi32, #tpu.memory_space<hbm>> -> memref<4x80xi32, #tpu.memory_space<hbm>>
      tpu.wait_dma2 semaphore(%run_scoped3A : memref<!tpu.dma_semaphore, #tpu.memory_space<semaphore_mem>>) src(%dma_wait3A_90 : memref<4x80xi32, #tpu.memory_space<hbm>>) dst(%arg5 : memref<4x80xi32, #tpu.memory_space<vmem>>)
      tpu.yield
    }) : () -> ()
    %dma_start3A = arith.constant 0 : i32
    %dma_start3A_3 = arith.constant 0 : i32
    %dma_start3A_4 = arith.constant 0 : i32
    %dma_start3A_5 = tpu.memref_slice %arg6[%dma_start3A_3, %dma_start3A_4] : memref<320x16xf32, #tpu.memory_space<vmem>> -> memref<80x16xf32, #tpu.memory_space<vmem>>
    %dma_start3A_6 = arith.constant 0 : i32
    %dma_start3A_7 = tpu.memref_slice %arg5[%dma_start3A, %dma_start3A_6] : memref<4x80xi32, #tpu.memory_space<vmem>> -> memref<1x80xi32, #tpu.memory_space<vmem>>
    %dma_start3A_8 = tpu.memref_squeeze %dma_start3A_7 : memref<1x80xi32, #tpu.memory_space<vmem>> -> memref<80xi32, #tpu.memory_space<vmem>>
    %dma_start3A_9 = arith.constant 0 : i32
    %dma_start3A_10 = arith.constant 0 : i32
    %dma_start3A_11 = tpu.memref_slice %arg2[%dma_start3A_9, %dma_start3A_10] : memref<10000x16xf32, #tpu.memory_space<hbm>> -> memref<10000x16xf32, #tpu.memory_space<hbm>>
    tpu.enqueue_indirect_dma source(%dma_start3A_11 : memref<10000x16xf32, #tpu.memory_space<hbm>>) target(%dma_start3A_5 : memref<80x16xf32, #tpu.memory_space<vmem>>) offsets(%dma_start3A_8 : memref<80xi32, #tpu.memory_space<vmem>>) semaphore(%arg7 : memref<!tpu.dma_semaphore, #tpu.memory_space<semaphore_mem>>)
    %dma_wait3A = arith.constant 0 : i32
    %dma_wait3A_12 = arith.constant 0 : i32
    %dma_wait3A_13 = arith.constant 0 : i32
    %dma_wait3A_14 = tpu.memref_slice %arg6[%dma_wait3A_12, %dma_wait3A_13] : memref<320x16xf32, #tpu.memory_space<vmem>> -> memref<80x16xf32, #tpu.memory_space<vmem>>
    %dma_wait3A_15 = arith.constant 0 : i32
    %dma_wait3A_16 = tpu.memref_slice %arg5[%dma_wait3A, %dma_wait3A_15] : memref<4x80xi32, #tpu.memory_space<vmem>> -> memref<1x80xi32, #tpu.memory_space<vmem>>
    %dma_wait3A_17 = tpu.memref_squeeze %dma_wait3A_16 : memref<1x80xi32, #tpu.memory_space<vmem>> -> memref<80xi32, #tpu.memory_space<vmem>>
    %dma_wait3A_18 = arith.constant 0 : i32
    %dma_wait3A_19 = arith.constant 0 : i32
    %dma_wait3A_20 = tpu.memref_slice %arg2[%dma_wait3A_18, %dma_wait3A_19] : memref<10000x16xf32, #tpu.memory_space<hbm>> -> memref<10000x16xf32, #tpu.memory_space<hbm>>
    tpu.wait_indirect_dma semaphore(%arg7 : memref<!tpu.dma_semaphore, #tpu.memory_space<semaphore_mem>>) src(%dma_wait3A_20 : memref<10000x16xf32, #tpu.memory_space<hbm>>) dst(%dma_wait3A_14 : memref<80x16xf32, #tpu.memory_space<vmem>>)
    %dma_start3A_21 = arith.constant 1 : i32
    %dma_start3A_22 = arith.constant 80 : i32
    %dma_start3A_23 = arith.constant 0 : i32
    %dma_start3A_24 = tpu.memref_slice %arg6[%dma_start3A_22, %dma_start3A_23] : memref<320x16xf32, #tpu.memory_space<vmem>> -> memref<80x16xf32, #tpu.memory_space<vmem>>
    %dma_start3A_25 = arith.constant 0 : i32
    %dma_start3A_26 = tpu.memref_slice %arg5[%dma_start3A_21, %dma_start3A_25] : memref<4x80xi32, #tpu.memory_space<vmem>> -> memref<1x80xi32, #tpu.memory_space<vmem>>
    %dma_start3A_27 = tpu.memref_squeeze %dma_start3A_26 : memref<1x80xi32, #tpu.memory_space<vmem>> -> memref<80xi32, #tpu.memory_space<vmem>>
    %dma_start3A_28 = arith.constant 0 : i32
    %dma_start3A_29 = arith.constant 0 : i32
    %dma_start3A_30 = tpu.memref_slice %arg2[%dma_start3A_28, %dma_start3A_29] : memref<10000x16xf32, #tpu.memory_space<hbm>> -> memref<10000x16xf32, #tpu.memory_space<hbm>>
    tpu.enqueue_indirect_dma source(%dma_start3A_30 : memref<10000x16xf32, #tpu.memory_space<hbm>>) target(%dma_start3A_24 : memref<80x16xf32, #tpu.memory_space<vmem>>) offsets(%dma_start3A_27 : memref<80xi32, #tpu.memory_space<vmem>>) semaphore(%arg7 : memref<!tpu.dma_semaphore, #tpu.memory_space<semaphore_mem>>)
    %dma_wait3A_31 = arith.constant 1 : i32
    %dma_wait3A_32 = arith.constant 80 : i32
    %dma_wait3A_33 = arith.constant 0 : i32
    %dma_wait3A_34 = tpu.memref_slice %arg6[%dma_wait3A_32, %dma_wait3A_33] : memref<320x16xf32, #tpu.memory_space<vmem>> -> memref<80x16xf32, #tpu.memory_space<vmem>>
    %dma_wait3A_35 = arith.constant 0 : i32
    %dma_wait3A_36 = tpu.memref_slice %arg5[%dma_wait3A_31, %dma_wait3A_35] : memref<4x80xi32, #tpu.memory_space<vmem>> -> memref<1x80xi32, #tpu.memory_space<vmem>>
    %dma_wait3A_37 = tpu.memref_squeeze %dma_wait3A_36 : memref<1x80xi32, #tpu.memory_space<vmem>> -> memref<80xi32, #tpu.memory_space<vmem>>
    %dma_wait3A_38 = arith.constant 0 : i32
    %dma_wait3A_39 = arith.constant 0 : i32
    %dma_wait3A_40 = tpu.memref_slice %arg2[%dma_wait3A_38, %dma_wait3A_39] : memref<10000x16xf32, #tpu.memory_space<hbm>> -> memref<10000x16xf32, #tpu.memory_space<hbm>>
    tpu.wait_indirect_dma semaphore(%arg7 : memref<!tpu.dma_semaphore, #tpu.memory_space<semaphore_mem>>) src(%dma_wait3A_40 : memref<10000x16xf32, #tpu.memory_space<hbm>>) dst(%dma_wait3A_34 : memref<80x16xf32, #tpu.memory_space<vmem>>)
    %dma_start3A_41 = arith.constant 2 : i32
    %dma_start3A_42 = arith.constant 160 : i32
    %dma_start3A_43 = arith.constant 0 : i32
    %dma_start3A_44 = tpu.memref_slice %arg6[%dma_start3A_42, %dma_start3A_43] : memref<320x16xf32, #tpu.memory_space<vmem>> -> memref<80x16xf32, #tpu.memory_space<vmem>>
    %dma_start3A_45 = arith.constant 0 : i32
    %dma_start3A_46 = tpu.memref_slice %arg5[%dma_start3A_41, %dma_start3A_45] : memref<4x80xi32, #tpu.memory_space<vmem>> -> memref<1x80xi32, #tpu.memory_space<vmem>>
    %dma_start3A_47 = tpu.memref_squeeze %dma_start3A_46 : memref<1x80xi32, #tpu.memory_space<vmem>> -> memref<80xi32, #tpu.memory_space<vmem>>
    %dma_start3A_48 = arith.constant 0 : i32
    %dma_start3A_49 = arith.constant 0 : i32
    %dma_start3A_50 = tpu.memref_slice %arg2[%dma_start3A_48, %dma_start3A_49] : memref<10000x16xf32, #tpu.memory_space<hbm>> -> memref<10000x16xf32, #tpu.memory_space<hbm>>
    tpu.enqueue_indirect_dma source(%dma_start3A_50 : memref<10000x16xf32, #tpu.memory_space<hbm>>) target(%dma_start3A_44 : memref<80x16xf32, #tpu.memory_space<vmem>>) offsets(%dma_start3A_47 : memref<80xi32, #tpu.memory_space<vmem>>) semaphore(%arg7 : memref<!tpu.dma_semaphore, #tpu.memory_space<semaphore_mem>>)
    %dma_wait3A_51 = arith.constant 2 : i32
    %dma_wait3A_52 = arith.constant 160 : i32
    %dma_wait3A_53 = arith.constant 0 : i32
    %dma_wait3A_54 = tpu.memref_slice %arg6[%dma_wait3A_52, %dma_wait3A_53] : memref<320x16xf32, #tpu.memory_space<vmem>> -> memref<80x16xf32, #tpu.memory_space<vmem>>
    %dma_wait3A_55 = arith.constant 0 : i32
    %dma_wait3A_56 = tpu.memref_slice %arg5[%dma_wait3A_51, %dma_wait3A_55] : memref<4x80xi32, #tpu.memory_space<vmem>> -> memref<1x80xi32, #tpu.memory_space<vmem>>
    %dma_wait3A_57 = tpu.memref_squeeze %dma_wait3A_56 : memref<1x80xi32, #tpu.memory_space<vmem>> -> memref<80xi32, #tpu.memory_space<vmem>>
    %dma_wait3A_58 = arith.constant 0 : i32
    %dma_wait3A_59 = arith.constant 0 : i32
    %dma_wait3A_60 = tpu.memref_slice %arg2[%dma_wait3A_58, %dma_wait3A_59] : memref<10000x16xf32, #tpu.memory_space<hbm>> -> memref<10000x16xf32, #tpu.memory_space<hbm>>
    tpu.wait_indirect_dma semaphore(%arg7 : memref<!tpu.dma_semaphore, #tpu.memory_space<semaphore_mem>>) src(%dma_wait3A_60 : memref<10000x16xf32, #tpu.memory_space<hbm>>) dst(%dma_wait3A_54 : memref<80x16xf32, #tpu.memory_space<vmem>>)
    %dma_start3A_61 = arith.constant 3 : i32
    %dma_start3A_62 = arith.constant 240 : i32
    %dma_start3A_63 = arith.constant 0 : i32
    %dma_start3A_64 = tpu.memref_slice %arg6[%dma_start3A_62, %dma_start3A_63] : memref<320x16xf32, #tpu.memory_space<vmem>> -> memref<80x16xf32, #tpu.memory_space<vmem>>
    %dma_start3A_65 = arith.constant 0 : i32
    %dma_start3A_66 = tpu.memref_slice %arg5[%dma_start3A_61, %dma_start3A_65] : memref<4x80xi32, #tpu.memory_space<vmem>> -> memref<1x80xi32, #tpu.memory_space<vmem>>
    %dma_start3A_67 = tpu.memref_squeeze %dma_start3A_66 : memref<1x80xi32, #tpu.memory_space<vmem>> -> memref<80xi32, #tpu.memory_space<vmem>>
    %dma_start3A_68 = arith.constant 0 : i32
    %dma_start3A_69 = arith.constant 0 : i32
    %dma_start3A_70 = tpu.memref_slice %arg2[%dma_start3A_68, %dma_start3A_69] : memref<10000x16xf32, #tpu.memory_space<hbm>> -> memref<10000x16xf32, #tpu.memory_space<hbm>>
    tpu.enqueue_indirect_dma source(%dma_start3A_70 : memref<10000x16xf32, #tpu.memory_space<hbm>>) target(%dma_start3A_64 : memref<80x16xf32, #tpu.memory_space<vmem>>) offsets(%dma_start3A_67 : memref<80xi32, #tpu.memory_space<vmem>>) semaphore(%arg7 : memref<!tpu.dma_semaphore, #tpu.memory_space<semaphore_mem>>)
    %dma_wait3A_71 = arith.constant 3 : i32
    %dma_wait3A_72 = arith.constant 240 : i32
    %dma_wait3A_73 = arith.constant 0 : i32
    %dma_wait3A_74 = tpu.memref_slice %arg6[%dma_wait3A_72, %dma_wait3A_73] : memref<320x16xf32, #tpu.memory_space<vmem>> -> memref<80x16xf32, #tpu.memory_space<vmem>>
    %dma_wait3A_75 = arith.constant 0 : i32
    %dma_wait3A_76 = tpu.memref_slice %arg5[%dma_wait3A_71, %dma_wait3A_75] : memref<4x80xi32, #tpu.memory_space<vmem>> -> memref<1x80xi32, #tpu.memory_space<vmem>>
    %dma_wait3A_77 = tpu.memref_squeeze %dma_wait3A_76 : memref<1x80xi32, #tpu.memory_space<vmem>> -> memref<80xi32, #tpu.memory_space<vmem>>
    %dma_wait3A_78 = arith.constant 0 : i32
    %dma_wait3A_79 = arith.constant 0 : i32
    %dma_wait3A_80 = tpu.memref_slice %arg2[%dma_wait3A_78, %dma_wait3A_79] : memref<10000x16xf32, #tpu.memory_space<hbm>> -> memref<10000x16xf32, #tpu.memory_space<hbm>>
    tpu.wait_indirect_dma semaphore(%arg7 : memref<!tpu.dma_semaphore, #tpu.memory_space<semaphore_mem>>) src(%dma_wait3A_80 : memref<10000x16xf32, #tpu.memory_space<hbm>>) dst(%dma_wait3A_74 : memref<80x16xf32, #tpu.memory_space<vmem>>)
    %mul3A_81 = arith.constant 320 : i32
    %mul3A_82 = arith.muli %add3A, %mul3A_81 : i32
    "tpu.region"() ({
      %run_scoped3A = tpu.sem_alloc : memref<!tpu.dma_semaphore, #tpu.memory_space<semaphore_mem>>
      %dma_start3A_83 = arith.constant 0 : i32
      %dma_start3A_84 = tpu.memref_slice %arg4[%mul3A_82, %dma_start3A_83] : memref<10240x16xf32, #tpu.memory_space<hbm>> -> memref<320x16xf32, #tpu.memory_space<hbm>>
      %dma_start3A_85 = arith.constant 0 : i32
      %dma_start3A_86 = tpu.memref_slice %arg4[%mul3A_82, %dma_start3A_85] : memref<10240x16xf32, #tpu.memory_space<hbm>> -> memref<320x16xf32, #tpu.memory_space<hbm>>
      tpu.enqueue_dma source(%arg6 : memref<320x16xf32, #tpu.memory_space<vmem>>) target(%dma_start3A_86 : memref<320x16xf32, #tpu.memory_space<hbm>>) target_semaphore(%run_scoped3A : memref<!tpu.dma_semaphore, #tpu.memory_space<semaphore_mem>>)
      %dma_wait3A_87 = arith.constant 0 : i32
      %dma_wait3A_88 = tpu.memref_slice %arg4[%mul3A_82, %dma_wait3A_87] : memref<10240x16xf32, #tpu.memory_space<hbm>> -> memref<320x16xf32, #tpu.memory_space<hbm>>
      %dma_wait3A_89 = arith.constant 0 : i32
      %dma_wait3A_90 = tpu.memref_slice %arg4[%mul3A_82, %dma_wait3A_89] : memref<10240x16xf32, #tpu.memory_space<hbm>> -> memref<320x16xf32, #tpu.memory_space<hbm>>
      tpu.wait_dma2 semaphore(%run_scoped3A : memref<!tpu.dma_semaphore, #tpu.memory_space<semaphore_mem>>) src(%arg6 : memref<320x16xf32, #tpu.memory_space<vmem>>) dst(%dma_wait3A_90 : memref<320x16xf32, #tpu.memory_space<hbm>>)
      tpu.yield
    }) : () -> ()
    return
  }
}

module attributes {stable_mosaic.version = 14 : i64} {
  func.func @_fps_body(%arg0: memref<10000x3xf32, #tpu.memory_space<vmem>>, %arg1: memref<10000x3xf32, #tpu.memory_space<vmem>>, %arg2: memref<240x128xf32, #tpu.memory_space<vmem>>, %arg3: memref<313x3xf32, #tpu.memory_space<vmem>>, %arg4: memref<313x3xf32, #tpu.memory_space<vmem>>) attributes {dimension_semantics = [], scalar_prefetch = 0 : i64, scratch_operands = 0 : i64, tpu.core_type = #tpu.core_type<tc>} {
    %get3A = arith.constant 0 : index
    %get3A_0 = arith.constant 0 : index
    %get3A_1 = vector.load %arg2[%get3A, %get3A_0] : memref<240x128xf32, #tpu.memory_space<vmem>>, vector<80x128xf32>
    %get3A_2 = arith.constant 80 : index
    %get3A_3 = arith.constant 0 : index
    %get3A_4 = vector.load %arg2[%get3A_2, %get3A_3] : memref<240x128xf32, #tpu.memory_space<vmem>>, vector<80x128xf32>
    %get3A_5 = arith.constant 160 : index
    %get3A_6 = arith.constant 0 : index
    %get3A_7 = vector.load %arg2[%get3A_5, %get3A_6] : memref<240x128xf32, #tpu.memory_space<vmem>>, vector<80x128xf32>
    %get3A_8 = arith.constant 0 : index
    %get3A_9 = arith.constant 0 : index
    %get3A_10 = vector.load %arg0[%get3A_8, %get3A_9] : memref<10000x3xf32, #tpu.memory_space<vmem>>, vector<1x3xf32>
    %swap3A = arith.constant 0 : index
    %swap3A_11 = arith.constant 0 : index
    %swap3A_12 = vector.load %arg3[%swap3A, %swap3A_11] : memref<313x3xf32, #tpu.memory_space<vmem>>, vector<1x3xf32>
    tpu.vector_store %arg3[%swap3A, %swap3A_11], %get3A_10 {strides = array<i32>} : memref<313x3xf32, #tpu.memory_space<vmem>>, vector<1x3xf32>,
    %get3A_13 = arith.constant 0 : index
    %get3A_14 = arith.constant 0 : index
    %get3A_15 = vector.load %arg1[%get3A_13, %get3A_14] : memref<10000x3xf32, #tpu.memory_space<vmem>>, vector<1x3xf32>
    %swap3A_16 = arith.constant 0 : index
    %swap3A_17 = arith.constant 0 : index
    %swap3A_18 = vector.load %arg4[%swap3A_16, %swap3A_17] : memref<313x3xf32, #tpu.memory_space<vmem>>, vector<1x3xf32>
    tpu.vector_store %arg4[%swap3A_16, %swap3A_17], %get3A_15 {strides = array<i32>} : memref<313x3xf32, #tpu.memory_space<vmem>>, vector<1x3xf32>,
    %get3A_19 = arith.constant 0 : index
    %get3A_20 = arith.constant 0 : index
    %get3A_21 = vector.load %arg0[%get3A_19, %get3A_20] : memref<10000x3xf32, #tpu.memory_space<vmem>>, vector<1x3xf32>
    %slice3A = vector.extract_strided_slice %get3A_21 {offsets = [0, 0], sizes = [1, 1], strides = [1, 1]} : vector<1x3xf32> to vector<1x1xf32>
    %reduce_sum3A = vector.shape_cast %slice3A : vector<1x1xf32> to vector<1x1x1xf32>
    %reduce_sum3A_22 = arith.constant dense<0.000000e+00> : vector<1xf32>
    %reduce_sum3A_23 = vector.multi_reduction <add>, %reduce_sum3A, %reduce_sum3A_22 [1, 2] : vector<1x1x1xf32> to vector<1xf32>
    %reduce_sum3A_24 = vector.shape_cast %reduce_sum3A_23 : vector<1xf32> to vector<1x1x1xf32>
    %reduce_sum3A_25 = vector.extract %reduce_sum3A_24[0, 0, 0] : f32 from vector<1x1x1xf32>
    %slice3A_26 = vector.extract_strided_slice %get3A_21 {offsets = [0, 1], sizes = [1, 1], strides = [1, 1]} : vector<1x3xf32> to vector<1x1xf32>
    %reduce_sum3A_27 = vector.shape_cast %slice3A_26 : vector<1x1xf32> to vector<1x1x1xf32>
    %reduce_sum3A_28 = arith.constant dense<0.000000e+00> : vector<1xf32>
    %reduce_sum3A_29 = vector.multi_reduction <add>, %reduce_sum3A_27, %reduce_sum3A_28 [1, 2] : vector<1x1x1xf32> to vector<1xf32>
    %reduce_sum3A_30 = vector.shape_cast %reduce_sum3A_29 : vector<1xf32> to vector<1x1x1xf32>
    %reduce_sum3A_31 = vector.extract %reduce_sum3A_30[0, 0, 0] : f32 from vector<1x1x1xf32>
    %slice3A_32 = vector.extract_strided_slice %get3A_21 {offsets = [0, 2], sizes = [1, 1], strides = [1, 1]} : vector<1x3xf32> to vector<1x1xf32>
    %reduce_sum3A_33 = vector.shape_cast %slice3A_32 : vector<1x1xf32> to vector<1x1x1xf32>
    %reduce_sum3A_34 = arith.constant dense<0.000000e+00> : vector<1xf32>
    %reduce_sum3A_35 = vector.multi_reduction <add>, %reduce_sum3A_33, %reduce_sum3A_34 [1, 2] : vector<1x1x1xf32> to vector<1xf32>
    %reduce_sum3A_36 = vector.shape_cast %reduce_sum3A_35 : vector<1xf32> to vector<1x1x1xf32>
    %reduce_sum3A_37 = vector.extract %reduce_sum3A_36[0, 0, 0] : f32 from vector<1x1x1xf32>
    %sub3A = vector.broadcast %reduce_sum3A_25 : f32 to vector<80x128xf32>
    %sub3A_38 = arith.subf %get3A_1, %sub3A : vector<80x128xf32>
    %sub3A_39 = vector.broadcast %reduce_sum3A_31 : f32 to vector<80x128xf32>
    %sub3A_40 = arith.subf %get3A_4, %sub3A_39 : vector<80x128xf32>
    %sub3A_41 = vector.broadcast %reduce_sum3A_37 : f32 to vector<80x128xf32>
    %sub3A_42 = arith.subf %get3A_7, %sub3A_41 : vector<80x128xf32>
    %iota3A = tpu.iota {dimensions = array<i32: 0>} : vector<80x128xi32>
    %mul3A = arith.constant 128 : i32
    %mul3A_43 = vector.broadcast %mul3A : i32 to vector<80x128xi32>
    %mul3A_44 = arith.muli %iota3A, %mul3A_43 : vector<80x128xi32>
    %iota3A_45 = tpu.iota {dimensions = array<i32: 1>} : vector<80x128xi32>
    %add3A = arith.addi %mul3A_44, %iota3A_45 : vector<80x128xi32>
    %lt3A = arith.constant 10000 : i32
    %lt3A_46 = vector.broadcast %lt3A : i32 to vector<80x128xi32>
    %lt3A_47 = arith.cmpi slt, %add3A, %lt3A_46 : vector<80x128xi32>
    %mul3A_48 = arith.mulf %sub3A_38, %sub3A_38 : vector<80x128xf32>
    %mul3A_49 = arith.mulf %sub3A_40, %sub3A_40 : vector<80x128xf32>
    %add3A_50 = arith.addf %mul3A_48, %mul3A_49 : vector<80x128xf32>
    %mul3A_51 = arith.mulf %sub3A_42, %sub3A_42 : vector<80x128xf32>
    %add3A_52 = arith.addf %add3A_50, %mul3A_51 : vector<80x128xf32>
    %jit3A = arith.constant 0xFF800000 : f32
    %broadcast_in_dim3A = vector.broadcast %jit3A : f32 to vector<80x128xf32>
    %select_n3A = arith.select %lt3A_47, %add3A_52, %broadcast_in_dim3A : vector<80x128xi1>, vector<80x128xf32>
    %scan3A = arith.constant 0xFF800000 : f32
    %scan3A_53 = arith.constant 1 : i32
    %scan3A_54 = arith.constant 312 : i32
    %scan3A_55 = arith.addi %scan3A_53, %scan3A_54 : i32
    %scan3A_56 = arith.constant 1 : i32
    %scan3A_57 = scf.for %scan3A_59 = %scan3A_53 to %scan3A_55 step %scan3A_56 iter_args(%scan3A_60 = %select_n3A) -> (vector<80x128xf32>)  : i32 {
      %reduce_max3A = vector.shape_cast %scan3A_60 : vector<80x128xf32> to vector<1x80x128xf32>
      %reduce_max3A_61 = arith.constant dense<0xFF800000> : vector<1xf32>
      %reduce_max3A_62 = vector.multi_reduction <maximumf>, %reduce_max3A, %reduce_max3A_61 [1, 2] : vector<1x80x128xf32> to vector<1xf32>
      %reduce_max3A_63 = vector.shape_cast %reduce_max3A_62 : vector<1xf32> to vector<1x1x1xf32>
      %reduce_max3A_64 = vector.extract %reduce_max3A_63[0, 0, 0] : f32 from vector<1x1x1xf32>
      %eq3A = vector.broadcast %reduce_max3A_64 : f32 to vector<80x128xf32>
      %eq3A_65 = arith.cmpf oeq, %scan3A_60, %eq3A : vector<80x128xf32>
      %jit3A_66 = arith.constant 10000 : i32
      %broadcast_in_dim3A_67 = vector.broadcast %jit3A_66 : i32 to vector<80x128xi32>
      %select_n3A_68 = arith.select %eq3A_65, %add3A, %broadcast_in_dim3A_67 : vector<80x128xi1>, vector<80x128xi32>
      %reduce_min3A = vector.shape_cast %select_n3A_68 : vector<80x128xi32> to vector<1x80x128xi32>
      %reduce_min3A_69 = arith.constant dense<2147483647> : vector<1xi32>
      %reduce_min3A_70 = vector.multi_reduction <minsi>, %reduce_min3A, %reduce_min3A_69 [1, 2] : vector<1x80x128xi32> to vector<1xi32>
      %reduce_min3A_71 = vector.shape_cast %reduce_min3A_70 : vector<1xi32> to vector<1x1x1xi32>
      %reduce_min3A_72 = vector.extract %reduce_min3A_71[0, 0, 0] : i32 from vector<1x1x1xi32>
      %get3A_73 = arith.index_cast %reduce_min3A_72 : i32 to index
      %get3A_74 = arith.constant 0 : index
      %get3A_75 = vector.load %arg0[%get3A_73, %get3A_74] : memref<10000x3xf32, #tpu.memory_space<vmem>>, vector<1x3xf32>
      %swap3A_76 = arith.index_cast %scan3A_59 : i32 to index
      %swap3A_77 = arith.constant 0 : index
      %swap3A_78 = vector.load %arg3[%swap3A_76, %swap3A_77] : memref<313x3xf32, #tpu.memory_space<vmem>>, vector<1x3xf32>
      tpu.vector_store %arg3[%swap3A_76, %swap3A_77], %get3A_75 {strides = array<i32>} : memref<313x3xf32, #tpu.memory_space<vmem>>, vector<1x3xf32>,
      %get3A_79 = arith.index_cast %reduce_min3A_72 : i32 to index
      %get3A_80 = arith.constant 0 : index
      %get3A_81 = vector.load %arg1[%get3A_79, %get3A_80] : memref<10000x3xf32, #tpu.memory_space<vmem>>, vector<1x3xf32>
      %swap3A_82 = arith.index_cast %scan3A_59 : i32 to index
      %swap3A_83 = arith.constant 0 : index
      %swap3A_84 = vector.load %arg4[%swap3A_82, %swap3A_83] : memref<313x3xf32, #tpu.memory_space<vmem>>, vector<1x3xf32>
      tpu.vector_store %arg4[%swap3A_82, %swap3A_83], %get3A_81 {strides = array<i32>} : memref<313x3xf32, #tpu.memory_space<vmem>>, vector<1x3xf32>,
      %broadcast_in_dim3A_85 = vector.broadcast %scan3A : f32 to vector<80x128xf32>
      %select_n3A_86 = arith.select %eq3A_65, %get3A_1, %broadcast_in_dim3A_85 : vector<80x128xi1>, vector<80x128xf32>
      %reduce_max3A_87 = vector.shape_cast %select_n3A_86 : vector<80x128xf32> to vector<1x80x128xf32>
      %reduce_max3A_88 = arith.constant dense<0xFF800000> : vector<1xf32>
      %reduce_max3A_89 = vector.multi_reduction <maximumf>, %reduce_max3A_87, %reduce_max3A_88 [1, 2] : vector<1x80x128xf32> to vector<1xf32>
      %reduce_max3A_90 = vector.shape_cast %reduce_max3A_89 : vector<1xf32> to vector<1x1x1xf32>
      %reduce_max3A_91 = vector.extract %reduce_max3A_90[0, 0, 0] : f32 from vector<1x1x1xf32>
      %broadcast_in_dim3A_92 = vector.broadcast %scan3A : f32 to vector<80x128xf32>
      %select_n3A_93 = arith.select %eq3A_65, %get3A_4, %broadcast_in_dim3A_92 : vector<80x128xi1>, vector<80x128xf32>
      %reduce_max3A_94 = vector.shape_cast %select_n3A_93 : vector<80x128xf32> to vector<1x80x128xf32>
      %reduce_max3A_95 = arith.constant dense<0xFF800000> : vector<1xf32>
      %reduce_max3A_96 = vector.multi_reduction <maximumf>, %reduce_max3A_94, %reduce_max3A_95 [1, 2] : vector<1x80x128xf32> to vector<1xf32>
      %reduce_max3A_97 = vector.shape_cast %reduce_max3A_96 : vector<1xf32> to vector<1x1x1xf32>
      %reduce_max3A_98 = vector.extract %reduce_max3A_97[0, 0, 0] : f32 from vector<1x1x1xf32>
      %broadcast_in_dim3A_99 = vector.broadcast %scan3A : f32 to vector<80x128xf32>
      %select_n3A_100 = arith.select %eq3A_65, %get3A_7, %broadcast_in_dim3A_99 : vector<80x128xi1>, vector<80x128xf32>
      %reduce_max3A_101 = vector.shape_cast %select_n3A_100 : vector<80x128xf32> to vector<1x80x128xf32>
      %reduce_max3A_102 = arith.constant dense<0xFF800000> : vector<1xf32>
      %reduce_max3A_103 = vector.multi_reduction <maximumf>, %reduce_max3A_101, %reduce_max3A_102 [1, 2] : vector<1x80x128xf32> to vector<1xf32>
      %reduce_max3A_104 = vector.shape_cast %reduce_max3A_103 : vector<1xf32> to vector<1x1x1xf32>
      %reduce_max3A_105 = vector.extract %reduce_max3A_104[0, 0, 0] : f32 from vector<1x1x1xf32>
      %sub3A_106 = vector.broadcast %reduce_max3A_91 : f32 to vector<80x128xf32>
      %sub3A_107 = arith.subf %get3A_1, %sub3A_106 : vector<80x128xf32>
      %sub3A_108 = vector.broadcast %reduce_max3A_98 : f32 to vector<80x128xf32>
      %sub3A_109 = arith.subf %get3A_4, %sub3A_108 : vector<80x128xf32>
      %sub3A_110 = vector.broadcast %reduce_max3A_105 : f32 to vector<80x128xf32>
      %sub3A_111 = arith.subf %get3A_7, %sub3A_110 : vector<80x128xf32>
      %mul3A_112 = arith.mulf %sub3A_107, %sub3A_107 : vector<80x128xf32>
      %mul3A_113 = arith.mulf %sub3A_109, %sub3A_109 : vector<80x128xf32>
      %add3A_114 = arith.addf %mul3A_112, %mul3A_113 : vector<80x128xf32>
      %mul3A_115 = arith.mulf %sub3A_111, %sub3A_111 : vector<80x128xf32>
      %add3A_116 = arith.addf %add3A_114, %mul3A_115 : vector<80x128xf32>
      %min3A = arith.minimumf %scan3A_60, %add3A_116 : vector<80x128xf32>
      scf.yield %min3A : vector<80x128xf32>
    }
    %scan3A_58 = arith.constant 312 : i32
    return
  }
}

module attributes {stable_mosaic.version = 14 : i64} {
  func.func @_topk_body(%arg0: i32, %arg1: memref<32x3xf32, #tpu.memory_space<vmem>>, %arg2: memref<240x128xf32, #tpu.memory_space<vmem>>, %arg3: memref<32x32xi32, #tpu.memory_space<vmem>>) attributes {dimension_semantics = [#tpu.dimension_semantics<arbitrary>], iteration_bounds = array<i64: 10>, scalar_prefetch = 0 : i64, scratch_operands = 0 : i64, tpu.core_type = #tpu.core_type<tc>, window_params = [{transform_indices = @transform_0, window_bounds = array<i64: 32, 3>}, {pipeline_mode = #tpu.pipeline_mode<synchronous>, transform_indices = @transform_1, window_bounds = array<i64: 240, 128>}, {transform_indices = @transform_2, window_bounds = array<i64: 32, 32>}]} {
    %get3A = arith.constant 0 : index
    %get3A_0 = arith.constant 0 : index
    %get3A_1 = vector.load %arg2[%get3A, %get3A_0] : memref<240x128xf32, #tpu.memory_space<vmem>>, vector<80x128xf32>
    %broadcast_in_dim3A = vector.shape_cast %get3A_1 : vector<80x128xf32> to vector<1x80x128xf32>
    %get3A_2 = arith.constant 80 : index
    %get3A_3 = arith.constant 0 : index
    %get3A_4 = vector.load %arg2[%get3A_2, %get3A_3] : memref<240x128xf32, #tpu.memory_space<vmem>>, vector<80x128xf32>
    %broadcast_in_dim3A_5 = vector.shape_cast %get3A_4 : vector<80x128xf32> to vector<1x80x128xf32>
    %get3A_6 = arith.constant 160 : index
    %get3A_7 = arith.constant 0 : index
    %get3A_8 = vector.load %arg2[%get3A_6, %get3A_7] : memref<240x128xf32, #tpu.memory_space<vmem>>, vector<80x128xf32>
    %broadcast_in_dim3A_9 = vector.shape_cast %get3A_8 : vector<80x128xf32> to vector<1x80x128xf32>
    %get3A_10 = arith.constant 0 : index
    %get3A_11 = arith.constant 0 : index
    %get3A_12 = vector.load %arg1[%get3A_10, %get3A_11] : memref<32x3xf32, #tpu.memory_space<vmem>>, vector<32x1xf32>
    %broadcast_in_dim3A_13 = vector.shape_cast %get3A_12 : vector<32x1xf32> to vector<32x1x1xf32>
    %get3A_14 = arith.constant 0 : index
    %get3A_15 = arith.constant 1 : index
    %get3A_16 = vector.load %arg1[%get3A_14, %get3A_15] : memref<32x3xf32, #tpu.memory_space<vmem>>, vector<32x1xf32>
    %broadcast_in_dim3A_17 = vector.shape_cast %get3A_16 : vector<32x1xf32> to vector<32x1x1xf32>
    %get3A_18 = arith.constant 0 : index
    %get3A_19 = arith.constant 2 : index
    %get3A_20 = vector.load %arg1[%get3A_18, %get3A_19] : memref<32x3xf32, #tpu.memory_space<vmem>>, vector<32x1xf32>
    %broadcast_in_dim3A_21 = vector.shape_cast %get3A_20 : vector<32x1xf32> to vector<32x1x1xf32>
    %iota3A = tpu.iota {dimensions = array<i32: 1>} : vector<32x80x128xi32>
    %iota3A_22 = tpu.iota {dimensions = array<i32: 2>} : vector<32x80x128xi32>
    %mul3A = arith.constant 128 : i32
    %mul3A_23 = vector.broadcast %mul3A : i32 to vector<32x80x128xi32>
    %mul3A_24 = arith.muli %iota3A, %mul3A_23 : vector<32x80x128xi32>
    %add3A = arith.addi %mul3A_24, %iota3A_22 : vector<32x80x128xi32>
    %iota3A_25 = tpu.iota {dimensions = array<i32: 2>} : vector<32x1x128xi32>
    %sub3A = vector.broadcast %broadcast_in_dim3A_13 : vector<32x1x1xf32> to vector<32x80x128xf32>
    %sub3A_26 = vector.broadcast %broadcast_in_dim3A : vector<1x80x128xf32> to vector<32x80x128xf32>
    %sub3A_27 = arith.subf %sub3A, %sub3A_26 : vector<32x80x128xf32>
    %sub3A_28 = vector.broadcast %broadcast_in_dim3A_17 : vector<32x1x1xf32> to vector<32x80x128xf32>
    %sub3A_29 = vector.broadcast %broadcast_in_dim3A_5 : vector<1x80x128xf32> to vector<32x80x128xf32>
    %sub3A_30 = arith.subf %sub3A_28, %sub3A_29 : vector<32x80x128xf32>
    %sub3A_31 = vector.broadcast %broadcast_in_dim3A_21 : vector<32x1x1xf32> to vector<32x80x128xf32>
    %sub3A_32 = vector.broadcast %broadcast_in_dim3A_9 : vector<1x80x128xf32> to vector<32x80x128xf32>
    %sub3A_33 = arith.subf %sub3A_31, %sub3A_32 : vector<32x80x128xf32>
    %mul3A_34 = arith.mulf %sub3A_27, %sub3A_27 : vector<32x80x128xf32>
    %mul3A_35 = arith.mulf %sub3A_30, %sub3A_30 : vector<32x80x128xf32>
    %add3A_36 = arith.addf %mul3A_34, %mul3A_35 : vector<32x80x128xf32>
    %mul3A_37 = arith.mulf %sub3A_33, %sub3A_33 : vector<32x80x128xf32>
    %add3A_38 = arith.addf %add3A_36, %mul3A_37 : vector<32x80x128xf32>
    %reduce_min3A = arith.constant dense<0x7F800000> : vector<32x128xf32>
    %reduce_min3A_39 = vector.multi_reduction <minimumf>, %add3A_38, %reduce_min3A [1] : vector<32x80x128xf32> to vector<32x128xf32>
    %broadcast_in_dim3A_40 = vector.shape_cast %reduce_min3A_39 : vector<32x128xf32> to vector<32x1x128xf32>
    %eq3A = vector.broadcast %broadcast_in_dim3A_40 : vector<32x1x128xf32> to vector<32x80x128xf32>
    %eq3A_41 = arith.cmpf oeq, %add3A_38, %eq3A : vector<32x80x128xf32>
    %jit3A = arith.constant 80 : i32
    %broadcast_in_dim3A_42 = vector.broadcast %jit3A : i32 to vector<32x80x128xi32>
    %select_n3A = arith.select %eq3A_41, %iota3A, %broadcast_in_dim3A_42 : vector<32x80x128xi1>, vector<32x80x128xi32>
    %reduce_min3A_43 = arith.constant dense<2147483647> : vector<32x128xi32>
    %reduce_min3A_44 = vector.multi_reduction <minsi>, %select_n3A, %reduce_min3A_43 [1] : vector<32x80x128xi32> to vector<32x128xi32>
    %broadcast_in_dim3A_45 = vector.shape_cast %reduce_min3A_44 : vector<32x128xi32> to vector<32x1x128xi32>
    %mul3A_46 = arith.constant 128 : i32
    %mul3A_47 = vector.broadcast %mul3A_46 : i32 to vector<32x1x128xi32>
    %mul3A_48 = arith.muli %broadcast_in_dim3A_45, %mul3A_47 : vector<32x1x128xi32>
    %add3A_49 = arith.addi %mul3A_48, %iota3A_25 : vector<32x1x128xi32>
    %jit3A_50 = arith.constant 0x7F800000 : f32
    %broadcast_in_dim3A_51 = vector.broadcast %jit3A_50 : f32 to vector<32x80x128xf32>
    %select_n3A_52 = arith.select %eq3A_41, %broadcast_in_dim3A_51, %add3A_38 : vector<32x80x128xi1>, vector<32x80x128xf32>
    %reduce_min3A_53 = arith.constant dense<0x7F800000> : vector<32x128xf32>
    %reduce_min3A_54 = vector.multi_reduction <minimumf>, %select_n3A_52, %reduce_min3A_53 [1] : vector<32x80x128xf32> to vector<32x128xf32>
    %broadcast_in_dim3A_55 = vector.shape_cast %reduce_min3A_54 : vector<32x128xf32> to vector<32x1x128xf32>
    %eq3A_56 = vector.broadcast %broadcast_in_dim3A_55 : vector<32x1x128xf32> to vector<32x80x128xf32>
    %eq3A_57 = arith.cmpf oeq, %select_n3A_52, %eq3A_56 : vector<32x80x128xf32>
    %jit3A_58 = arith.constant 80 : i32
    %broadcast_in_dim3A_59 = vector.broadcast %jit3A_58 : i32 to vector<32x80x128xi32>
    %select_n3A_60 = arith.select %eq3A_57, %iota3A, %broadcast_in_dim3A_59 : vector<32x80x128xi1>, vector<32x80x128xi32>
    %reduce_min3A_61 = arith.constant dense<2147483647> : vector<32x128xi32>
    %reduce_min3A_62 = vector.multi_reduction <minsi>, %select_n3A_60, %reduce_min3A_61 [1] : vector<32x80x128xi32> to vector<32x128xi32>
    %broadcast_in_dim3A_63 = vector.shape_cast %reduce_min3A_62 : vector<32x128xi32> to vector<32x1x128xi32>
    %mul3A_64 = arith.constant 128 : i32
    %mul3A_65 = vector.broadcast %mul3A_64 : i32 to vector<32x1x128xi32>
    %mul3A_66 = arith.muli %broadcast_in_dim3A_63, %mul3A_65 : vector<32x1x128xi32>
    %add3A_67 = arith.addi %mul3A_66, %iota3A_25 : vector<32x1x128xi32>
    %jit3A_68 = arith.constant 0x7F800000 : f32
    %broadcast_in_dim3A_69 = vector.broadcast %jit3A_68 : f32 to vector<32x80x128xf32>
    %select_n3A_70 = arith.select %eq3A_57, %broadcast_in_dim3A_69, %select_n3A_52 : vector<32x80x128xi1>, vector<32x80x128xf32>
    %reduce_min3A_71 = arith.constant dense<0x7F800000> : vector<32x128xf32>
    %reduce_min3A_72 = vector.multi_reduction <minimumf>, %select_n3A_70, %reduce_min3A_71 [1] : vector<32x80x128xf32> to vector<32x128xf32>
    %broadcast_in_dim3A_73 = vector.shape_cast %reduce_min3A_72 : vector<32x128xf32> to vector<32x1x128xf32>
    %eq3A_74 = vector.broadcast %broadcast_in_dim3A_73 : vector<32x1x128xf32> to vector<32x80x128xf32>
    %eq3A_75 = arith.cmpf oeq, %select_n3A_70, %eq3A_74 : vector<32x80x128xf32>
    %jit3A_76 = arith.constant 80 : i32
    %broadcast_in_dim3A_77 = vector.broadcast %jit3A_76 : i32 to vector<32x80x128xi32>
    %select_n3A_78 = arith.select %eq3A_75, %iota3A, %broadcast_in_dim3A_77 : vector<32x80x128xi1>, vector<32x80x128xi32>
    %reduce_min3A_79 = arith.constant dense<2147483647> : vector<32x128xi32>
    %reduce_min3A_80 = vector.multi_reduction <minsi>, %select_n3A_78, %reduce_min3A_79 [1] : vector<32x80x128xi32> to vector<32x128xi32>
    %broadcast_in_dim3A_81 = vector.shape_cast %reduce_min3A_80 : vector<32x128xi32> to vector<32x1x128xi32>
    %mul3A_82 = arith.constant 128 : i32
    %mul3A_83 = vector.broadcast %mul3A_82 : i32 to vector<32x1x128xi32>
    %mul3A_84 = arith.muli %broadcast_in_dim3A_81, %mul3A_83 : vector<32x1x128xi32>
    %add3A_85 = arith.addi %mul3A_84, %iota3A_25 : vector<32x1x128xi32>
    %jit3A_86 = arith.constant 0x7F800000 : f32
    %broadcast_in_dim3A_87 = vector.broadcast %jit3A_86 : f32 to vector<32x80x128xf32>
    %select_n3A_88 = arith.select %eq3A_75, %broadcast_in_dim3A_87, %select_n3A_70 : vector<32x80x128xi1>, vector<32x80x128xf32>
    %reduce_min3A_89 = arith.constant dense<0x7F800000> : vector<32x128xf32>
    %reduce_min3A_90 = vector.multi_reduction <minimumf>, %select_n3A_88, %reduce_min3A_89 [1] : vector<32x80x128xf32> to vector<32x128xf32>
    %broadcast_in_dim3A_91 = vector.shape_cast %reduce_min3A_90 : vector<32x128xf32> to vector<32x1x128xf32>
    %eq3A_92 = vector.broadcast %broadcast_in_dim3A_91 : vector<32x1x128xf32> to vector<32x80x128xf32>
    %eq3A_93 = arith.cmpf oeq, %select_n3A_88, %eq3A_92 : vector<32x80x128xf32>
    %jit3A_94 = arith.constant 80 : i32
    %broadcast_in_dim3A_95 = vector.broadcast %jit3A_94 : i32 to vector<32x80x128xi32>
    %select_n3A_96 = arith.select %eq3A_93, %iota3A, %broadcast_in_dim3A_95 : vector<32x80x128xi1>, vector<32x80x128xi32>
    %reduce_min3A_97 = arith.constant dense<2147483647> : vector<32x128xi32>
    %reduce_min3A_98 = vector.multi_reduction <minsi>, %select_n3A_96, %reduce_min3A_97 [1] : vector<32x80x128xi32> to vector<32x128xi32>
    %broadcast_in_dim3A_99 = vector.shape_cast %reduce_min3A_98 : vector<32x128xi32> to vector<32x1x128xi32>
    %mul3A_100 = arith.constant 128 : i32
    %mul3A_101 = vector.broadcast %mul3A_100 : i32 to vector<32x1x128xi32>
    %mul3A_102 = arith.muli %broadcast_in_dim3A_99, %mul3A_101 : vector<32x1x128xi32>
    %add3A_103 = arith.addi %mul3A_102, %iota3A_25 : vector<32x1x128xi32>
    %jit3A_104 = arith.constant 0x7F800000 : f32
    %broadcast_in_dim3A_105 = vector.broadcast %jit3A_104 : f32 to vector<32x80x128xf32>
    %select_n3A_106 = arith.select %eq3A_93, %broadcast_in_dim3A_105, %select_n3A_88 : vector<32x80x128xi1>, vector<32x80x128xf32>
    %reduce_min3A_107 = arith.constant dense<0x7F800000> : vector<32x128xf32>
    %reduce_min3A_108 = vector.multi_reduction <minimumf>, %select_n3A_106, %reduce_min3A_107 [1] : vector<32x80x128xf32> to vector<32x128xf32>
    %broadcast_in_dim3A_109 = vector.shape_cast %reduce_min3A_108 : vector<32x128xf32> to vector<32x1x128xf32>
    %eq3A_110 = vector.broadcast %broadcast_in_dim3A_109 : vector<32x1x128xf32> to vector<32x80x128xf32>
    %eq3A_111 = arith.cmpf oeq, %select_n3A_106, %eq3A_110 : vector<32x80x128xf32>
    %jit3A_112 = arith.constant 80 : i32
    %broadcast_in_dim3A_113 = vector.broadcast %jit3A_112 : i32 to vector<32x80x128xi32>
    %select_n3A_114 = arith.select %eq3A_111, %iota3A, %broadcast_in_dim3A_113 : vector<32x80x128xi1>, vector<32x80x128xi32>
    %reduce_min3A_115 = arith.constant dense<2147483647> : vector<32x128xi32>
    %reduce_min3A_116 = vector.multi_reduction <minsi>, %select_n3A_114, %reduce_min3A_115 [1] : vector<32x80x128xi32> to vector<32x128xi32>
    %broadcast_in_dim3A_117 = vector.shape_cast %reduce_min3A_116 : vector<32x128xi32> to vector<32x1x128xi32>
    %mul3A_118 = arith.constant 128 : i32
    %mul3A_119 = vector.broadcast %mul3A_118 : i32 to vector<32x1x128xi32>
    %mul3A_120 = arith.muli %broadcast_in_dim3A_117, %mul3A_119 : vector<32x1x128xi32>
    %add3A_121 = arith.addi %mul3A_120, %iota3A_25 : vector<32x1x128xi32>
    %jit3A_122 = arith.constant 0x7F800000 : f32
    %broadcast_in_dim3A_123 = vector.broadcast %jit3A_122 : f32 to vector<32x80x128xf32>
    %select_n3A_124 = arith.select %eq3A_111, %broadcast_in_dim3A_123, %select_n3A_106 : vector<32x80x128xi1>, vector<32x80x128xf32>
    %reduce_min3A_125 = arith.constant dense<0x7F800000> : vector<32x128xf32>
    %reduce_min3A_126 = vector.multi_reduction <minimumf>, %select_n3A_124, %reduce_min3A_125 [1] : vector<32x80x128xf32> to vector<32x128xf32>
    %broadcast_in_dim3A_127 = vector.shape_cast %reduce_min3A_126 : vector<32x128xf32> to vector<32x1x128xf32>
    %eq3A_128 = vector.broadcast %broadcast_in_dim3A_127 : vector<32x1x128xf32> to vector<32x80x128xf32>
    %eq3A_129 = arith.cmpf oeq, %select_n3A_124, %eq3A_128 : vector<32x80x128xf32>
    %jit3A_130 = arith.constant 80 : i32
    %broadcast_in_dim3A_131 = vector.broadcast %jit3A_130 : i32 to vector<32x80x128xi32>
    %select_n3A_132 = arith.select %eq3A_129, %iota3A, %broadcast_in_dim3A_131 : vector<32x80x128xi1>, vector<32x80x128xi32>
    %reduce_min3A_133 = arith.constant dense<2147483647> : vector<32x128xi32>
    %reduce_min3A_134 = vector.multi_reduction <minsi>, %select_n3A_132, %reduce_min3A_133 [1] : vector<32x80x128xi32> to vector<32x128xi32>
    %broadcast_in_dim3A_135 = vector.shape_cast %reduce_min3A_134 : vector<32x128xi32> to vector<32x1x128xi32>
    %mul3A_136 = arith.constant 128 : i32
    %mul3A_137 = vector.broadcast %mul3A_136 : i32 to vector<32x1x128xi32>
    %mul3A_138 = arith.muli %broadcast_in_dim3A_135, %mul3A_137 : vector<32x1x128xi32>
    %add3A_139 = arith.addi %mul3A_138, %iota3A_25 : vector<32x1x128xi32>
    %jit3A_140 = arith.constant 0x7F800000 : f32
    %broadcast_in_dim3A_141 = vector.broadcast %jit3A_140 : f32 to vector<32x80x128xf32>
    %select_n3A_142 = arith.select %eq3A_129, %broadcast_in_dim3A_141, %select_n3A_124 : vector<32x80x128xi1>, vector<32x80x128xf32>
    %reduce_min3A_143 = arith.constant dense<0x7F800000> : vector<32x128xf32>
    %reduce_min3A_144 = vector.multi_reduction <minimumf>, %select_n3A_142, %reduce_min3A_143 [1] : vector<32x80x128xf32> to vector<32x128xf32>
    %broadcast_in_dim3A_145 = vector.shape_cast %reduce_min3A_144 : vector<32x128xf32> to vector<32x1x128xf32>
    %eq3A_146 = vector.broadcast %broadcast_in_dim3A_145 : vector<32x1x128xf32> to vector<32x80x128xf32>
    %eq3A_147 = arith.cmpf oeq, %select_n3A_142, %eq3A_146 : vector<32x80x128xf32>
    %jit3A_148 = arith.constant 80 : i32
    %broadcast_in_dim3A_149 = vector.broadcast %jit3A_148 : i32 to vector<32x80x128xi32>
    %select_n3A_150 = arith.select %eq3A_147, %iota3A, %broadcast_in_dim3A_149 : vector<32x80x128xi1>, vector<32x80x128xi32>
    %reduce_min3A_151 = arith.constant dense<2147483647> : vector<32x128xi32>
    %reduce_min3A_152 = vector.multi_reduction <minsi>, %select_n3A_150, %reduce_min3A_151 [1] : vector<32x80x128xi32> to vector<32x128xi32>
    %broadcast_in_dim3A_153 = vector.shape_cast %reduce_min3A_152 : vector<32x128xi32> to vector<32x1x128xi32>
    %mul3A_154 = arith.constant 128 : i32
    %mul3A_155 = vector.broadcast %mul3A_154 : i32 to vector<32x1x128xi32>
    %mul3A_156 = arith.muli %broadcast_in_dim3A_153, %mul3A_155 : vector<32x1x128xi32>
    %add3A_157 = arith.addi %mul3A_156, %iota3A_25 : vector<32x1x128xi32>
    %jit3A_158 = arith.constant 0x7F800000 : f32
    %broadcast_in_dim3A_159 = vector.broadcast %jit3A_158 : f32 to vector<32x80x128xf32>
    %select_n3A_160 = arith.select %eq3A_147, %broadcast_in_dim3A_159, %select_n3A_142 : vector<32x80x128xi1>, vector<32x80x128xf32>
    %reduce_min3A_161 = arith.constant dense<0x7F800000> : vector<32x128xf32>
    %reduce_min3A_162 = vector.multi_reduction <minimumf>, %select_n3A_160, %reduce_min3A_161 [1] : vector<32x80x128xf32> to vector<32x128xf32>
    %broadcast_in_dim3A_163 = vector.shape_cast %reduce_min3A_162 : vector<32x128xf32> to vector<32x1x128xf32>
    %eq3A_164 = vector.broadcast %broadcast_in_dim3A_163 : vector<32x1x128xf32> to vector<32x80x128xf32>
    %eq3A_165 = arith.cmpf oeq, %select_n3A_160, %eq3A_164 : vector<32x80x128xf32>
    %jit3A_166 = arith.constant 80 : i32
    %broadcast_in_dim3A_167 = vector.broadcast %jit3A_166 : i32 to vector<32x80x128xi32>
    %select_n3A_168 = arith.select %eq3A_165, %iota3A, %broadcast_in_dim3A_167 : vector<32x80x128xi1>, vector<32x80x128xi32>
    %reduce_min3A_169 = arith.constant dense<2147483647> : vector<32x128xi32>
    %reduce_min3A_170 = vector.multi_reduction <minsi>, %select_n3A_168, %reduce_min3A_169 [1] : vector<32x80x128xi32> to vector<32x128xi32>
    %broadcast_in_dim3A_171 = vector.shape_cast %reduce_min3A_170 : vector<32x128xi32> to vector<32x1x128xi32>
    %mul3A_172 = arith.constant 128 : i32
    %mul3A_173 = vector.broadcast %mul3A_172 : i32 to vector<32x1x128xi32>
    %mul3A_174 = arith.muli %broadcast_in_dim3A_171, %mul3A_173 : vector<32x1x128xi32>
    %add3A_175 = arith.addi %mul3A_174, %iota3A_25 : vector<32x1x128xi32>
    %concatenate3A = tpu.concatenate %broadcast_in_dim3A_40, %broadcast_in_dim3A_55, %broadcast_in_dim3A_73, %broadcast_in_dim3A_91, %broadcast_in_dim3A_109, %broadcast_in_dim3A_127, %broadcast_in_dim3A_145, %broadcast_in_dim3A_163 in 1 : vector<32x1x128xf32>, vector<32x1x128xf32>, vector<32x1x128xf32>, vector<32x1x128xf32>, vector<32x1x128xf32>, vector<32x1x128xf32>, vector<32x1x128xf32>, vector<32x1x128xf32> -> vector<32x8x128xf32>
    %concatenate3A_176 = tpu.concatenate %add3A_49, %add3A_67, %add3A_85, %add3A_103, %add3A_121, %add3A_139, %add3A_157, %add3A_175 in 1 : vector<32x1x128xi32>, vector<32x1x128xi32>, vector<32x1x128xi32>, vector<32x1x128xi32>, vector<32x1x128xi32>, vector<32x1x128xi32>, vector<32x1x128xi32>, vector<32x1x128xi32> -> vector<32x8x128xi32>
    %reduce_min3A_177 = arith.constant dense<0x7F800000> : vector<32x128xf32>
    %reduce_min3A_178 = vector.multi_reduction <minimumf>, %concatenate3A, %reduce_min3A_177 [1] : vector<32x8x128xf32> to vector<32x128xf32>
    %broadcast_in_dim3A_179 = vector.shape_cast %reduce_min3A_178 : vector<32x128xf32> to vector<32x1x128xf32>
    %reduce_min3A_180 = arith.constant dense<0x7F800000> : vector<32x1xf32>
    %reduce_min3A_181 = vector.multi_reduction <minimumf>, %broadcast_in_dim3A_179, %reduce_min3A_180 [2] : vector<32x1x128xf32> to vector<32x1xf32>
    %broadcast_in_dim3A_182 = vector.shape_cast %reduce_min3A_181 : vector<32x1xf32> to vector<32x1x1xf32>
    %eq3A_183 = vector.broadcast %broadcast_in_dim3A_182 : vector<32x1x1xf32> to vector<32x8x128xf32>
    %eq3A_184 = arith.cmpf oeq, %concatenate3A, %eq3A_183 : vector<32x8x128xf32>
    %jit3A_185 = arith.constant 10240 : i32
    %broadcast_in_dim3A_186 = vector.broadcast %jit3A_185 : i32 to vector<32x8x128xi32>
    %select_n3A_187 = arith.select %eq3A_184, %concatenate3A_176, %broadcast_in_dim3A_186 : vector<32x8x128xi1>, vector<32x8x128xi32>
    %reduce_min3A_188 = arith.constant dense<2147483647> : vector<32x128xi32>
    %reduce_min3A_189 = vector.multi_reduction <minsi>, %select_n3A_187, %reduce_min3A_188 [1] : vector<32x8x128xi32> to vector<32x128xi32>
    %broadcast_in_dim3A_190 = vector.shape_cast %reduce_min3A_189 : vector<32x128xi32> to vector<32x1x128xi32>
    %reduce_min3A_191 = arith.constant dense<2147483647> : vector<32x1xi32>
    %reduce_min3A_192 = vector.multi_reduction <minsi>, %broadcast_in_dim3A_190, %reduce_min3A_191 [2] : vector<32x1x128xi32> to vector<32x1xi32>
    %broadcast_in_dim3A_193 = vector.shape_cast %reduce_min3A_192 : vector<32x1xi32> to vector<32x1x1xi32>
    %squeeze3A = vector.shape_cast %broadcast_in_dim3A_193 : vector<32x1x1xi32> to vector<32x1xi32>
    %eq3A_194 = vector.broadcast %broadcast_in_dim3A_193 : vector<32x1x1xi32> to vector<32x8x128xi32>
    %eq3A_195 = arith.cmpi eq, %concatenate3A_176, %eq3A_194 : vector<32x8x128xi32>
    %and3A = arith.andi %eq3A_184, %eq3A_195 : vector<32x8x128xi1>
    %jit3A_196 = arith.constant 0x7F800000 : f32
    %broadcast_in_dim3A_197 = vector.broadcast %jit3A_196 : f32 to vector<32x8x128xf32>
    %select_n3A_198 = arith.select %and3A, %broadcast_in_dim3A_197, %concatenate3A : vector<32x8x128xi1>, vector<32x8x128xf32>
    %reduce_min3A_199 = arith.constant dense<0x7F800000> : vector<32x128xf32>
    %reduce_min3A_200 = vector.multi_reduction <minimumf>, %select_n3A_198, %reduce_min3A_199 [1] : vector<32x8x128xf32> to vector<32x128xf32>
    %broadcast_in_dim3A_201 = vector.shape_cast %reduce_min3A_200 : vector<32x128xf32> to vector<32x1x128xf32>
    %reduce_min3A_202 = arith.constant dense<0x7F800000> : vector<32x1xf32>
    %reduce_min3A_203 = vector.multi_reduction <minimumf>, %broadcast_in_dim3A_201, %reduce_min3A_202 [2] : vector<32x1x128xf32> to vector<32x1xf32>
    %broadcast_in_dim3A_204 = vector.shape_cast %reduce_min3A_203 : vector<32x1xf32> to vector<32x1x1xf32>
    %eq3A_205 = vector.broadcast %broadcast_in_dim3A_204 : vector<32x1x1xf32> to vector<32x8x128xf32>
    %eq3A_206 = arith.cmpf oeq, %select_n3A_198, %eq3A_205 : vector<32x8x128xf32>
    %jit3A_207 = arith.constant 10240 : i32
    %broadcast_in_dim3A_208 = vector.broadcast %jit3A_207 : i32 to vector<32x8x128xi32>
    %select_n3A_209 = arith.select %eq3A_206, %concatenate3A_176, %broadcast_in_dim3A_208 : vector<32x8x128xi1>, vector<32x8x128xi32>
    %reduce_min3A_210 = arith.constant dense<2147483647> : vector<32x128xi32>
    %reduce_min3A_211 = vector.multi_reduction <minsi>, %select_n3A_209, %reduce_min3A_210 [1] : vector<32x8x128xi32> to vector<32x128xi32>
    %broadcast_in_dim3A_212 = vector.shape_cast %reduce_min3A_211 : vector<32x128xi32> to vector<32x1x128xi32>
    %reduce_min3A_213 = arith.constant dense<2147483647> : vector<32x1xi32>
    %reduce_min3A_214 = vector.multi_reduction <minsi>, %broadcast_in_dim3A_212, %reduce_min3A_213 [2] : vector<32x1x128xi32> to vector<32x1xi32>
    %broadcast_in_dim3A_215 = vector.shape_cast %reduce_min3A_214 : vector<32x1xi32> to vector<32x1x1xi32>
    %squeeze3A_216 = vector.shape_cast %broadcast_in_dim3A_204 : vector<32x1x1xf32> to vector<32x1xf32>
    %squeeze3A_217 = vector.shape_cast %broadcast_in_dim3A_215 : vector<32x1x1xi32> to vector<32x1xi32>
    %eq3A_218 = vector.broadcast %broadcast_in_dim3A_215 : vector<32x1x1xi32> to vector<32x8x128xi32>
    %eq3A_219 = arith.cmpi eq, %concatenate3A_176, %eq3A_218 : vector<32x8x128xi32>
    %and3A_220 = arith.andi %eq3A_206, %eq3A_219 : vector<32x8x128xi1>
    %jit3A_221 = arith.constant 0x7F800000 : f32
    %broadcast_in_dim3A_222 = vector.broadcast %jit3A_221 : f32 to vector<32x8x128xf32>
    %select_n3A_223 = arith.select %and3A_220, %broadcast_in_dim3A_222, %select_n3A_198 : vector<32x8x128xi1>, vector<32x8x128xf32>
    %reduce_min3A_224 = arith.constant dense<0x7F800000> : vector<32x128xf32>
    %reduce_min3A_225 = vector.multi_reduction <minimumf>, %select_n3A_223, %reduce_min3A_224 [1] : vector<32x8x128xf32> to vector<32x128xf32>
    %broadcast_in_dim3A_226 = vector.shape_cast %reduce_min3A_225 : vector<32x128xf32> to vector<32x1x128xf32>
    %reduce_min3A_227 = arith.constant dense<0x7F800000> : vector<32x1xf32>
    %reduce_min3A_228 = vector.multi_reduction <minimumf>, %broadcast_in_dim3A_226, %reduce_min3A_227 [2] : vector<32x1x128xf32> to vector<32x1xf32>
    %broadcast_in_dim3A_229 = vector.shape_cast %reduce_min3A_228 : vector<32x1xf32> to vector<32x1x1xf32>
    %eq3A_230 = vector.broadcast %broadcast_in_dim3A_229 : vector<32x1x1xf32> to vector<32x8x128xf32>
    %eq3A_231 = arith.cmpf oeq, %select_n3A_223, %eq3A_230 : vector<32x8x128xf32>
    %jit3A_232 = arith.constant 10240 : i32
    %broadcast_in_dim3A_233 = vector.broadcast %jit3A_232 : i32 to vector<32x8x128xi32>
    %select_n3A_234 = arith.select %eq3A_231, %concatenate3A_176, %broadcast_in_dim3A_233 : vector<32x8x128xi1>, vector<32x8x128xi32>
    %reduce_min3A_235 = arith.constant dense<2147483647> : vector<32x128xi32>
    %reduce_min3A_236 = vector.multi_reduction <minsi>, %select_n3A_234, %reduce_min3A_235 [1] : vector<32x8x128xi32> to vector<32x128xi32>
    %broadcast_in_dim3A_237 = vector.shape_cast %reduce_min3A_236 : vector<32x128xi32> to vector<32x1x128xi32>
    %reduce_min3A_238 = arith.constant dense<2147483647> : vector<32x1xi32>
    %reduce_min3A_239 = vector.multi_reduction <minsi>, %broadcast_in_dim3A_237, %reduce_min3A_238 [2] : vector<32x1x128xi32> to vector<32x1xi32>
    %broadcast_in_dim3A_240 = vector.shape_cast %reduce_min3A_239 : vector<32x1xi32> to vector<32x1x1xi32>
    %squeeze3A_241 = vector.shape_cast %broadcast_in_dim3A_229 : vector<32x1x1xf32> to vector<32x1xf32>
    %squeeze3A_242 = vector.shape_cast %broadcast_in_dim3A_240 : vector<32x1x1xi32> to vector<32x1xi32>
    %eq3A_243 = vector.broadcast %broadcast_in_dim3A_240 : vector<32x1x1xi32> to vector<32x8x128xi32>
    %eq3A_244 = arith.cmpi eq, %concatenate3A_176, %eq3A_243 : vector<32x8x128xi32>
    %and3A_245 = arith.andi %eq3A_231, %eq3A_244 : vector<32x8x128xi1>
    %jit3A_246 = arith.constant 0x7F800000 : f32
    %broadcast_in_dim3A_247 = vector.broadcast %jit3A_246 : f32 to vector<32x8x128xf32>
    %select_n3A_248 = arith.select %and3A_245, %broadcast_in_dim3A_247, %select_n3A_223 : vector<32x8x128xi1>, vector<32x8x128xf32>
    %reduce_min3A_249 = arith.constant dense<0x7F800000> : vector<32x128xf32>
    %reduce_min3A_250 = vector.multi_reduction <minimumf>, %select_n3A_248, %reduce_min3A_249 [1] : vector<32x8x128xf32> to vector<32x128xf32>
    %broadcast_in_dim3A_251 = vector.shape_cast %reduce_min3A_250 : vector<32x128xf32> to vector<32x1x128xf32>
    %reduce_min3A_252 = arith.constant dense<0x7F800000> : vector<32x1xf32>
    %reduce_min3A_253 = vector.multi_reduction <minimumf>, %broadcast_in_dim3A_251, %reduce_min3A_252 [2] : vector<32x1x128xf32> to vector<32x1xf32>
    %broadcast_in_dim3A_254 = vector.shape_cast %reduce_min3A_253 : vector<32x1xf32> to vector<32x1x1xf32>
    %eq3A_255 = vector.broadcast %broadcast_in_dim3A_254 : vector<32x1x1xf32> to vector<32x8x128xf32>
    %eq3A_256 = arith.cmpf oeq, %select_n3A_248, %eq3A_255 : vector<32x8x128xf32>
    %jit3A_257 = arith.constant 10240 : i32
    %broadcast_in_dim3A_258 = vector.broadcast %jit3A_257 : i32 to vector<32x8x128xi32>
    %select_n3A_259 = arith.select %eq3A_256, %concatenate3A_176, %broadcast_in_dim3A_258 : vector<32x8x128xi1>, vector<32x8x128xi32>
    %reduce_min3A_260 = arith.constant dense<2147483647> : vector<32x128xi32>
    %reduce_min3A_261 = vector.multi_reduction <minsi>, %select_n3A_259, %reduce_min3A_260 [1] : vector<32x8x128xi32> to vector<32x128xi32>
    %broadcast_in_dim3A_262 = vector.shape_cast %reduce_min3A_261 : vector<32x128xi32> to vector<32x1x128xi32>
    %reduce_min3A_263 = arith.constant dense<2147483647> : vector<32x1xi32>
    %reduce_min3A_264 = vector.multi_reduction <minsi>, %broadcast_in_dim3A_262, %reduce_min3A_263 [2] : vector<32x1x128xi32> to vector<32x1xi32>
    %broadcast_in_dim3A_265 = vector.shape_cast %reduce_min3A_264 : vector<32x1xi32> to vector<32x1x1xi32>
    %squeeze3A_266 = vector.shape_cast %broadcast_in_dim3A_254 : vector<32x1x1xf32> to vector<32x1xf32>
    %squeeze3A_267 = vector.shape_cast %broadcast_in_dim3A_265 : vector<32x1x1xi32> to vector<32x1xi32>
    %eq3A_268 = vector.broadcast %broadcast_in_dim3A_265 : vector<32x1x1xi32> to vector<32x8x128xi32>
    %eq3A_269 = arith.cmpi eq, %concatenate3A_176, %eq3A_268 : vector<32x8x128xi32>
    %and3A_270 = arith.andi %eq3A_256, %eq3A_269 : vector<32x8x128xi1>
    %jit3A_271 = arith.constant 0x7F800000 : f32
    %broadcast_in_dim3A_272 = vector.broadcast %jit3A_271 : f32 to vector<32x8x128xf32>
    %select_n3A_273 = arith.select %and3A_270, %broadcast_in_dim3A_272, %select_n3A_248 : vector<32x8x128xi1>, vector<32x8x128xf32>
    %reduce_min3A_274 = arith.constant dense<0x7F800000> : vector<32x128xf32>
    %reduce_min3A_275 = vector.multi_reduction <minimumf>, %select_n3A_273, %reduce_min3A_274 [1] : vector<32x8x128xf32> to vector<32x128xf32>
    %broadcast_in_dim3A_276 = vector.shape_cast %reduce_min3A_275 : vector<32x128xf32> to vector<32x1x128xf32>
    %reduce_min3A_277 = arith.constant dense<0x7F800000> : vector<32x1xf32>
    %reduce_min3A_278 = vector.multi_reduction <minimumf>, %broadcast_in_dim3A_276, %reduce_min3A_277 [2] : vector<32x1x128xf32> to vector<32x1xf32>
    %broadcast_in_dim3A_279 = vector.shape_cast %reduce_min3A_278 : vector<32x1xf32> to vector<32x1x1xf32>
    %eq3A_280 = vector.broadcast %broadcast_in_dim3A_279 : vector<32x1x1xf32> to vector<32x8x128xf32>
    %eq3A_281 = arith.cmpf oeq, %select_n3A_273, %eq3A_280 : vector<32x8x128xf32>
    %jit3A_282 = arith.constant 10240 : i32
    %broadcast_in_dim3A_283 = vector.broadcast %jit3A_282 : i32 to vector<32x8x128xi32>
    %select_n3A_284 = arith.select %eq3A_281, %concatenate3A_176, %broadcast_in_dim3A_283 : vector<32x8x128xi1>, vector<32x8x128xi32>
    %reduce_min3A_285 = arith.constant dense<2147483647> : vector<32x128xi32>
    %reduce_min3A_286 = vector.multi_reduction <minsi>, %select_n3A_284, %reduce_min3A_285 [1] : vector<32x8x128xi32> to vector<32x128xi32>
    %broadcast_in_dim3A_287 = vector.shape_cast %reduce_min3A_286 : vector<32x128xi32> to vector<32x1x128xi32>
    %reduce_min3A_288 = arith.constant dense<2147483647> : vector<32x1xi32>
    %reduce_min3A_289 = vector.multi_reduction <minsi>, %broadcast_in_dim3A_287, %reduce_min3A_288 [2] : vector<32x1x128xi32> to vector<32x1xi32>
    %broadcast_in_dim3A_290 = vector.shape_cast %reduce_min3A_289 : vector<32x1xi32> to vector<32x1x1xi32>
    %squeeze3A_291 = vector.shape_cast %broadcast_in_dim3A_279 : vector<32x1x1xf32> to vector<32x1xf32>
    %squeeze3A_292 = vector.shape_cast %broadcast_in_dim3A_290 : vector<32x1x1xi32> to vector<32x1xi32>
    %eq3A_293 = vector.broadcast %broadcast_in_dim3A_290 : vector<32x1x1xi32> to vector<32x8x128xi32>
    %eq3A_294 = arith.cmpi eq, %concatenate3A_176, %eq3A_293 : vector<32x8x128xi32>
    %and3A_295 = arith.andi %eq3A_281, %eq3A_294 : vector<32x8x128xi1>
    %jit3A_296 = arith.constant 0x7F800000 : f32
    %broadcast_in_dim3A_297 = vector.broadcast %jit3A_296 : f32 to vector<32x8x128xf32>
    %select_n3A_298 = arith.select %and3A_295, %broadcast_in_dim3A_297, %select_n3A_273 : vector<32x8x128xi1>, vector<32x8x128xf32>
    %reduce_min3A_299 = arith.constant dense<0x7F800000> : vector<32x128xf32>
    %reduce_min3A_300 = vector.multi_reduction <minimumf>, %select_n3A_298, %reduce_min3A_299 [1] : vector<32x8x128xf32> to vector<32x128xf32>
    %broadcast_in_dim3A_301 = vector.shape_cast %reduce_min3A_300 : vector<32x128xf32> to vector<32x1x128xf32>
    %reduce_min3A_302 = arith.constant dense<0x7F800000> : vector<32x1xf32>
    %reduce_min3A_303 = vector.multi_reduction <minimumf>, %broadcast_in_dim3A_301, %reduce_min3A_302 [2] : vector<32x1x128xf32> to vector<32x1xf32>
    %broadcast_in_dim3A_304 = vector.shape_cast %reduce_min3A_303 : vector<32x1xf32> to vector<32x1x1xf32>
    %eq3A_305 = vector.broadcast %broadcast_in_dim3A_304 : vector<32x1x1xf32> to vector<32x8x128xf32>
    %eq3A_306 = arith.cmpf oeq, %select_n3A_298, %eq3A_305 : vector<32x8x128xf32>
    %jit3A_307 = arith.constant 10240 : i32
    %broadcast_in_dim3A_308 = vector.broadcast %jit3A_307 : i32 to vector<32x8x128xi32>
    %select_n3A_309 = arith.select %eq3A_306, %concatenate3A_176, %broadcast_in_dim3A_308 : vector<32x8x128xi1>, vector<32x8x128xi32>
    %reduce_min3A_310 = arith.constant dense<2147483647> : vector<32x128xi32>
    %reduce_min3A_311 = vector.multi_reduction <minsi>, %select_n3A_309, %reduce_min3A_310 [1] : vector<32x8x128xi32> to vector<32x128xi32>
    %broadcast_in_dim3A_312 = vector.shape_cast %reduce_min3A_311 : vector<32x128xi32> to vector<32x1x128xi32>
    %reduce_min3A_313 = arith.constant dense<2147483647> : vector<32x1xi32>
    %reduce_min3A_314 = vector.multi_reduction <minsi>, %broadcast_in_dim3A_312, %reduce_min3A_313 [2] : vector<32x1x128xi32> to vector<32x1xi32>
    %broadcast_in_dim3A_315 = vector.shape_cast %reduce_min3A_314 : vector<32x1xi32> to vector<32x1x1xi32>
    %squeeze3A_316 = vector.shape_cast %broadcast_in_dim3A_304 : vector<32x1x1xf32> to vector<32x1xf32>
    %squeeze3A_317 = vector.shape_cast %broadcast_in_dim3A_315 : vector<32x1x1xi32> to vector<32x1xi32>
    %eq3A_318 = vector.broadcast %broadcast_in_dim3A_315 : vector<32x1x1xi32> to vector<32x8x128xi32>
    %eq3A_319 = arith.cmpi eq, %concatenate3A_176, %eq3A_318 : vector<32x8x128xi32>
    %and3A_320 = arith.andi %eq3A_306, %eq3A_319 : vector<32x8x128xi1>
    %jit3A_321 = arith.constant 0x7F800000 : f32
    %broadcast_in_dim3A_322 = vector.broadcast %jit3A_321 : f32 to vector<32x8x128xf32>
    %select_n3A_323 = arith.select %and3A_320, %broadcast_in_dim3A_322, %select_n3A_298 : vector<32x8x128xi1>, vector<32x8x128xf32>
    %reduce_min3A_324 = arith.constant dense<0x7F800000> : vector<32x128xf32>
    %reduce_min3A_325 = vector.multi_reduction <minimumf>, %select_n3A_323, %reduce_min3A_324 [1] : vector<32x8x128xf32> to vector<32x128xf32>
    %broadcast_in_dim3A_326 = vector.shape_cast %reduce_min3A_325 : vector<32x128xf32> to vector<32x1x128xf32>
    %reduce_min3A_327 = arith.constant dense<0x7F800000> : vector<32x1xf32>
    %reduce_min3A_328 = vector.multi_reduction <minimumf>, %broadcast_in_dim3A_326, %reduce_min3A_327 [2] : vector<32x1x128xf32> to vector<32x1xf32>
    %broadcast_in_dim3A_329 = vector.shape_cast %reduce_min3A_328 : vector<32x1xf32> to vector<32x1x1xf32>
    %eq3A_330 = vector.broadcast %broadcast_in_dim3A_329 : vector<32x1x1xf32> to vector<32x8x128xf32>
    %eq3A_331 = arith.cmpf oeq, %select_n3A_323, %eq3A_330 : vector<32x8x128xf32>
    %jit3A_332 = arith.constant 10240 : i32
    %broadcast_in_dim3A_333 = vector.broadcast %jit3A_332 : i32 to vector<32x8x128xi32>
    %select_n3A_334 = arith.select %eq3A_331, %concatenate3A_176, %broadcast_in_dim3A_333 : vector<32x8x128xi1>, vector<32x8x128xi32>
    %reduce_min3A_335 = arith.constant dense<2147483647> : vector<32x128xi32>
    %reduce_min3A_336 = vector.multi_reduction <minsi>, %select_n3A_334, %reduce_min3A_335 [1] : vector<32x8x128xi32> to vector<32x128xi32>
    %broadcast_in_dim3A_337 = vector.shape_cast %reduce_min3A_336 : vector<32x128xi32> to vector<32x1x128xi32>
    %reduce_min3A_338 = arith.constant dense<2147483647> : vector<32x1xi32>
    %reduce_min3A_339 = vector.multi_reduction <minsi>, %broadcast_in_dim3A_337, %reduce_min3A_338 [2] : vector<32x1x128xi32> to vector<32x1xi32>
    %broadcast_in_dim3A_340 = vector.shape_cast %reduce_min3A_339 : vector<32x1xi32> to vector<32x1x1xi32>
    %squeeze3A_341 = vector.shape_cast %broadcast_in_dim3A_329 : vector<32x1x1xf32> to vector<32x1xf32>
    %squeeze3A_342 = vector.shape_cast %broadcast_in_dim3A_340 : vector<32x1x1xi32> to vector<32x1xi32>
    %eq3A_343 = vector.broadcast %broadcast_in_dim3A_340 : vector<32x1x1xi32> to vector<32x8x128xi32>
    %eq3A_344 = arith.cmpi eq, %concatenate3A_176, %eq3A_343 : vector<32x8x128xi32>
    %and3A_345 = arith.andi %eq3A_331, %eq3A_344 : vector<32x8x128xi1>
    %jit3A_346 = arith.constant 0x7F800000 : f32
    %broadcast_in_dim3A_347 = vector.broadcast %jit3A_346 : f32 to vector<32x8x128xf32>
    %select_n3A_348 = arith.select %and3A_345, %broadcast_in_dim3A_347, %select_n3A_323 : vector<32x8x128xi1>, vector<32x8x128xf32>
    %reduce_min3A_349 = arith.constant dense<0x7F800000> : vector<32x128xf32>
    %reduce_min3A_350 = vector.multi_reduction <minimumf>, %select_n3A_348, %reduce_min3A_349 [1] : vector<32x8x128xf32> to vector<32x128xf32>
    %broadcast_in_dim3A_351 = vector.shape_cast %reduce_min3A_350 : vector<32x128xf32> to vector<32x1x128xf32>
    %reduce_min3A_352 = arith.constant dense<0x7F800000> : vector<32x1xf32>
    %reduce_min3A_353 = vector.multi_reduction <minimumf>, %broadcast_in_dim3A_351, %reduce_min3A_352 [2] : vector<32x1x128xf32> to vector<32x1xf32>
    %broadcast_in_dim3A_354 = vector.shape_cast %reduce_min3A_353 : vector<32x1xf32> to vector<32x1x1xf32>
    %eq3A_355 = vector.broadcast %broadcast_in_dim3A_354 : vector<32x1x1xf32> to vector<32x8x128xf32>
    %eq3A_356 = arith.cmpf oeq, %select_n3A_348, %eq3A_355 : vector<32x8x128xf32>
    %jit3A_357 = arith.constant 10240 : i32
    %broadcast_in_dim3A_358 = vector.broadcast %jit3A_357 : i32 to vector<32x8x128xi32>
    %select_n3A_359 = arith.select %eq3A_356, %concatenate3A_176, %broadcast_in_dim3A_358 : vector<32x8x128xi1>, vector<32x8x128xi32>
    %reduce_min3A_360 = arith.constant dense<2147483647> : vector<32x128xi32>
    %reduce_min3A_361 = vector.multi_reduction <minsi>, %select_n3A_359, %reduce_min3A_360 [1] : vector<32x8x128xi32> to vector<32x128xi32>
    %broadcast_in_dim3A_362 = vector.shape_cast %reduce_min3A_361 : vector<32x128xi32> to vector<32x1x128xi32>
    %reduce_min3A_363 = arith.constant dense<2147483647> : vector<32x1xi32>
    %reduce_min3A_364 = vector.multi_reduction <minsi>, %broadcast_in_dim3A_362, %reduce_min3A_363 [2] : vector<32x1x128xi32> to vector<32x1xi32>
    %broadcast_in_dim3A_365 = vector.shape_cast %reduce_min3A_364 : vector<32x1xi32> to vector<32x1x1xi32>
    %squeeze3A_366 = vector.shape_cast %broadcast_in_dim3A_354 : vector<32x1x1xf32> to vector<32x1xf32>
    %squeeze3A_367 = vector.shape_cast %broadcast_in_dim3A_365 : vector<32x1x1xi32> to vector<32x1xi32>
    %eq3A_368 = vector.broadcast %broadcast_in_dim3A_365 : vector<32x1x1xi32> to vector<32x8x128xi32>
    %eq3A_369 = arith.cmpi eq, %concatenate3A_176, %eq3A_368 : vector<32x8x128xi32>
    %and3A_370 = arith.andi %eq3A_356, %eq3A_369 : vector<32x8x128xi1>
    %jit3A_371 = arith.constant 0x7F800000 : f32
    %broadcast_in_dim3A_372 = vector.broadcast %jit3A_371 : f32 to vector<32x8x128xf32>
    %select_n3A_373 = arith.select %and3A_370, %broadcast_in_dim3A_372, %select_n3A_348 : vector<32x8x128xi1>, vector<32x8x128xf32>
    %reduce_min3A_374 = arith.constant dense<0x7F800000> : vector<32x128xf32>
    %reduce_min3A_375 = vector.multi_reduction <minimumf>, %select_n3A_373, %reduce_min3A_374 [1] : vector<32x8x128xf32> to vector<32x128xf32>
    %broadcast_in_dim3A_376 = vector.shape_cast %reduce_min3A_375 : vector<32x128xf32> to vector<32x1x128xf32>
    %reduce_min3A_377 = arith.constant dense<0x7F800000> : vector<32x1xf32>
    %reduce_min3A_378 = vector.multi_reduction <minimumf>, %broadcast_in_dim3A_376, %reduce_min3A_377 [2] : vector<32x1x128xf32> to vector<32x1xf32>
    %broadcast_in_dim3A_379 = vector.shape_cast %reduce_min3A_378 : vector<32x1xf32> to vector<32x1x1xf32>
    %eq3A_380 = vector.broadcast %broadcast_in_dim3A_379 : vector<32x1x1xf32> to vector<32x8x128xf32>
    %eq3A_381 = arith.cmpf oeq, %select_n3A_373, %eq3A_380 : vector<32x8x128xf32>
    %jit3A_382 = arith.constant 10240 : i32
    %broadcast_in_dim3A_383 = vector.broadcast %jit3A_382 : i32 to vector<32x8x128xi32>
    %select_n3A_384 = arith.select %eq3A_381, %concatenate3A_176, %broadcast_in_dim3A_383 : vector<32x8x128xi1>, vector<32x8x128xi32>
    %reduce_min3A_385 = arith.constant dense<2147483647> : vector<32x128xi32>
    %reduce_min3A_386 = vector.multi_reduction <minsi>, %select_n3A_384, %reduce_min3A_385 [1] : vector<32x8x128xi32> to vector<32x128xi32>
    %broadcast_in_dim3A_387 = vector.shape_cast %reduce_min3A_386 : vector<32x128xi32> to vector<32x1x128xi32>
    %reduce_min3A_388 = arith.constant dense<2147483647> : vector<32x1xi32>
    %reduce_min3A_389 = vector.multi_reduction <minsi>, %broadcast_in_dim3A_387, %reduce_min3A_388 [2] : vector<32x1x128xi32> to vector<32x1xi32>
    %broadcast_in_dim3A_390 = vector.shape_cast %reduce_min3A_389 : vector<32x1xi32> to vector<32x1x1xi32>
    %squeeze3A_391 = vector.shape_cast %broadcast_in_dim3A_379 : vector<32x1x1xf32> to vector<32x1xf32>
    %squeeze3A_392 = vector.shape_cast %broadcast_in_dim3A_390 : vector<32x1x1xi32> to vector<32x1xi32>
    %eq3A_393 = vector.broadcast %broadcast_in_dim3A_390 : vector<32x1x1xi32> to vector<32x8x128xi32>
    %eq3A_394 = arith.cmpi eq, %concatenate3A_176, %eq3A_393 : vector<32x8x128xi32>
    %and3A_395 = arith.andi %eq3A_381, %eq3A_394 : vector<32x8x128xi1>
    %jit3A_396 = arith.constant 0x7F800000 : f32
    %broadcast_in_dim3A_397 = vector.broadcast %jit3A_396 : f32 to vector<32x8x128xf32>
    %select_n3A_398 = arith.select %and3A_395, %broadcast_in_dim3A_397, %select_n3A_373 : vector<32x8x128xi1>, vector<32x8x128xf32>
    %reduce_min3A_399 = arith.constant dense<0x7F800000> : vector<32x128xf32>
    %reduce_min3A_400 = vector.multi_reduction <minimumf>, %select_n3A_398, %reduce_min3A_399 [1] : vector<32x8x128xf32> to vector<32x128xf32>
    %broadcast_in_dim3A_401 = vector.shape_cast %reduce_min3A_400 : vector<32x128xf32> to vector<32x1x128xf32>
    %reduce_min3A_402 = arith.constant dense<0x7F800000> : vector<32x1xf32>
    %reduce_min3A_403 = vector.multi_reduction <minimumf>, %broadcast_in_dim3A_401, %reduce_min3A_402 [2] : vector<32x1x128xf32> to vector<32x1xf32>
    %broadcast_in_dim3A_404 = vector.shape_cast %reduce_min3A_403 : vector<32x1xf32> to vector<32x1x1xf32>
    %eq3A_405 = vector.broadcast %broadcast_in_dim3A_404 : vector<32x1x1xf32> to vector<32x8x128xf32>
    %eq3A_406 = arith.cmpf oeq, %select_n3A_398, %eq3A_405 : vector<32x8x128xf32>
    %jit3A_407 = arith.constant 10240 : i32
    %broadcast_in_dim3A_408 = vector.broadcast %jit3A_407 : i32 to vector<32x8x128xi32>
    %select_n3A_409 = arith.select %eq3A_406, %concatenate3A_176, %broadcast_in_dim3A_408 : vector<32x8x128xi1>, vector<32x8x128xi32>
    %reduce_min3A_410 = arith.constant dense<2147483647> : vector<32x128xi32>
    %reduce_min3A_411 = vector.multi_reduction <minsi>, %select_n3A_409, %reduce_min3A_410 [1] : vector<32x8x128xi32> to vector<32x128xi32>
    %broadcast_in_dim3A_412 = vector.shape_cast %reduce_min3A_411 : vector<32x128xi32> to vector<32x1x128xi32>
    %reduce_min3A_413 = arith.constant dense<2147483647> : vector<32x1xi32>
    %reduce_min3A_414 = vector.multi_reduction <minsi>, %broadcast_in_dim3A_412, %reduce_min3A_413 [2] : vector<32x1x128xi32> to vector<32x1xi32>
    %broadcast_in_dim3A_415 = vector.shape_cast %reduce_min3A_414 : vector<32x1xi32> to vector<32x1x1xi32>
    %squeeze3A_416 = vector.shape_cast %broadcast_in_dim3A_404 : vector<32x1x1xf32> to vector<32x1xf32>
    %squeeze3A_417 = vector.shape_cast %broadcast_in_dim3A_415 : vector<32x1x1xi32> to vector<32x1xi32>
    %eq3A_418 = vector.broadcast %broadcast_in_dim3A_415 : vector<32x1x1xi32> to vector<32x8x128xi32>
    %eq3A_419 = arith.cmpi eq, %concatenate3A_176, %eq3A_418 : vector<32x8x128xi32>
    %and3A_420 = arith.andi %eq3A_406, %eq3A_419 : vector<32x8x128xi1>
    %jit3A_421 = arith.constant 0x7F800000 : f32
    %broadcast_in_dim3A_422 = vector.broadcast %jit3A_421 : f32 to vector<32x8x128xf32>
    %select_n3A_423 = arith.select %and3A_420, %broadcast_in_dim3A_422, %select_n3A_398 : vector<32x8x128xi1>, vector<32x8x128xf32>
    %reduce_min3A_424 = arith.constant dense<0x7F800000> : vector<32x128xf32>
    %reduce_min3A_425 = vector.multi_reduction <minimumf>, %select_n3A_423, %reduce_min3A_424 [1] : vector<32x8x128xf32> to vector<32x128xf32>
    %broadcast_in_dim3A_426 = vector.shape_cast %reduce_min3A_425 : vector<32x128xf32> to vector<32x1x128xf32>
    %reduce_min3A_427 = arith.constant dense<0x7F800000> : vector<32x1xf32>
    %reduce_min3A_428 = vector.multi_reduction <minimumf>, %broadcast_in_dim3A_426, %reduce_min3A_427 [2] : vector<32x1x128xf32> to vector<32x1xf32>
    %broadcast_in_dim3A_429 = vector.shape_cast %reduce_min3A_428 : vector<32x1xf32> to vector<32x1x1xf32>
    %eq3A_430 = vector.broadcast %broadcast_in_dim3A_429 : vector<32x1x1xf32> to vector<32x8x128xf32>
    %eq3A_431 = arith.cmpf oeq, %select_n3A_423, %eq3A_430 : vector<32x8x128xf32>
    %jit3A_432 = arith.constant 10240 : i32
    %broadcast_in_dim3A_433 = vector.broadcast %jit3A_432 : i32 to vector<32x8x128xi32>
    %select_n3A_434 = arith.select %eq3A_431, %concatenate3A_176, %broadcast_in_dim3A_433 : vector<32x8x128xi1>, vector<32x8x128xi32>
    %reduce_min3A_435 = arith.constant dense<2147483647> : vector<32x128xi32>
    %reduce_min3A_436 = vector.multi_reduction <minsi>, %select_n3A_434, %reduce_min3A_435 [1] : vector<32x8x128xi32> to vector<32x128xi32>
    %broadcast_in_dim3A_437 = vector.shape_cast %reduce_min3A_436 : vector<32x128xi32> to vector<32x1x128xi32>
    %reduce_min3A_438 = arith.constant dense<2147483647> : vector<32x1xi32>
    %reduce_min3A_439 = vector.multi_reduction <minsi>, %broadcast_in_dim3A_437, %reduce_min3A_438 [2] : vector<32x1x128xi32> to vector<32x1xi32>
    %broadcast_in_dim3A_440 = vector.shape_cast %reduce_min3A_439 : vector<32x1xi32> to vector<32x1x1xi32>
    %squeeze3A_441 = vector.shape_cast %broadcast_in_dim3A_429 : vector<32x1x1xf32> to vector<32x1xf32>
    %squeeze3A_442 = vector.shape_cast %broadcast_in_dim3A_440 : vector<32x1x1xi32> to vector<32x1xi32>
    %eq3A_443 = vector.broadcast %broadcast_in_dim3A_440 : vector<32x1x1xi32> to vector<32x8x128xi32>
    %eq3A_444 = arith.cmpi eq, %concatenate3A_176, %eq3A_443 : vector<32x8x128xi32>
    %and3A_445 = arith.andi %eq3A_431, %eq3A_444 : vector<32x8x128xi1>
    %jit3A_446 = arith.constant 0x7F800000 : f32
    %broadcast_in_dim3A_447 = vector.broadcast %jit3A_446 : f32 to vector<32x8x128xf32>
    %select_n3A_448 = arith.select %and3A_445, %broadcast_in_dim3A_447, %select_n3A_423 : vector<32x8x128xi1>, vector<32x8x128xf32>
    %reduce_min3A_449 = arith.constant dense<0x7F800000> : vector<32x128xf32>
    %reduce_min3A_450 = vector.multi_reduction <minimumf>, %select_n3A_448, %reduce_min3A_449 [1] : vector<32x8x128xf32> to vector<32x128xf32>
    %broadcast_in_dim3A_451 = vector.shape_cast %reduce_min3A_450 : vector<32x128xf32> to vector<32x1x128xf32>
    %reduce_min3A_452 = arith.constant dense<0x7F800000> : vector<32x1xf32>
    %reduce_min3A_453 = vector.multi_reduction <minimumf>, %broadcast_in_dim3A_451, %reduce_min3A_452 [2] : vector<32x1x128xf32> to vector<32x1xf32>
    %broadcast_in_dim3A_454 = vector.shape_cast %reduce_min3A_453 : vector<32x1xf32> to vector<32x1x1xf32>
    %eq3A_455 = vector.broadcast %broadcast_in_dim3A_454 : vector<32x1x1xf32> to vector<32x8x128xf32>
    %eq3A_456 = arith.cmpf oeq, %select_n3A_448, %eq3A_455 : vector<32x8x128xf32>
    %jit3A_457 = arith.constant 10240 : i32
    %broadcast_in_dim3A_458 = vector.broadcast %jit3A_457 : i32 to vector<32x8x128xi32>
    %select_n3A_459 = arith.select %eq3A_456, %concatenate3A_176, %broadcast_in_dim3A_458 : vector<32x8x128xi1>, vector<32x8x128xi32>
    %reduce_min3A_460 = arith.constant dense<2147483647> : vector<32x128xi32>
    %reduce_min3A_461 = vector.multi_reduction <minsi>, %select_n3A_459, %reduce_min3A_460 [1] : vector<32x8x128xi32> to vector<32x128xi32>
    %broadcast_in_dim3A_462 = vector.shape_cast %reduce_min3A_461 : vector<32x128xi32> to vector<32x1x128xi32>
    %reduce_min3A_463 = arith.constant dense<2147483647> : vector<32x1xi32>
    %reduce_min3A_464 = vector.multi_reduction <minsi>, %broadcast_in_dim3A_462, %reduce_min3A_463 [2] : vector<32x1x128xi32> to vector<32x1xi32>
    %broadcast_in_dim3A_465 = vector.shape_cast %reduce_min3A_464 : vector<32x1xi32> to vector<32x1x1xi32>
    %squeeze3A_466 = vector.shape_cast %broadcast_in_dim3A_454 : vector<32x1x1xf32> to vector<32x1xf32>
    %squeeze3A_467 = vector.shape_cast %broadcast_in_dim3A_465 : vector<32x1x1xi32> to vector<32x1xi32>
    %eq3A_468 = vector.broadcast %broadcast_in_dim3A_465 : vector<32x1x1xi32> to vector<32x8x128xi32>
    %eq3A_469 = arith.cmpi eq, %concatenate3A_176, %eq3A_468 : vector<32x8x128xi32>
    %and3A_470 = arith.andi %eq3A_456, %eq3A_469 : vector<32x8x128xi1>
    %jit3A_471 = arith.constant 0x7F800000 : f32
    %broadcast_in_dim3A_472 = vector.broadcast %jit3A_471 : f32 to vector<32x8x128xf32>
    %select_n3A_473 = arith.select %and3A_470, %broadcast_in_dim3A_472, %select_n3A_448 : vector<32x8x128xi1>, vector<32x8x128xf32>
    %reduce_min3A_474 = arith.constant dense<0x7F800000> : vector<32x128xf32>
    %reduce_min3A_475 = vector.multi_reduction <minimumf>, %select_n3A_473, %reduce_min3A_474 [1] : vector<32x8x128xf32> to vector<32x128xf32>
    %broadcast_in_dim3A_476 = vector.shape_cast %reduce_min3A_475 : vector<32x128xf32> to vector<32x1x128xf32>
    %reduce_min3A_477 = arith.constant dense<0x7F800000> : vector<32x1xf32>
    %reduce_min3A_478 = vector.multi_reduction <minimumf>, %broadcast_in_dim3A_476, %reduce_min3A_477 [2] : vector<32x1x128xf32> to vector<32x1xf32>
    %broadcast_in_dim3A_479 = vector.shape_cast %reduce_min3A_478 : vector<32x1xf32> to vector<32x1x1xf32>
    %eq3A_480 = vector.broadcast %broadcast_in_dim3A_479 : vector<32x1x1xf32> to vector<32x8x128xf32>
    %eq3A_481 = arith.cmpf oeq, %select_n3A_473, %eq3A_480 : vector<32x8x128xf32>
    %jit3A_482 = arith.constant 10240 : i32
    %broadcast_in_dim3A_483 = vector.broadcast %jit3A_482 : i32 to vector<32x8x128xi32>
    %select_n3A_484 = arith.select %eq3A_481, %concatenate3A_176, %broadcast_in_dim3A_483 : vector<32x8x128xi1>, vector<32x8x128xi32>
    %reduce_min3A_485 = arith.constant dense<2147483647> : vector<32x128xi32>
    %reduce_min3A_486 = vector.multi_reduction <minsi>, %select_n3A_484, %reduce_min3A_485 [1] : vector<32x8x128xi32> to vector<32x128xi32>
    %broadcast_in_dim3A_487 = vector.shape_cast %reduce_min3A_486 : vector<32x128xi32> to vector<32x1x128xi32>
    %reduce_min3A_488 = arith.constant dense<2147483647> : vector<32x1xi32>
    %reduce_min3A_489 = vector.multi_reduction <minsi>, %broadcast_in_dim3A_487, %reduce_min3A_488 [2] : vector<32x1x128xi32> to vector<32x1xi32>
    %broadcast_in_dim3A_490 = vector.shape_cast %reduce_min3A_489 : vector<32x1xi32> to vector<32x1x1xi32>
    %squeeze3A_491 = vector.shape_cast %broadcast_in_dim3A_479 : vector<32x1x1xf32> to vector<32x1xf32>
    %squeeze3A_492 = vector.shape_cast %broadcast_in_dim3A_490 : vector<32x1x1xi32> to vector<32x1xi32>
    %eq3A_493 = vector.broadcast %broadcast_in_dim3A_490 : vector<32x1x1xi32> to vector<32x8x128xi32>
    %eq3A_494 = arith.cmpi eq, %concatenate3A_176, %eq3A_493 : vector<32x8x128xi32>
    %and3A_495 = arith.andi %eq3A_481, %eq3A_494 : vector<32x8x128xi1>
    %jit3A_496 = arith.constant 0x7F800000 : f32
    %broadcast_in_dim3A_497 = vector.broadcast %jit3A_496 : f32 to vector<32x8x128xf32>
    %select_n3A_498 = arith.select %and3A_495, %broadcast_in_dim3A_497, %select_n3A_473 : vector<32x8x128xi1>, vector<32x8x128xf32>
    %reduce_min3A_499 = arith.constant dense<0x7F800000> : vector<32x128xf32>
    %reduce_min3A_500 = vector.multi_reduction <minimumf>, %select_n3A_498, %reduce_min3A_499 [1] : vector<32x8x128xf32> to vector<32x128xf32>
    %broadcast_in_dim3A_501 = vector.shape_cast %reduce_min3A_500 : vector<32x128xf32> to vector<32x1x128xf32>
    %reduce_min3A_502 = arith.constant dense<0x7F800000> : vector<32x1xf32>
    %reduce_min3A_503 = vector.multi_reduction <minimumf>, %broadcast_in_dim3A_501, %reduce_min3A_502 [2] : vector<32x1x128xf32> to vector<32x1xf32>
    %broadcast_in_dim3A_504 = vector.shape_cast %reduce_min3A_503 : vector<32x1xf32> to vector<32x1x1xf32>
    %eq3A_505 = vector.broadcast %broadcast_in_dim3A_504 : vector<32x1x1xf32> to vector<32x8x128xf32>
    %eq3A_506 = arith.cmpf oeq, %select_n3A_498, %eq3A_505 : vector<32x8x128xf32>
    %jit3A_507 = arith.constant 10240 : i32
    %broadcast_in_dim3A_508 = vector.broadcast %jit3A_507 : i32 to vector<32x8x128xi32>
    %select_n3A_509 = arith.select %eq3A_506, %concatenate3A_176, %broadcast_in_dim3A_508 : vector<32x8x128xi1>, vector<32x8x128xi32>
    %reduce_min3A_510 = arith.constant dense<2147483647> : vector<32x128xi32>
    %reduce_min3A_511 = vector.multi_reduction <minsi>, %select_n3A_509, %reduce_min3A_510 [1] : vector<32x8x128xi32> to vector<32x128xi32>
    %broadcast_in_dim3A_512 = vector.shape_cast %reduce_min3A_511 : vector<32x128xi32> to vector<32x1x128xi32>
    %reduce_min3A_513 = arith.constant dense<2147483647> : vector<32x1xi32>
    %reduce_min3A_514 = vector.multi_reduction <minsi>, %broadcast_in_dim3A_512, %reduce_min3A_513 [2] : vector<32x1x128xi32> to vector<32x1xi32>
    %broadcast_in_dim3A_515 = vector.shape_cast %reduce_min3A_514 : vector<32x1xi32> to vector<32x1x1xi32>
    %squeeze3A_516 = vector.shape_cast %broadcast_in_dim3A_504 : vector<32x1x1xf32> to vector<32x1xf32>
    %squeeze3A_517 = vector.shape_cast %broadcast_in_dim3A_515 : vector<32x1x1xi32> to vector<32x1xi32>
    %eq3A_518 = vector.broadcast %broadcast_in_dim3A_515 : vector<32x1x1xi32> to vector<32x8x128xi32>
    %eq3A_519 = arith.cmpi eq, %concatenate3A_176, %eq3A_518 : vector<32x8x128xi32>
    %and3A_520 = arith.andi %eq3A_506, %eq3A_519 : vector<32x8x128xi1>
    %jit3A_521 = arith.constant 0x7F800000 : f32
    %broadcast_in_dim3A_522 = vector.broadcast %jit3A_521 : f32 to vector<32x8x128xf32>
    %select_n3A_523 = arith.select %and3A_520, %broadcast_in_dim3A_522, %select_n3A_498 : vector<32x8x128xi1>, vector<32x8x128xf32>
    %reduce_min3A_524 = arith.constant dense<0x7F800000> : vector<32x128xf32>
    %reduce_min3A_525 = vector.multi_reduction <minimumf>, %select_n3A_523, %reduce_min3A_524 [1] : vector<32x8x128xf32> to vector<32x128xf32>
    %broadcast_in_dim3A_526 = vector.shape_cast %reduce_min3A_525 : vector<32x128xf32> to vector<32x1x128xf32>
    %reduce_min3A_527 = arith.constant dense<0x7F800000> : vector<32x1xf32>
    %reduce_min3A_528 = vector.multi_reduction <minimumf>, %broadcast_in_dim3A_526, %reduce_min3A_527 [2] : vector<32x1x128xf32> to vector<32x1xf32>
    %broadcast_in_dim3A_529 = vector.shape_cast %reduce_min3A_528 : vector<32x1xf32> to vector<32x1x1xf32>
    %eq3A_530 = vector.broadcast %broadcast_in_dim3A_529 : vector<32x1x1xf32> to vector<32x8x128xf32>
    %eq3A_531 = arith.cmpf oeq, %select_n3A_523, %eq3A_530 : vector<32x8x128xf32>
    %jit3A_532 = arith.constant 10240 : i32
    %broadcast_in_dim3A_533 = vector.broadcast %jit3A_532 : i32 to vector<32x8x128xi32>
    %select_n3A_534 = arith.select %eq3A_531, %concatenate3A_176, %broadcast_in_dim3A_533 : vector<32x8x128xi1>, vector<32x8x128xi32>
    %reduce_min3A_535 = arith.constant dense<2147483647> : vector<32x128xi32>
    %reduce_min3A_536 = vector.multi_reduction <minsi>, %select_n3A_534, %reduce_min3A_535 [1] : vector<32x8x128xi32> to vector<32x128xi32>
    %broadcast_in_dim3A_537 = vector.shape_cast %reduce_min3A_536 : vector<32x128xi32> to vector<32x1x128xi32>
    %reduce_min3A_538 = arith.constant dense<2147483647> : vector<32x1xi32>
    %reduce_min3A_539 = vector.multi_reduction <minsi>, %broadcast_in_dim3A_537, %reduce_min3A_538 [2] : vector<32x1x128xi32> to vector<32x1xi32>
    %broadcast_in_dim3A_540 = vector.shape_cast %reduce_min3A_539 : vector<32x1xi32> to vector<32x1x1xi32>
    %squeeze3A_541 = vector.shape_cast %broadcast_in_dim3A_529 : vector<32x1x1xf32> to vector<32x1xf32>
    %squeeze3A_542 = vector.shape_cast %broadcast_in_dim3A_540 : vector<32x1x1xi32> to vector<32x1xi32>
    %eq3A_543 = vector.broadcast %broadcast_in_dim3A_540 : vector<32x1x1xi32> to vector<32x8x128xi32>
    %eq3A_544 = arith.cmpi eq, %concatenate3A_176, %eq3A_543 : vector<32x8x128xi32>
    %and3A_545 = arith.andi %eq3A_531, %eq3A_544 : vector<32x8x128xi1>
    %jit3A_546 = arith.constant 0x7F800000 : f32
    %broadcast_in_dim3A_547 = vector.broadcast %jit3A_546 : f32 to vector<32x8x128xf32>
    %select_n3A_548 = arith.select %and3A_545, %broadcast_in_dim3A_547, %select_n3A_523 : vector<32x8x128xi1>, vector<32x8x128xf32>
    %reduce_min3A_549 = arith.constant dense<0x7F800000> : vector<32x128xf32>
    %reduce_min3A_550 = vector.multi_reduction <minimumf>, %select_n3A_548, %reduce_min3A_549 [1] : vector<32x8x128xf32> to vector<32x128xf32>
    %broadcast_in_dim3A_551 = vector.shape_cast %reduce_min3A_550 : vector<32x128xf32> to vector<32x1x128xf32>
    %reduce_min3A_552 = arith.constant dense<0x7F800000> : vector<32x1xf32>
    %reduce_min3A_553 = vector.multi_reduction <minimumf>, %broadcast_in_dim3A_551, %reduce_min3A_552 [2] : vector<32x1x128xf32> to vector<32x1xf32>
    %broadcast_in_dim3A_554 = vector.shape_cast %reduce_min3A_553 : vector<32x1xf32> to vector<32x1x1xf32>
    %eq3A_555 = vector.broadcast %broadcast_in_dim3A_554 : vector<32x1x1xf32> to vector<32x8x128xf32>
    %eq3A_556 = arith.cmpf oeq, %select_n3A_548, %eq3A_555 : vector<32x8x128xf32>
    %jit3A_557 = arith.constant 10240 : i32
    %broadcast_in_dim3A_558 = vector.broadcast %jit3A_557 : i32 to vector<32x8x128xi32>
    %select_n3A_559 = arith.select %eq3A_556, %concatenate3A_176, %broadcast_in_dim3A_558 : vector<32x8x128xi1>, vector<32x8x128xi32>
    %reduce_min3A_560 = arith.constant dense<2147483647> : vector<32x128xi32>
    %reduce_min3A_561 = vector.multi_reduction <minsi>, %select_n3A_559, %reduce_min3A_560 [1] : vector<32x8x128xi32> to vector<32x128xi32>
    %broadcast_in_dim3A_562 = vector.shape_cast %reduce_min3A_561 : vector<32x128xi32> to vector<32x1x128xi32>
    %reduce_min3A_563 = arith.constant dense<2147483647> : vector<32x1xi32>
    %reduce_min3A_564 = vector.multi_reduction <minsi>, %broadcast_in_dim3A_562, %reduce_min3A_563 [2] : vector<32x1x128xi32> to vector<32x1xi32>
    %broadcast_in_dim3A_565 = vector.shape_cast %reduce_min3A_564 : vector<32x1xi32> to vector<32x1x1xi32>
    %squeeze3A_566 = vector.shape_cast %broadcast_in_dim3A_554 : vector<32x1x1xf32> to vector<32x1xf32>
    %squeeze3A_567 = vector.shape_cast %broadcast_in_dim3A_565 : vector<32x1x1xi32> to vector<32x1xi32>
    %eq3A_568 = vector.broadcast %broadcast_in_dim3A_565 : vector<32x1x1xi32> to vector<32x8x128xi32>
    %eq3A_569 = arith.cmpi eq, %concatenate3A_176, %eq3A_568 : vector<32x8x128xi32>
    %and3A_570 = arith.andi %eq3A_556, %eq3A_569 : vector<32x8x128xi1>
    %jit3A_571 = arith.constant 0x7F800000 : f32
    %broadcast_in_dim3A_572 = vector.broadcast %jit3A_571 : f32 to vector<32x8x128xf32>
    %select_n3A_573 = arith.select %and3A_570, %broadcast_in_dim3A_572, %select_n3A_548 : vector<32x8x128xi1>, vector<32x8x128xf32>
    %reduce_min3A_574 = arith.constant dense<0x7F800000> : vector<32x128xf32>
    %reduce_min3A_575 = vector.multi_reduction <minimumf>, %select_n3A_573, %reduce_min3A_574 [1] : vector<32x8x128xf32> to vector<32x128xf32>
    %broadcast_in_dim3A_576 = vector.shape_cast %reduce_min3A_575 : vector<32x128xf32> to vector<32x1x128xf32>
    %reduce_min3A_577 = arith.constant dense<0x7F800000> : vector<32x1xf32>
    %reduce_min3A_578 = vector.multi_reduction <minimumf>, %broadcast_in_dim3A_576, %reduce_min3A_577 [2] : vector<32x1x128xf32> to vector<32x1xf32>
    %broadcast_in_dim3A_579 = vector.shape_cast %reduce_min3A_578 : vector<32x1xf32> to vector<32x1x1xf32>
    %eq3A_580 = vector.broadcast %broadcast_in_dim3A_579 : vector<32x1x1xf32> to vector<32x8x128xf32>
    %eq3A_581 = arith.cmpf oeq, %select_n3A_573, %eq3A_580 : vector<32x8x128xf32>
    %jit3A_582 = arith.constant 10240 : i32
    %broadcast_in_dim3A_583 = vector.broadcast %jit3A_582 : i32 to vector<32x8x128xi32>
    %select_n3A_584 = arith.select %eq3A_581, %concatenate3A_176, %broadcast_in_dim3A_583 : vector<32x8x128xi1>, vector<32x8x128xi32>
    %reduce_min3A_585 = arith.constant dense<2147483647> : vector<32x128xi32>
    %reduce_min3A_586 = vector.multi_reduction <minsi>, %select_n3A_584, %reduce_min3A_585 [1] : vector<32x8x128xi32> to vector<32x128xi32>
    %broadcast_in_dim3A_587 = vector.shape_cast %reduce_min3A_586 : vector<32x128xi32> to vector<32x1x128xi32>
    %reduce_min3A_588 = arith.constant dense<2147483647> : vector<32x1xi32>
    %reduce_min3A_589 = vector.multi_reduction <minsi>, %broadcast_in_dim3A_587, %reduce_min3A_588 [2] : vector<32x1x128xi32> to vector<32x1xi32>
    %broadcast_in_dim3A_590 = vector.shape_cast %reduce_min3A_589 : vector<32x1xi32> to vector<32x1x1xi32>
    %squeeze3A_591 = vector.shape_cast %broadcast_in_dim3A_579 : vector<32x1x1xf32> to vector<32x1xf32>
    %squeeze3A_592 = vector.shape_cast %broadcast_in_dim3A_590 : vector<32x1x1xi32> to vector<32x1xi32>
    %eq3A_593 = vector.broadcast %broadcast_in_dim3A_590 : vector<32x1x1xi32> to vector<32x8x128xi32>
    %eq3A_594 = arith.cmpi eq, %concatenate3A_176, %eq3A_593 : vector<32x8x128xi32>
    %and3A_595 = arith.andi %eq3A_581, %eq3A_594 : vector<32x8x128xi1>
    %jit3A_596 = arith.constant 0x7F800000 : f32
    %broadcast_in_dim3A_597 = vector.broadcast %jit3A_596 : f32 to vector<32x8x128xf32>
    %select_n3A_598 = arith.select %and3A_595, %broadcast_in_dim3A_597, %select_n3A_573 : vector<32x8x128xi1>, vector<32x8x128xf32>
    %reduce_min3A_599 = arith.constant dense<0x7F800000> : vector<32x128xf32>
    %reduce_min3A_600 = vector.multi_reduction <minimumf>, %select_n3A_598, %reduce_min3A_599 [1] : vector<32x8x128xf32> to vector<32x128xf32>
    %broadcast_in_dim3A_601 = vector.shape_cast %reduce_min3A_600 : vector<32x128xf32> to vector<32x1x128xf32>
    %reduce_min3A_602 = arith.constant dense<0x7F800000> : vector<32x1xf32>
    %reduce_min3A_603 = vector.multi_reduction <minimumf>, %broadcast_in_dim3A_601, %reduce_min3A_602 [2] : vector<32x1x128xf32> to vector<32x1xf32>
    %broadcast_in_dim3A_604 = vector.shape_cast %reduce_min3A_603 : vector<32x1xf32> to vector<32x1x1xf32>
    %eq3A_605 = vector.broadcast %broadcast_in_dim3A_604 : vector<32x1x1xf32> to vector<32x8x128xf32>
    %eq3A_606 = arith.cmpf oeq, %select_n3A_598, %eq3A_605 : vector<32x8x128xf32>
    %jit3A_607 = arith.constant 10240 : i32
    %broadcast_in_dim3A_608 = vector.broadcast %jit3A_607 : i32 to vector<32x8x128xi32>
    %select_n3A_609 = arith.select %eq3A_606, %concatenate3A_176, %broadcast_in_dim3A_608 : vector<32x8x128xi1>, vector<32x8x128xi32>
    %reduce_min3A_610 = arith.constant dense<2147483647> : vector<32x128xi32>
    %reduce_min3A_611 = vector.multi_reduction <minsi>, %select_n3A_609, %reduce_min3A_610 [1] : vector<32x8x128xi32> to vector<32x128xi32>
    %broadcast_in_dim3A_612 = vector.shape_cast %reduce_min3A_611 : vector<32x128xi32> to vector<32x1x128xi32>
    %reduce_min3A_613 = arith.constant dense<2147483647> : vector<32x1xi32>
    %reduce_min3A_614 = vector.multi_reduction <minsi>, %broadcast_in_dim3A_612, %reduce_min3A_613 [2] : vector<32x1x128xi32> to vector<32x1xi32>
    %broadcast_in_dim3A_615 = vector.shape_cast %reduce_min3A_614 : vector<32x1xi32> to vector<32x1x1xi32>
    %squeeze3A_616 = vector.shape_cast %broadcast_in_dim3A_604 : vector<32x1x1xf32> to vector<32x1xf32>
    %squeeze3A_617 = vector.shape_cast %broadcast_in_dim3A_615 : vector<32x1x1xi32> to vector<32x1xi32>
    %eq3A_618 = vector.broadcast %broadcast_in_dim3A_615 : vector<32x1x1xi32> to vector<32x8x128xi32>
    %eq3A_619 = arith.cmpi eq, %concatenate3A_176, %eq3A_618 : vector<32x8x128xi32>
    %and3A_620 = arith.andi %eq3A_606, %eq3A_619 : vector<32x8x128xi1>
    %jit3A_621 = arith.constant 0x7F800000 : f32
    %broadcast_in_dim3A_622 = vector.broadcast %jit3A_621 : f32 to vector<32x8x128xf32>
    %select_n3A_623 = arith.select %and3A_620, %broadcast_in_dim3A_622, %select_n3A_598 : vector<32x8x128xi1>, vector<32x8x128xf32>
    %reduce_min3A_624 = arith.constant dense<0x7F800000> : vector<32x128xf32>
    %reduce_min3A_625 = vector.multi_reduction <minimumf>, %select_n3A_623, %reduce_min3A_624 [1] : vector<32x8x128xf32> to vector<32x128xf32>
    %broadcast_in_dim3A_626 = vector.shape_cast %reduce_min3A_625 : vector<32x128xf32> to vector<32x1x128xf32>
    %reduce_min3A_627 = arith.constant dense<0x7F800000> : vector<32x1xf32>
    %reduce_min3A_628 = vector.multi_reduction <minimumf>, %broadcast_in_dim3A_626, %reduce_min3A_627 [2] : vector<32x1x128xf32> to vector<32x1xf32>
    %broadcast_in_dim3A_629 = vector.shape_cast %reduce_min3A_628 : vector<32x1xf32> to vector<32x1x1xf32>
    %eq3A_630 = vector.broadcast %broadcast_in_dim3A_629 : vector<32x1x1xf32> to vector<32x8x128xf32>
    %eq3A_631 = arith.cmpf oeq, %select_n3A_623, %eq3A_630 : vector<32x8x128xf32>
    %jit3A_632 = arith.constant 10240 : i32
    %broadcast_in_dim3A_633 = vector.broadcast %jit3A_632 : i32 to vector<32x8x128xi32>
    %select_n3A_634 = arith.select %eq3A_631, %concatenate3A_176, %broadcast_in_dim3A_633 : vector<32x8x128xi1>, vector<32x8x128xi32>
    %reduce_min3A_635 = arith.constant dense<2147483647> : vector<32x128xi32>
    %reduce_min3A_636 = vector.multi_reduction <minsi>, %select_n3A_634, %reduce_min3A_635 [1] : vector<32x8x128xi32> to vector<32x128xi32>
    %broadcast_in_dim3A_637 = vector.shape_cast %reduce_min3A_636 : vector<32x128xi32> to vector<32x1x128xi32>
    %reduce_min3A_638 = arith.constant dense<2147483647> : vector<32x1xi32>
    %reduce_min3A_639 = vector.multi_reduction <minsi>, %broadcast_in_dim3A_637, %reduce_min3A_638 [2] : vector<32x1x128xi32> to vector<32x1xi32>
    %broadcast_in_dim3A_640 = vector.shape_cast %reduce_min3A_639 : vector<32x1xi32> to vector<32x1x1xi32>
    %squeeze3A_641 = vector.shape_cast %broadcast_in_dim3A_629 : vector<32x1x1xf32> to vector<32x1xf32>
    %squeeze3A_642 = vector.shape_cast %broadcast_in_dim3A_640 : vector<32x1x1xi32> to vector<32x1xi32>
    %eq3A_643 = vector.broadcast %broadcast_in_dim3A_640 : vector<32x1x1xi32> to vector<32x8x128xi32>
    %eq3A_644 = arith.cmpi eq, %concatenate3A_176, %eq3A_643 : vector<32x8x128xi32>
    %and3A_645 = arith.andi %eq3A_631, %eq3A_644 : vector<32x8x128xi1>
    %jit3A_646 = arith.constant 0x7F800000 : f32
    %broadcast_in_dim3A_647 = vector.broadcast %jit3A_646 : f32 to vector<32x8x128xf32>
    %select_n3A_648 = arith.select %and3A_645, %broadcast_in_dim3A_647, %select_n3A_623 : vector<32x8x128xi1>, vector<32x8x128xf32>
    %reduce_min3A_649 = arith.constant dense<0x7F800000> : vector<32x128xf32>
    %reduce_min3A_650 = vector.multi_reduction <minimumf>, %select_n3A_648, %reduce_min3A_649 [1] : vector<32x8x128xf32> to vector<32x128xf32>
    %broadcast_in_dim3A_651 = vector.shape_cast %reduce_min3A_650 : vector<32x128xf32> to vector<32x1x128xf32>
    %reduce_min3A_652 = arith.constant dense<0x7F800000> : vector<32x1xf32>
    %reduce_min3A_653 = vector.multi_reduction <minimumf>, %broadcast_in_dim3A_651, %reduce_min3A_652 [2] : vector<32x1x128xf32> to vector<32x1xf32>
    %broadcast_in_dim3A_654 = vector.shape_cast %reduce_min3A_653 : vector<32x1xf32> to vector<32x1x1xf32>
    %eq3A_655 = vector.broadcast %broadcast_in_dim3A_654 : vector<32x1x1xf32> to vector<32x8x128xf32>
    %eq3A_656 = arith.cmpf oeq, %select_n3A_648, %eq3A_655 : vector<32x8x128xf32>
    %jit3A_657 = arith.constant 10240 : i32
    %broadcast_in_dim3A_658 = vector.broadcast %jit3A_657 : i32 to vector<32x8x128xi32>
    %select_n3A_659 = arith.select %eq3A_656, %concatenate3A_176, %broadcast_in_dim3A_658 : vector<32x8x128xi1>, vector<32x8x128xi32>
    %reduce_min3A_660 = arith.constant dense<2147483647> : vector<32x128xi32>
    %reduce_min3A_661 = vector.multi_reduction <minsi>, %select_n3A_659, %reduce_min3A_660 [1] : vector<32x8x128xi32> to vector<32x128xi32>
    %broadcast_in_dim3A_662 = vector.shape_cast %reduce_min3A_661 : vector<32x128xi32> to vector<32x1x128xi32>
    %reduce_min3A_663 = arith.constant dense<2147483647> : vector<32x1xi32>
    %reduce_min3A_664 = vector.multi_reduction <minsi>, %broadcast_in_dim3A_662, %reduce_min3A_663 [2] : vector<32x1x128xi32> to vector<32x1xi32>
    %broadcast_in_dim3A_665 = vector.shape_cast %reduce_min3A_664 : vector<32x1xi32> to vector<32x1x1xi32>
    %squeeze3A_666 = vector.shape_cast %broadcast_in_dim3A_654 : vector<32x1x1xf32> to vector<32x1xf32>
    %squeeze3A_667 = vector.shape_cast %broadcast_in_dim3A_665 : vector<32x1x1xi32> to vector<32x1xi32>
    %eq3A_668 = vector.broadcast %broadcast_in_dim3A_665 : vector<32x1x1xi32> to vector<32x8x128xi32>
    %eq3A_669 = arith.cmpi eq, %concatenate3A_176, %eq3A_668 : vector<32x8x128xi32>
    %and3A_670 = arith.andi %eq3A_656, %eq3A_669 : vector<32x8x128xi1>
    %jit3A_671 = arith.constant 0x7F800000 : f32
    %broadcast_in_dim3A_672 = vector.broadcast %jit3A_671 : f32 to vector<32x8x128xf32>
    %select_n3A_673 = arith.select %and3A_670, %broadcast_in_dim3A_672, %select_n3A_648 : vector<32x8x128xi1>, vector<32x8x128xf32>
    %reduce_min3A_674 = arith.constant dense<0x7F800000> : vector<32x128xf32>
    %reduce_min3A_675 = vector.multi_reduction <minimumf>, %select_n3A_673, %reduce_min3A_674 [1] : vector<32x8x128xf32> to vector<32x128xf32>
    %broadcast_in_dim3A_676 = vector.shape_cast %reduce_min3A_675 : vector<32x128xf32> to vector<32x1x128xf32>
    %reduce_min3A_677 = arith.constant dense<0x7F800000> : vector<32x1xf32>
    %reduce_min3A_678 = vector.multi_reduction <minimumf>, %broadcast_in_dim3A_676, %reduce_min3A_677 [2] : vector<32x1x128xf32> to vector<32x1xf32>
    %broadcast_in_dim3A_679 = vector.shape_cast %reduce_min3A_678 : vector<32x1xf32> to vector<32x1x1xf32>
    %eq3A_680 = vector.broadcast %broadcast_in_dim3A_679 : vector<32x1x1xf32> to vector<32x8x128xf32>
    %eq3A_681 = arith.cmpf oeq, %select_n3A_673, %eq3A_680 : vector<32x8x128xf32>
    %jit3A_682 = arith.constant 10240 : i32
    %broadcast_in_dim3A_683 = vector.broadcast %jit3A_682 : i32 to vector<32x8x128xi32>
    %select_n3A_684 = arith.select %eq3A_681, %concatenate3A_176, %broadcast_in_dim3A_683 : vector<32x8x128xi1>, vector<32x8x128xi32>
    %reduce_min3A_685 = arith.constant dense<2147483647> : vector<32x128xi32>
    %reduce_min3A_686 = vector.multi_reduction <minsi>, %select_n3A_684, %reduce_min3A_685 [1] : vector<32x8x128xi32> to vector<32x128xi32>
    %broadcast_in_dim3A_687 = vector.shape_cast %reduce_min3A_686 : vector<32x128xi32> to vector<32x1x128xi32>
    %reduce_min3A_688 = arith.constant dense<2147483647> : vector<32x1xi32>
    %reduce_min3A_689 = vector.multi_reduction <minsi>, %broadcast_in_dim3A_687, %reduce_min3A_688 [2] : vector<32x1x128xi32> to vector<32x1xi32>
    %broadcast_in_dim3A_690 = vector.shape_cast %reduce_min3A_689 : vector<32x1xi32> to vector<32x1x1xi32>
    %squeeze3A_691 = vector.shape_cast %broadcast_in_dim3A_679 : vector<32x1x1xf32> to vector<32x1xf32>
    %squeeze3A_692 = vector.shape_cast %broadcast_in_dim3A_690 : vector<32x1x1xi32> to vector<32x1xi32>
    %eq3A_693 = vector.broadcast %broadcast_in_dim3A_690 : vector<32x1x1xi32> to vector<32x8x128xi32>
    %eq3A_694 = arith.cmpi eq, %concatenate3A_176, %eq3A_693 : vector<32x8x128xi32>
    %and3A_695 = arith.andi %eq3A_681, %eq3A_694 : vector<32x8x128xi1>
    %jit3A_696 = arith.constant 0x7F800000 : f32
    %broadcast_in_dim3A_697 = vector.broadcast %jit3A_696 : f32 to vector<32x8x128xf32>
    %select_n3A_698 = arith.select %and3A_695, %broadcast_in_dim3A_697, %select_n3A_673 : vector<32x8x128xi1>, vector<32x8x128xf32>
    %reduce_min3A_699 = arith.constant dense<0x7F800000> : vector<32x128xf32>
    %reduce_min3A_700 = vector.multi_reduction <minimumf>, %select_n3A_698, %reduce_min3A_699 [1] : vector<32x8x128xf32> to vector<32x128xf32>
    %broadcast_in_dim3A_701 = vector.shape_cast %reduce_min3A_700 : vector<32x128xf32> to vector<32x1x128xf32>
    %reduce_min3A_702 = arith.constant dense<0x7F800000> : vector<32x1xf32>
    %reduce_min3A_703 = vector.multi_reduction <minimumf>, %broadcast_in_dim3A_701, %reduce_min3A_702 [2] : vector<32x1x128xf32> to vector<32x1xf32>
    %broadcast_in_dim3A_704 = vector.shape_cast %reduce_min3A_703 : vector<32x1xf32> to vector<32x1x1xf32>
    %eq3A_705 = vector.broadcast %broadcast_in_dim3A_704 : vector<32x1x1xf32> to vector<32x8x128xf32>
    %eq3A_706 = arith.cmpf oeq, %select_n3A_698, %eq3A_705 : vector<32x8x128xf32>
    %jit3A_707 = arith.constant 10240 : i32
    %broadcast_in_dim3A_708 = vector.broadcast %jit3A_707 : i32 to vector<32x8x128xi32>
    %select_n3A_709 = arith.select %eq3A_706, %concatenate3A_176, %broadcast_in_dim3A_708 : vector<32x8x128xi1>, vector<32x8x128xi32>
    %reduce_min3A_710 = arith.constant dense<2147483647> : vector<32x128xi32>
    %reduce_min3A_711 = vector.multi_reduction <minsi>, %select_n3A_709, %reduce_min3A_710 [1] : vector<32x8x128xi32> to vector<32x128xi32>
    %broadcast_in_dim3A_712 = vector.shape_cast %reduce_min3A_711 : vector<32x128xi32> to vector<32x1x128xi32>
    %reduce_min3A_713 = arith.constant dense<2147483647> : vector<32x1xi32>
    %reduce_min3A_714 = vector.multi_reduction <minsi>, %broadcast_in_dim3A_712, %reduce_min3A_713 [2] : vector<32x1x128xi32> to vector<32x1xi32>
    %broadcast_in_dim3A_715 = vector.shape_cast %reduce_min3A_714 : vector<32x1xi32> to vector<32x1x1xi32>
    %squeeze3A_716 = vector.shape_cast %broadcast_in_dim3A_704 : vector<32x1x1xf32> to vector<32x1xf32>
    %squeeze3A_717 = vector.shape_cast %broadcast_in_dim3A_715 : vector<32x1x1xi32> to vector<32x1xi32>
    %eq3A_718 = vector.broadcast %broadcast_in_dim3A_715 : vector<32x1x1xi32> to vector<32x8x128xi32>
    %eq3A_719 = arith.cmpi eq, %concatenate3A_176, %eq3A_718 : vector<32x8x128xi32>
    %and3A_720 = arith.andi %eq3A_706, %eq3A_719 : vector<32x8x128xi1>
    %jit3A_721 = arith.constant 0x7F800000 : f32
    %broadcast_in_dim3A_722 = vector.broadcast %jit3A_721 : f32 to vector<32x8x128xf32>
    %select_n3A_723 = arith.select %and3A_720, %broadcast_in_dim3A_722, %select_n3A_698 : vector<32x8x128xi1>, vector<32x8x128xf32>
    %reduce_min3A_724 = arith.constant dense<0x7F800000> : vector<32x128xf32>
    %reduce_min3A_725 = vector.multi_reduction <minimumf>, %select_n3A_723, %reduce_min3A_724 [1] : vector<32x8x128xf32> to vector<32x128xf32>
    %broadcast_in_dim3A_726 = vector.shape_cast %reduce_min3A_725 : vector<32x128xf32> to vector<32x1x128xf32>
    %reduce_min3A_727 = arith.constant dense<0x7F800000> : vector<32x1xf32>
    %reduce_min3A_728 = vector.multi_reduction <minimumf>, %broadcast_in_dim3A_726, %reduce_min3A_727 [2] : vector<32x1x128xf32> to vector<32x1xf32>
    %broadcast_in_dim3A_729 = vector.shape_cast %reduce_min3A_728 : vector<32x1xf32> to vector<32x1x1xf32>
    %eq3A_730 = vector.broadcast %broadcast_in_dim3A_729 : vector<32x1x1xf32> to vector<32x8x128xf32>
    %eq3A_731 = arith.cmpf oeq, %select_n3A_723, %eq3A_730 : vector<32x8x128xf32>
    %jit3A_732 = arith.constant 10240 : i32
    %broadcast_in_dim3A_733 = vector.broadcast %jit3A_732 : i32 to vector<32x8x128xi32>
    %select_n3A_734 = arith.select %eq3A_731, %concatenate3A_176, %broadcast_in_dim3A_733 : vector<32x8x128xi1>, vector<32x8x128xi32>
    %reduce_min3A_735 = arith.constant dense<2147483647> : vector<32x128xi32>
    %reduce_min3A_736 = vector.multi_reduction <minsi>, %select_n3A_734, %reduce_min3A_735 [1] : vector<32x8x128xi32> to vector<32x128xi32>
    %broadcast_in_dim3A_737 = vector.shape_cast %reduce_min3A_736 : vector<32x128xi32> to vector<32x1x128xi32>
    %reduce_min3A_738 = arith.constant dense<2147483647> : vector<32x1xi32>
    %reduce_min3A_739 = vector.multi_reduction <minsi>, %broadcast_in_dim3A_737, %reduce_min3A_738 [2] : vector<32x1x128xi32> to vector<32x1xi32>
    %broadcast_in_dim3A_740 = vector.shape_cast %reduce_min3A_739 : vector<32x1xi32> to vector<32x1x1xi32>
    %squeeze3A_741 = vector.shape_cast %broadcast_in_dim3A_729 : vector<32x1x1xf32> to vector<32x1xf32>
    %squeeze3A_742 = vector.shape_cast %broadcast_in_dim3A_740 : vector<32x1x1xi32> to vector<32x1xi32>
    %eq3A_743 = vector.broadcast %broadcast_in_dim3A_740 : vector<32x1x1xi32> to vector<32x8x128xi32>
    %eq3A_744 = arith.cmpi eq, %concatenate3A_176, %eq3A_743 : vector<32x8x128xi32>
    %and3A_745 = arith.andi %eq3A_731, %eq3A_744 : vector<32x8x128xi1>
    %jit3A_746 = arith.constant 0x7F800000 : f32
    %broadcast_in_dim3A_747 = vector.broadcast %jit3A_746 : f32 to vector<32x8x128xf32>
    %select_n3A_748 = arith.select %and3A_745, %broadcast_in_dim3A_747, %select_n3A_723 : vector<32x8x128xi1>, vector<32x8x128xf32>
    %reduce_min3A_749 = arith.constant dense<0x7F800000> : vector<32x128xf32>
    %reduce_min3A_750 = vector.multi_reduction <minimumf>, %select_n3A_748, %reduce_min3A_749 [1] : vector<32x8x128xf32> to vector<32x128xf32>
    %broadcast_in_dim3A_751 = vector.shape_cast %reduce_min3A_750 : vector<32x128xf32> to vector<32x1x128xf32>
    %reduce_min3A_752 = arith.constant dense<0x7F800000> : vector<32x1xf32>
    %reduce_min3A_753 = vector.multi_reduction <minimumf>, %broadcast_in_dim3A_751, %reduce_min3A_752 [2] : vector<32x1x128xf32> to vector<32x1xf32>
    %broadcast_in_dim3A_754 = vector.shape_cast %reduce_min3A_753 : vector<32x1xf32> to vector<32x1x1xf32>
    %eq3A_755 = vector.broadcast %broadcast_in_dim3A_754 : vector<32x1x1xf32> to vector<32x8x128xf32>
    %eq3A_756 = arith.cmpf oeq, %select_n3A_748, %eq3A_755 : vector<32x8x128xf32>
    %jit3A_757 = arith.constant 10240 : i32
    %broadcast_in_dim3A_758 = vector.broadcast %jit3A_757 : i32 to vector<32x8x128xi32>
    %select_n3A_759 = arith.select %eq3A_756, %concatenate3A_176, %broadcast_in_dim3A_758 : vector<32x8x128xi1>, vector<32x8x128xi32>
    %reduce_min3A_760 = arith.constant dense<2147483647> : vector<32x128xi32>
    %reduce_min3A_761 = vector.multi_reduction <minsi>, %select_n3A_759, %reduce_min3A_760 [1] : vector<32x8x128xi32> to vector<32x128xi32>
    %broadcast_in_dim3A_762 = vector.shape_cast %reduce_min3A_761 : vector<32x128xi32> to vector<32x1x128xi32>
    %reduce_min3A_763 = arith.constant dense<2147483647> : vector<32x1xi32>
    %reduce_min3A_764 = vector.multi_reduction <minsi>, %broadcast_in_dim3A_762, %reduce_min3A_763 [2] : vector<32x1x128xi32> to vector<32x1xi32>
    %broadcast_in_dim3A_765 = vector.shape_cast %reduce_min3A_764 : vector<32x1xi32> to vector<32x1x1xi32>
    %squeeze3A_766 = vector.shape_cast %broadcast_in_dim3A_754 : vector<32x1x1xf32> to vector<32x1xf32>
    %squeeze3A_767 = vector.shape_cast %broadcast_in_dim3A_765 : vector<32x1x1xi32> to vector<32x1xi32>
    %eq3A_768 = vector.broadcast %broadcast_in_dim3A_765 : vector<32x1x1xi32> to vector<32x8x128xi32>
    %eq3A_769 = arith.cmpi eq, %concatenate3A_176, %eq3A_768 : vector<32x8x128xi32>
    %and3A_770 = arith.andi %eq3A_756, %eq3A_769 : vector<32x8x128xi1>
    %jit3A_771 = arith.constant 0x7F800000 : f32
    %broadcast_in_dim3A_772 = vector.broadcast %jit3A_771 : f32 to vector<32x8x128xf32>
    %select_n3A_773 = arith.select %and3A_770, %broadcast_in_dim3A_772, %select_n3A_748 : vector<32x8x128xi1>, vector<32x8x128xf32>
    %reduce_min3A_774 = arith.constant dense<0x7F800000> : vector<32x128xf32>
    %reduce_min3A_775 = vector.multi_reduction <minimumf>, %select_n3A_773, %reduce_min3A_774 [1] : vector<32x8x128xf32> to vector<32x128xf32>
    %broadcast_in_dim3A_776 = vector.shape_cast %reduce_min3A_775 : vector<32x128xf32> to vector<32x1x128xf32>
    %reduce_min3A_777 = arith.constant dense<0x7F800000> : vector<32x1xf32>
    %reduce_min3A_778 = vector.multi_reduction <minimumf>, %broadcast_in_dim3A_776, %reduce_min3A_777 [2] : vector<32x1x128xf32> to vector<32x1xf32>
    %broadcast_in_dim3A_779 = vector.shape_cast %reduce_min3A_778 : vector<32x1xf32> to vector<32x1x1xf32>
    %eq3A_780 = vector.broadcast %broadcast_in_dim3A_779 : vector<32x1x1xf32> to vector<32x8x128xf32>
    %eq3A_781 = arith.cmpf oeq, %select_n3A_773, %eq3A_780 : vector<32x8x128xf32>
    %jit3A_782 = arith.constant 10240 : i32
    %broadcast_in_dim3A_783 = vector.broadcast %jit3A_782 : i32 to vector<32x8x128xi32>
    %select_n3A_784 = arith.select %eq3A_781, %concatenate3A_176, %broadcast_in_dim3A_783 : vector<32x8x128xi1>, vector<32x8x128xi32>
    %reduce_min3A_785 = arith.constant dense<2147483647> : vector<32x128xi32>
    %reduce_min3A_786 = vector.multi_reduction <minsi>, %select_n3A_784, %reduce_min3A_785 [1] : vector<32x8x128xi32> to vector<32x128xi32>
    %broadcast_in_dim3A_787 = vector.shape_cast %reduce_min3A_786 : vector<32x128xi32> to vector<32x1x128xi32>
    %reduce_min3A_788 = arith.constant dense<2147483647> : vector<32x1xi32>
    %reduce_min3A_789 = vector.multi_reduction <minsi>, %broadcast_in_dim3A_787, %reduce_min3A_788 [2] : vector<32x1x128xi32> to vector<32x1xi32>
    %broadcast_in_dim3A_790 = vector.shape_cast %reduce_min3A_789 : vector<32x1xi32> to vector<32x1x1xi32>
    %squeeze3A_791 = vector.shape_cast %broadcast_in_dim3A_779 : vector<32x1x1xf32> to vector<32x1xf32>
    %squeeze3A_792 = vector.shape_cast %broadcast_in_dim3A_790 : vector<32x1x1xi32> to vector<32x1xi32>
    %eq3A_793 = vector.broadcast %broadcast_in_dim3A_790 : vector<32x1x1xi32> to vector<32x8x128xi32>
    %eq3A_794 = arith.cmpi eq, %concatenate3A_176, %eq3A_793 : vector<32x8x128xi32>
    %and3A_795 = arith.andi %eq3A_781, %eq3A_794 : vector<32x8x128xi1>
    %jit3A_796 = arith.constant 0x7F800000 : f32
    %broadcast_in_dim3A_797 = vector.broadcast %jit3A_796 : f32 to vector<32x8x128xf32>
    %select_n3A_798 = arith.select %and3A_795, %broadcast_in_dim3A_797, %select_n3A_773 : vector<32x8x128xi1>, vector<32x8x128xf32>
    %reduce_min3A_799 = arith.constant dense<0x7F800000> : vector<32x128xf32>
    %reduce_min3A_800 = vector.multi_reduction <minimumf>, %select_n3A_798, %reduce_min3A_799 [1] : vector<32x8x128xf32> to vector<32x128xf32>
    %broadcast_in_dim3A_801 = vector.shape_cast %reduce_min3A_800 : vector<32x128xf32> to vector<32x1x128xf32>
    %reduce_min3A_802 = arith.constant dense<0x7F800000> : vector<32x1xf32>
    %reduce_min3A_803 = vector.multi_reduction <minimumf>, %broadcast_in_dim3A_801, %reduce_min3A_802 [2] : vector<32x1x128xf32> to vector<32x1xf32>
    %broadcast_in_dim3A_804 = vector.shape_cast %reduce_min3A_803 : vector<32x1xf32> to vector<32x1x1xf32>
    %eq3A_805 = vector.broadcast %broadcast_in_dim3A_804 : vector<32x1x1xf32> to vector<32x8x128xf32>
    %eq3A_806 = arith.cmpf oeq, %select_n3A_798, %eq3A_805 : vector<32x8x128xf32>
    %jit3A_807 = arith.constant 10240 : i32
    %broadcast_in_dim3A_808 = vector.broadcast %jit3A_807 : i32 to vector<32x8x128xi32>
    %select_n3A_809 = arith.select %eq3A_806, %concatenate3A_176, %broadcast_in_dim3A_808 : vector<32x8x128xi1>, vector<32x8x128xi32>
    %reduce_min3A_810 = arith.constant dense<2147483647> : vector<32x128xi32>
    %reduce_min3A_811 = vector.multi_reduction <minsi>, %select_n3A_809, %reduce_min3A_810 [1] : vector<32x8x128xi32> to vector<32x128xi32>
    %broadcast_in_dim3A_812 = vector.shape_cast %reduce_min3A_811 : vector<32x128xi32> to vector<32x1x128xi32>
    %reduce_min3A_813 = arith.constant dense<2147483647> : vector<32x1xi32>
    %reduce_min3A_814 = vector.multi_reduction <minsi>, %broadcast_in_dim3A_812, %reduce_min3A_813 [2] : vector<32x1x128xi32> to vector<32x1xi32>
    %broadcast_in_dim3A_815 = vector.shape_cast %reduce_min3A_814 : vector<32x1xi32> to vector<32x1x1xi32>
    %squeeze3A_816 = vector.shape_cast %broadcast_in_dim3A_804 : vector<32x1x1xf32> to vector<32x1xf32>
    %squeeze3A_817 = vector.shape_cast %broadcast_in_dim3A_815 : vector<32x1x1xi32> to vector<32x1xi32>
    %eq3A_818 = vector.broadcast %broadcast_in_dim3A_815 : vector<32x1x1xi32> to vector<32x8x128xi32>
    %eq3A_819 = arith.cmpi eq, %concatenate3A_176, %eq3A_818 : vector<32x8x128xi32>
    %and3A_820 = arith.andi %eq3A_806, %eq3A_819 : vector<32x8x128xi1>
    %jit3A_821 = arith.constant 0x7F800000 : f32
    %broadcast_in_dim3A_822 = vector.broadcast %jit3A_821 : f32 to vector<32x8x128xf32>
    %select_n3A_823 = arith.select %and3A_820, %broadcast_in_dim3A_822, %select_n3A_798 : vector<32x8x128xi1>, vector<32x8x128xf32>
    %reduce_min3A_824 = arith.constant dense<0x7F800000> : vector<32x128xf32>
    %reduce_min3A_825 = vector.multi_reduction <minimumf>, %select_n3A_823, %reduce_min3A_824 [1] : vector<32x8x128xf32> to vector<32x128xf32>
    %broadcast_in_dim3A_826 = vector.shape_cast %reduce_min3A_825 : vector<32x128xf32> to vector<32x1x128xf32>
    %reduce_min3A_827 = arith.constant dense<0x7F800000> : vector<32x1xf32>
    %reduce_min3A_828 = vector.multi_reduction <minimumf>, %broadcast_in_dim3A_826, %reduce_min3A_827 [2] : vector<32x1x128xf32> to vector<32x1xf32>
    %broadcast_in_dim3A_829 = vector.shape_cast %reduce_min3A_828 : vector<32x1xf32> to vector<32x1x1xf32>
    %eq3A_830 = vector.broadcast %broadcast_in_dim3A_829 : vector<32x1x1xf32> to vector<32x8x128xf32>
    %eq3A_831 = arith.cmpf oeq, %select_n3A_823, %eq3A_830 : vector<32x8x128xf32>
    %jit3A_832 = arith.constant 10240 : i32
    %broadcast_in_dim3A_833 = vector.broadcast %jit3A_832 : i32 to vector<32x8x128xi32>
    %select_n3A_834 = arith.select %eq3A_831, %concatenate3A_176, %broadcast_in_dim3A_833 : vector<32x8x128xi1>, vector<32x8x128xi32>
    %reduce_min3A_835 = arith.constant dense<2147483647> : vector<32x128xi32>
    %reduce_min3A_836 = vector.multi_reduction <minsi>, %select_n3A_834, %reduce_min3A_835 [1] : vector<32x8x128xi32> to vector<32x128xi32>
    %broadcast_in_dim3A_837 = vector.shape_cast %reduce_min3A_836 : vector<32x128xi32> to vector<32x1x128xi32>
    %reduce_min3A_838 = arith.constant dense<2147483647> : vector<32x1xi32>
    %reduce_min3A_839 = vector.multi_reduction <minsi>, %broadcast_in_dim3A_837, %reduce_min3A_838 [2] : vector<32x1x128xi32> to vector<32x1xi32>
    %broadcast_in_dim3A_840 = vector.shape_cast %reduce_min3A_839 : vector<32x1xi32> to vector<32x1x1xi32>
    %squeeze3A_841 = vector.shape_cast %broadcast_in_dim3A_829 : vector<32x1x1xf32> to vector<32x1xf32>
    %squeeze3A_842 = vector.shape_cast %broadcast_in_dim3A_840 : vector<32x1x1xi32> to vector<32x1xi32>
    %eq3A_843 = vector.broadcast %broadcast_in_dim3A_840 : vector<32x1x1xi32> to vector<32x8x128xi32>
    %eq3A_844 = arith.cmpi eq, %concatenate3A_176, %eq3A_843 : vector<32x8x128xi32>
    %and3A_845 = arith.andi %eq3A_831, %eq3A_844 : vector<32x8x128xi1>
    %jit3A_846 = arith.constant 0x7F800000 : f32
    %broadcast_in_dim3A_847 = vector.broadcast %jit3A_846 : f32 to vector<32x8x128xf32>
    %select_n3A_848 = arith.select %and3A_845, %broadcast_in_dim3A_847, %select_n3A_823 : vector<32x8x128xi1>, vector<32x8x128xf32>
    %reduce_min3A_849 = arith.constant dense<0x7F800000> : vector<32x128xf32>
    %reduce_min3A_850 = vector.multi_reduction <minimumf>, %select_n3A_848, %reduce_min3A_849 [1] : vector<32x8x128xf32> to vector<32x128xf32>
    %broadcast_in_dim3A_851 = vector.shape_cast %reduce_min3A_850 : vector<32x128xf32> to vector<32x1x128xf32>
    %reduce_min3A_852 = arith.constant dense<0x7F800000> : vector<32x1xf32>
    %reduce_min3A_853 = vector.multi_reduction <minimumf>, %broadcast_in_dim3A_851, %reduce_min3A_852 [2] : vector<32x1x128xf32> to vector<32x1xf32>
    %broadcast_in_dim3A_854 = vector.shape_cast %reduce_min3A_853 : vector<32x1xf32> to vector<32x1x1xf32>
    %eq3A_855 = vector.broadcast %broadcast_in_dim3A_854 : vector<32x1x1xf32> to vector<32x8x128xf32>
    %eq3A_856 = arith.cmpf oeq, %select_n3A_848, %eq3A_855 : vector<32x8x128xf32>
    %jit3A_857 = arith.constant 10240 : i32
    %broadcast_in_dim3A_858 = vector.broadcast %jit3A_857 : i32 to vector<32x8x128xi32>
    %select_n3A_859 = arith.select %eq3A_856, %concatenate3A_176, %broadcast_in_dim3A_858 : vector<32x8x128xi1>, vector<32x8x128xi32>
    %reduce_min3A_860 = arith.constant dense<2147483647> : vector<32x128xi32>
    %reduce_min3A_861 = vector.multi_reduction <minsi>, %select_n3A_859, %reduce_min3A_860 [1] : vector<32x8x128xi32> to vector<32x128xi32>
    %broadcast_in_dim3A_862 = vector.shape_cast %reduce_min3A_861 : vector<32x128xi32> to vector<32x1x128xi32>
    %reduce_min3A_863 = arith.constant dense<2147483647> : vector<32x1xi32>
    %reduce_min3A_864 = vector.multi_reduction <minsi>, %broadcast_in_dim3A_862, %reduce_min3A_863 [2] : vector<32x1x128xi32> to vector<32x1xi32>
    %broadcast_in_dim3A_865 = vector.shape_cast %reduce_min3A_864 : vector<32x1xi32> to vector<32x1x1xi32>
    %squeeze3A_866 = vector.shape_cast %broadcast_in_dim3A_854 : vector<32x1x1xf32> to vector<32x1xf32>
    %squeeze3A_867 = vector.shape_cast %broadcast_in_dim3A_865 : vector<32x1x1xi32> to vector<32x1xi32>
    %eq3A_868 = vector.broadcast %broadcast_in_dim3A_865 : vector<32x1x1xi32> to vector<32x8x128xi32>
    %eq3A_869 = arith.cmpi eq, %concatenate3A_176, %eq3A_868 : vector<32x8x128xi32>
    %and3A_870 = arith.andi %eq3A_856, %eq3A_869 : vector<32x8x128xi1>
    %jit3A_871 = arith.constant 0x7F800000 : f32
    %broadcast_in_dim3A_872 = vector.broadcast %jit3A_871 : f32 to vector<32x8x128xf32>
    %select_n3A_873 = arith.select %and3A_870, %broadcast_in_dim3A_872, %select_n3A_848 : vector<32x8x128xi1>, vector<32x8x128xf32>
    %reduce_min3A_874 = arith.constant dense<0x7F800000> : vector<32x128xf32>
    %reduce_min3A_875 = vector.multi_reduction <minimumf>, %select_n3A_873, %reduce_min3A_874 [1] : vector<32x8x128xf32> to vector<32x128xf32>
    %broadcast_in_dim3A_876 = vector.shape_cast %reduce_min3A_875 : vector<32x128xf32> to vector<32x1x128xf32>
    %reduce_min3A_877 = arith.constant dense<0x7F800000> : vector<32x1xf32>
    %reduce_min3A_878 = vector.multi_reduction <minimumf>, %broadcast_in_dim3A_876, %reduce_min3A_877 [2] : vector<32x1x128xf32> to vector<32x1xf32>
    %broadcast_in_dim3A_879 = vector.shape_cast %reduce_min3A_878 : vector<32x1xf32> to vector<32x1x1xf32>
    %eq3A_880 = vector.broadcast %broadcast_in_dim3A_879 : vector<32x1x1xf32> to vector<32x8x128xf32>
    %eq3A_881 = arith.cmpf oeq, %select_n3A_873, %eq3A_880 : vector<32x8x128xf32>
    %jit3A_882 = arith.constant 10240 : i32
    %broadcast_in_dim3A_883 = vector.broadcast %jit3A_882 : i32 to vector<32x8x128xi32>
    %select_n3A_884 = arith.select %eq3A_881, %concatenate3A_176, %broadcast_in_dim3A_883 : vector<32x8x128xi1>, vector<32x8x128xi32>
    %reduce_min3A_885 = arith.constant dense<2147483647> : vector<32x128xi32>
    %reduce_min3A_886 = vector.multi_reduction <minsi>, %select_n3A_884, %reduce_min3A_885 [1] : vector<32x8x128xi32> to vector<32x128xi32>
    %broadcast_in_dim3A_887 = vector.shape_cast %reduce_min3A_886 : vector<32x128xi32> to vector<32x1x128xi32>
    %reduce_min3A_888 = arith.constant dense<2147483647> : vector<32x1xi32>
    %reduce_min3A_889 = vector.multi_reduction <minsi>, %broadcast_in_dim3A_887, %reduce_min3A_888 [2] : vector<32x1x128xi32> to vector<32x1xi32>
    %broadcast_in_dim3A_890 = vector.shape_cast %reduce_min3A_889 : vector<32x1xi32> to vector<32x1x1xi32>
    %squeeze3A_891 = vector.shape_cast %broadcast_in_dim3A_879 : vector<32x1x1xf32> to vector<32x1xf32>
    %squeeze3A_892 = vector.shape_cast %broadcast_in_dim3A_890 : vector<32x1x1xi32> to vector<32x1xi32>
    %eq3A_893 = vector.broadcast %broadcast_in_dim3A_890 : vector<32x1x1xi32> to vector<32x8x128xi32>
    %eq3A_894 = arith.cmpi eq, %concatenate3A_176, %eq3A_893 : vector<32x8x128xi32>
    %and3A_895 = arith.andi %eq3A_881, %eq3A_894 : vector<32x8x128xi1>
    %jit3A_896 = arith.constant 0x7F800000 : f32
    %broadcast_in_dim3A_897 = vector.broadcast %jit3A_896 : f32 to vector<32x8x128xf32>
    %select_n3A_898 = arith.select %and3A_895, %broadcast_in_dim3A_897, %select_n3A_873 : vector<32x8x128xi1>, vector<32x8x128xf32>
    %reduce_min3A_899 = arith.constant dense<0x7F800000> : vector<32x128xf32>
    %reduce_min3A_900 = vector.multi_reduction <minimumf>, %select_n3A_898, %reduce_min3A_899 [1] : vector<32x8x128xf32> to vector<32x128xf32>
    %broadcast_in_dim3A_901 = vector.shape_cast %reduce_min3A_900 : vector<32x128xf32> to vector<32x1x128xf32>
    %reduce_min3A_902 = arith.constant dense<0x7F800000> : vector<32x1xf32>
    %reduce_min3A_903 = vector.multi_reduction <minimumf>, %broadcast_in_dim3A_901, %reduce_min3A_902 [2] : vector<32x1x128xf32> to vector<32x1xf32>
    %broadcast_in_dim3A_904 = vector.shape_cast %reduce_min3A_903 : vector<32x1xf32> to vector<32x1x1xf32>
    %eq3A_905 = vector.broadcast %broadcast_in_dim3A_904 : vector<32x1x1xf32> to vector<32x8x128xf32>
    %eq3A_906 = arith.cmpf oeq, %select_n3A_898, %eq3A_905 : vector<32x8x128xf32>
    %jit3A_907 = arith.constant 10240 : i32
    %broadcast_in_dim3A_908 = vector.broadcast %jit3A_907 : i32 to vector<32x8x128xi32>
    %select_n3A_909 = arith.select %eq3A_906, %concatenate3A_176, %broadcast_in_dim3A_908 : vector<32x8x128xi1>, vector<32x8x128xi32>
    %reduce_min3A_910 = arith.constant dense<2147483647> : vector<32x128xi32>
    %reduce_min3A_911 = vector.multi_reduction <minsi>, %select_n3A_909, %reduce_min3A_910 [1] : vector<32x8x128xi32> to vector<32x128xi32>
    %broadcast_in_dim3A_912 = vector.shape_cast %reduce_min3A_911 : vector<32x128xi32> to vector<32x1x128xi32>
    %reduce_min3A_913 = arith.constant dense<2147483647> : vector<32x1xi32>
    %reduce_min3A_914 = vector.multi_reduction <minsi>, %broadcast_in_dim3A_912, %reduce_min3A_913 [2] : vector<32x1x128xi32> to vector<32x1xi32>
    %broadcast_in_dim3A_915 = vector.shape_cast %reduce_min3A_914 : vector<32x1xi32> to vector<32x1x1xi32>
    %squeeze3A_916 = vector.shape_cast %broadcast_in_dim3A_904 : vector<32x1x1xf32> to vector<32x1xf32>
    %squeeze3A_917 = vector.shape_cast %broadcast_in_dim3A_915 : vector<32x1x1xi32> to vector<32x1xi32>
    %eq3A_918 = vector.broadcast %broadcast_in_dim3A_915 : vector<32x1x1xi32> to vector<32x8x128xi32>
    %eq3A_919 = arith.cmpi eq, %concatenate3A_176, %eq3A_918 : vector<32x8x128xi32>
    %and3A_920 = arith.andi %eq3A_906, %eq3A_919 : vector<32x8x128xi1>
    %jit3A_921 = arith.constant 0x7F800000 : f32
    %broadcast_in_dim3A_922 = vector.broadcast %jit3A_921 : f32 to vector<32x8x128xf32>
    %select_n3A_923 = arith.select %and3A_920, %broadcast_in_dim3A_922, %select_n3A_898 : vector<32x8x128xi1>, vector<32x8x128xf32>
    %reduce_min3A_924 = arith.constant dense<0x7F800000> : vector<32x128xf32>
    %reduce_min3A_925 = vector.multi_reduction <minimumf>, %select_n3A_923, %reduce_min3A_924 [1] : vector<32x8x128xf32> to vector<32x128xf32>
    %broadcast_in_dim3A_926 = vector.shape_cast %reduce_min3A_925 : vector<32x128xf32> to vector<32x1x128xf32>
    %reduce_min3A_927 = arith.constant dense<0x7F800000> : vector<32x1xf32>
    %reduce_min3A_928 = vector.multi_reduction <minimumf>, %broadcast_in_dim3A_926, %reduce_min3A_927 [2] : vector<32x1x128xf32> to vector<32x1xf32>
    %broadcast_in_dim3A_929 = vector.shape_cast %reduce_min3A_928 : vector<32x1xf32> to vector<32x1x1xf32>
    %eq3A_930 = vector.broadcast %broadcast_in_dim3A_929 : vector<32x1x1xf32> to vector<32x8x128xf32>
    %eq3A_931 = arith.cmpf oeq, %select_n3A_923, %eq3A_930 : vector<32x8x128xf32>
    %jit3A_932 = arith.constant 10240 : i32
    %broadcast_in_dim3A_933 = vector.broadcast %jit3A_932 : i32 to vector<32x8x128xi32>
    %select_n3A_934 = arith.select %eq3A_931, %concatenate3A_176, %broadcast_in_dim3A_933 : vector<32x8x128xi1>, vector<32x8x128xi32>
    %reduce_min3A_935 = arith.constant dense<2147483647> : vector<32x128xi32>
    %reduce_min3A_936 = vector.multi_reduction <minsi>, %select_n3A_934, %reduce_min3A_935 [1] : vector<32x8x128xi32> to vector<32x128xi32>
    %broadcast_in_dim3A_937 = vector.shape_cast %reduce_min3A_936 : vector<32x128xi32> to vector<32x1x128xi32>
    %reduce_min3A_938 = arith.constant dense<2147483647> : vector<32x1xi32>
    %reduce_min3A_939 = vector.multi_reduction <minsi>, %broadcast_in_dim3A_937, %reduce_min3A_938 [2] : vector<32x1x128xi32> to vector<32x1xi32>
    %broadcast_in_dim3A_940 = vector.shape_cast %reduce_min3A_939 : vector<32x1xi32> to vector<32x1x1xi32>
    %squeeze3A_941 = vector.shape_cast %broadcast_in_dim3A_929 : vector<32x1x1xf32> to vector<32x1xf32>
    %squeeze3A_942 = vector.shape_cast %broadcast_in_dim3A_940 : vector<32x1x1xi32> to vector<32x1xi32>
    %eq3A_943 = vector.broadcast %broadcast_in_dim3A_940 : vector<32x1x1xi32> to vector<32x8x128xi32>
    %eq3A_944 = arith.cmpi eq, %concatenate3A_176, %eq3A_943 : vector<32x8x128xi32>
    %and3A_945 = arith.andi %eq3A_931, %eq3A_944 : vector<32x8x128xi1>
    %jit3A_946 = arith.constant 0x7F800000 : f32
    %broadcast_in_dim3A_947 = vector.broadcast %jit3A_946 : f32 to vector<32x8x128xf32>
    %select_n3A_948 = arith.select %and3A_945, %broadcast_in_dim3A_947, %select_n3A_923 : vector<32x8x128xi1>, vector<32x8x128xf32>
    %reduce_min3A_949 = arith.constant dense<0x7F800000> : vector<32x128xf32>
    %reduce_min3A_950 = vector.multi_reduction <minimumf>, %select_n3A_948, %reduce_min3A_949 [1] : vector<32x8x128xf32> to vector<32x128xf32>
    %broadcast_in_dim3A_951 = vector.shape_cast %reduce_min3A_950 : vector<32x128xf32> to vector<32x1x128xf32>
    %reduce_min3A_952 = arith.constant dense<0x7F800000> : vector<32x1xf32>
    %reduce_min3A_953 = vector.multi_reduction <minimumf>, %broadcast_in_dim3A_951, %reduce_min3A_952 [2] : vector<32x1x128xf32> to vector<32x1xf32>
    %broadcast_in_dim3A_954 = vector.shape_cast %reduce_min3A_953 : vector<32x1xf32> to vector<32x1x1xf32>
    %eq3A_955 = vector.broadcast %broadcast_in_dim3A_954 : vector<32x1x1xf32> to vector<32x8x128xf32>
    %eq3A_956 = arith.cmpf oeq, %select_n3A_948, %eq3A_955 : vector<32x8x128xf32>
    %jit3A_957 = arith.constant 10240 : i32
    %broadcast_in_dim3A_958 = vector.broadcast %jit3A_957 : i32 to vector<32x8x128xi32>
    %select_n3A_959 = arith.select %eq3A_956, %concatenate3A_176, %broadcast_in_dim3A_958 : vector<32x8x128xi1>, vector<32x8x128xi32>
    %reduce_min3A_960 = arith.constant dense<2147483647> : vector<32x128xi32>
    %reduce_min3A_961 = vector.multi_reduction <minsi>, %select_n3A_959, %reduce_min3A_960 [1] : vector<32x8x128xi32> to vector<32x128xi32>
    %broadcast_in_dim3A_962 = vector.shape_cast %reduce_min3A_961 : vector<32x128xi32> to vector<32x1x128xi32>
    %reduce_min3A_963 = arith.constant dense<2147483647> : vector<32x1xi32>
    %reduce_min3A_964 = vector.multi_reduction <minsi>, %broadcast_in_dim3A_962, %reduce_min3A_963 [2] : vector<32x1x128xi32> to vector<32x1xi32>
    %broadcast_in_dim3A_965 = vector.shape_cast %reduce_min3A_964 : vector<32x1xi32> to vector<32x1x1xi32>
    %squeeze3A_966 = vector.shape_cast %broadcast_in_dim3A_954 : vector<32x1x1xf32> to vector<32x1xf32>
    %squeeze3A_967 = vector.shape_cast %broadcast_in_dim3A_965 : vector<32x1x1xi32> to vector<32x1xi32>
    %broadcast_in_dim3A_968 = vector.shape_cast %squeeze3A_966 : vector<32x1xf32> to vector<32x1x1xf32>
    %le3A = arith.constant 4.000000e-02 : f32
    %le3A_969 = vector.broadcast %le3A : f32 to vector<32x1x128xf32>
    %le3A_970 = arith.cmpf ole, %broadcast_in_dim3A_163, %le3A_969 : vector<32x1x128xf32>
    %lt3A = vector.broadcast %broadcast_in_dim3A_968 : vector<32x1x1xf32> to vector<32x1x128xf32>
    %lt3A_971 = arith.cmpf olt, %broadcast_in_dim3A_163, %lt3A : vector<32x1x128xf32>
    %and3A_972 = arith.andi %le3A_970, %lt3A_971 : vector<32x1x128xi1>
    %reduce_or3A = arith.constant 1.000000e+00 : f32
    %reduce_or3A_973 = arith.constant 0.000000e+00 : f32
    %reduce_or3A_974 = vector.broadcast %reduce_or3A : f32 to vector<32x1x128xf32>
    %reduce_or3A_975 = vector.broadcast %reduce_or3A_973 : f32 to vector<32x1x128xf32>
    %reduce_or3A_976 = arith.select %and3A_972, %reduce_or3A_974, %reduce_or3A_975 : vector<32x1x128xi1>, vector<32x1x128xf32>
    %reduce_or3A_977 = vector.shape_cast %reduce_or3A_976 : vector<32x1x128xf32> to vector<1x32x1x128xf32>
    %reduce_or3A_978 = arith.constant dense<0xFF800000> : vector<1xf32>
    %reduce_or3A_979 = vector.multi_reduction <maximumf>, %reduce_or3A_977, %reduce_or3A_978 [1, 2, 3] : vector<1x32x1x128xf32> to vector<1xf32>
    %reduce_or3A_980 = vector.shape_cast %reduce_or3A_979 : vector<1xf32> to vector<1x1x1x1xf32>
    %reduce_or3A_981 = vector.extract %reduce_or3A_980[0, 0, 0, 0] : f32 from vector<1x1x1x1xf32>
    %reduce_or3A_982 = arith.constant 0.000000e+00 : f32
    %reduce_or3A_983 = arith.cmpf ogt, %reduce_or3A_981, %reduce_or3A_982 : f32
    %not3A = arith.constant true
    %not3A_984 = arith.xori %reduce_or3A_983, %not3A : i1
    %convert_element_type3A = arith.extui %not3A_984 : i1 to i32
    %cond3A = arith.constant 4.000000e-02 : f32
    %cond3A_985 = arith.constant 0 : i32
    %cond3A_986 = arith.cmpi ne, %convert_element_type3A, %cond3A_985 : i32
    scf.if %cond3A_986 {
      %swap3A = arith.constant 0 : index
      %swap3A_993 = arith.constant 0 : index
      %swap3A_994 = vector.load %arg3[%swap3A, %swap3A_993] : memref<32x32xi32, #tpu.memory_space<vmem>>, vector<32x1xi32>
      tpu.vector_store %arg3[%swap3A, %swap3A_993], %squeeze3A {strides = array<i32>} : memref<32x32xi32, #tpu.memory_space<vmem>>, vector<32x1xi32>,
      %le3A_995 = vector.broadcast %cond3A : f32 to vector<32x1xf32>
      %le3A_996 = arith.cmpf ole, %squeeze3A_216, %le3A_995 : vector<32x1xf32>
      %select_n3A_997 = arith.select %le3A_996, %squeeze3A_217, %squeeze3A : vector<32x1xi1>, vector<32x1xi32>
      %swap3A_998 = arith.constant 0 : index
      %swap3A_999 = arith.constant 1 : index
      %swap3A_1000 = vector.load %arg3[%swap3A_998, %swap3A_999] : memref<32x32xi32, #tpu.memory_space<vmem>>, vector<32x1xi32>
      tpu.vector_store %arg3[%swap3A_998, %swap3A_999], %select_n3A_997 {strides = array<i32>} : memref<32x32xi32, #tpu.memory_space<vmem>>, vector<32x1xi32>,
      %le3A_1001 = vector.broadcast %cond3A : f32 to vector<32x1xf32>
      %le3A_1002 = arith.cmpf ole, %squeeze3A_241, %le3A_1001 : vector<32x1xf32>
      %select_n3A_1003 = arith.select %le3A_1002, %squeeze3A_242, %squeeze3A : vector<32x1xi1>, vector<32x1xi32>
      %swap3A_1004 = arith.constant 0 : index
      %swap3A_1005 = arith.constant 2 : index
      %swap3A_1006 = vector.load %arg3[%swap3A_1004, %swap3A_1005] : memref<32x32xi32, #tpu.memory_space<vmem>>, vector<32x1xi32>
      tpu.vector_store %arg3[%swap3A_1004, %swap3A_1005], %select_n3A_1003 {strides = array<i32>} : memref<32x32xi32, #tpu.memory_space<vmem>>, vector<32x1xi32>,
      %le3A_1007 = vector.broadcast %cond3A : f32 to vector<32x1xf32>
      %le3A_1008 = arith.cmpf ole, %squeeze3A_266, %le3A_1007 : vector<32x1xf32>
      %select_n3A_1009 = arith.select %le3A_1008, %squeeze3A_267, %squeeze3A : vector<32x1xi1>, vector<32x1xi32>
      %swap3A_1010 = arith.constant 0 : index
      %swap3A_1011 = arith.constant 3 : index
      %swap3A_1012 = vector.load %arg3[%swap3A_1010, %swap3A_1011] : memref<32x32xi32, #tpu.memory_space<vmem>>, vector<32x1xi32>
      tpu.vector_store %arg3[%swap3A_1010, %swap3A_1011], %select_n3A_1009 {strides = array<i32>} : memref<32x32xi32, #tpu.memory_space<vmem>>, vector<32x1xi32>,
      %le3A_1013 = vector.broadcast %cond3A : f32 to vector<32x1xf32>
      %le3A_1014 = arith.cmpf ole, %squeeze3A_291, %le3A_1013 : vector<32x1xf32>
      %select_n3A_1015 = arith.select %le3A_1014, %squeeze3A_292, %squeeze3A : vector<32x1xi1>, vector<32x1xi32>
      %swap3A_1016 = arith.constant 0 : index
      %swap3A_1017 = arith.constant 4 : index
      %swap3A_1018 = vector.load %arg3[%swap3A_1016, %swap3A_1017] : memref<32x32xi32, #tpu.memory_space<vmem>>, vector<32x1xi32>
      tpu.vector_store %arg3[%swap3A_1016, %swap3A_1017], %select_n3A_1015 {strides = array<i32>} : memref<32x32xi32, #tpu.memory_space<vmem>>, vector<32x1xi32>,
      %le3A_1019 = vector.broadcast %cond3A : f32 to vector<32x1xf32>
      %le3A_1020 = arith.cmpf ole, %squeeze3A_316, %le3A_1019 : vector<32x1xf32>
      %select_n3A_1021 = arith.select %le3A_1020, %squeeze3A_317, %squeeze3A : vector<32x1xi1>, vector<32x1xi32>
      %swap3A_1022 = arith.constant 0 : index
      %swap3A_1023 = arith.constant 5 : index
      %swap3A_1024 = vector.load %arg3[%swap3A_1022, %swap3A_1023] : memref<32x32xi32, #tpu.memory_space<vmem>>, vector<32x1xi32>
      tpu.vector_store %arg3[%swap3A_1022, %swap3A_1023], %select_n3A_1021 {strides = array<i32>} : memref<32x32xi32, #tpu.memory_space<vmem>>, vector<32x1xi32>,
      %le3A_1025 = vector.broadcast %cond3A : f32 to vector<32x1xf32>
      %le3A_1026 = arith.cmpf ole, %squeeze3A_341, %le3A_1025 : vector<32x1xf32>
      %select_n3A_1027 = arith.select %le3A_1026, %squeeze3A_342, %squeeze3A : vector<32x1xi1>, vector<32x1xi32>
      %swap3A_1028 = arith.constant 0 : index
      %swap3A_1029 = arith.constant 6 : index
      %swap3A_1030 = vector.load %arg3[%swap3A_1028, %swap3A_1029] : memref<32x32xi32, #tpu.memory_space<vmem>>, vector<32x1xi32>
      tpu.vector_store %arg3[%swap3A_1028, %swap3A_1029], %select_n3A_1027 {strides = array<i32>} : memref<32x32xi32, #tpu.memory_space<vmem>>, vector<32x1xi32>,
      %le3A_1031 = vector.broadcast %cond3A : f32 to vector<32x1xf32>
      %le3A_1032 = arith.cmpf ole, %squeeze3A_366, %le3A_1031 : vector<32x1xf32>
      %select_n3A_1033 = arith.select %le3A_1032, %squeeze3A_367, %squeeze3A : vector<32x1xi1>, vector<32x1xi32>
      %swap3A_1034 = arith.constant 0 : index
      %swap3A_1035 = arith.constant 7 : index
      %swap3A_1036 = vector.load %arg3[%swap3A_1034, %swap3A_1035] : memref<32x32xi32, #tpu.memory_space<vmem>>, vector<32x1xi32>
      tpu.vector_store %arg3[%swap3A_1034, %swap3A_1035], %select_n3A_1033 {strides = array<i32>} : memref<32x32xi32, #tpu.memory_space<vmem>>, vector<32x1xi32>,
      %le3A_1037 = vector.broadcast %cond3A : f32 to vector<32x1xf32>
      %le3A_1038 = arith.cmpf ole, %squeeze3A_391, %le3A_1037 : vector<32x1xf32>
      %select_n3A_1039 = arith.select %le3A_1038, %squeeze3A_392, %squeeze3A : vector<32x1xi1>, vector<32x1xi32>
      %swap3A_1040 = arith.constant 0 : index
      %swap3A_1041 = arith.constant 8 : index
      %swap3A_1042 = vector.load %arg3[%swap3A_1040, %swap3A_1041] : memref<32x32xi32, #tpu.memory_space<vmem>>, vector<32x1xi32>
      tpu.vector_store %arg3[%swap3A_1040, %swap3A_1041], %select_n3A_1039 {strides = array<i32>} : memref<32x32xi32, #tpu.memory_space<vmem>>, vector<32x1xi32>,
      %le3A_1043 = vector.broadcast %cond3A : f32 to vector<32x1xf32>
      %le3A_1044 = arith.cmpf ole, %squeeze3A_416, %le3A_1043 : vector<32x1xf32>
      %select_n3A_1045 = arith.select %le3A_1044, %squeeze3A_417, %squeeze3A : vector<32x1xi1>, vector<32x1xi32>
      %swap3A_1046 = arith.constant 0 : index
      %swap3A_1047 = arith.constant 9 : index
      %swap3A_1048 = vector.load %arg3[%swap3A_1046, %swap3A_1047] : memref<32x32xi32, #tpu.memory_space<vmem>>, vector<32x1xi32>
      tpu.vector_store %arg3[%swap3A_1046, %swap3A_1047], %select_n3A_1045 {strides = array<i32>} : memref<32x32xi32, #tpu.memory_space<vmem>>, vector<32x1xi32>,
      %le3A_1049 = vector.broadcast %cond3A : f32 to vector<32x1xf32>
      %le3A_1050 = arith.cmpf ole, %squeeze3A_441, %le3A_1049 : vector<32x1xf32>
      %select_n3A_1051 = arith.select %le3A_1050, %squeeze3A_442, %squeeze3A : vector<32x1xi1>, vector<32x1xi32>
      %swap3A_1052 = arith.constant 0 : index
      %swap3A_1053 = arith.constant 10 : index
      %swap3A_1054 = vector.load %arg3[%swap3A_1052, %swap3A_1053] : memref<32x32xi32, #tpu.memory_space<vmem>>, vector<32x1xi32>
      tpu.vector_store %arg3[%swap3A_1052, %swap3A_1053], %select_n3A_1051 {strides = array<i32>} : memref<32x32xi32, #tpu.memory_space<vmem>>, vector<32x1xi32>,
      %le3A_1055 = vector.broadcast %cond3A : f32 to vector<32x1xf32>
      %le3A_1056 = arith.cmpf ole, %squeeze3A_466, %le3A_1055 : vector<32x1xf32>
      %select_n3A_1057 = arith.select %le3A_1056, %squeeze3A_467, %squeeze3A : vector<32x1xi1>, vector<32x1xi32>
      %swap3A_1058 = arith.constant 0 : index
      %swap3A_1059 = arith.constant 11 : index
      %swap3A_1060 = vector.load %arg3[%swap3A_1058, %swap3A_1059] : memref<32x32xi32, #tpu.memory_space<vmem>>, vector<32x1xi32>
      tpu.vector_store %arg3[%swap3A_1058, %swap3A_1059], %select_n3A_1057 {strides = array<i32>} : memref<32x32xi32, #tpu.memory_space<vmem>>, vector<32x1xi32>,
      %le3A_1061 = vector.broadcast %cond3A : f32 to vector<32x1xf32>
      %le3A_1062 = arith.cmpf ole, %squeeze3A_491, %le3A_1061 : vector<32x1xf32>
      %select_n3A_1063 = arith.select %le3A_1062, %squeeze3A_492, %squeeze3A : vector<32x1xi1>, vector<32x1xi32>
      %swap3A_1064 = arith.constant 0 : index
      %swap3A_1065 = arith.constant 12 : index
      %swap3A_1066 = vector.load %arg3[%swap3A_1064, %swap3A_1065] : memref<32x32xi32, #tpu.memory_space<vmem>>, vector<32x1xi32>
      tpu.vector_store %arg3[%swap3A_1064, %swap3A_1065], %select_n3A_1063 {strides = array<i32>} : memref<32x32xi32, #tpu.memory_space<vmem>>, vector<32x1xi32>,
      %le3A_1067 = vector.broadcast %cond3A : f32 to vector<32x1xf32>
      %le3A_1068 = arith.cmpf ole, %squeeze3A_516, %le3A_1067 : vector<32x1xf32>
      %select_n3A_1069 = arith.select %le3A_1068, %squeeze3A_517, %squeeze3A : vector<32x1xi1>, vector<32x1xi32>
      %swap3A_1070 = arith.constant 0 : index
      %swap3A_1071 = arith.constant 13 : index
      %swap3A_1072 = vector.load %arg3[%swap3A_1070, %swap3A_1071] : memref<32x32xi32, #tpu.memory_space<vmem>>, vector<32x1xi32>
      tpu.vector_store %arg3[%swap3A_1070, %swap3A_1071], %select_n3A_1069 {strides = array<i32>} : memref<32x32xi32, #tpu.memory_space<vmem>>, vector<32x1xi32>,
      %le3A_1073 = vector.broadcast %cond3A : f32 to vector<32x1xf32>
      %le3A_1074 = arith.cmpf ole, %squeeze3A_541, %le3A_1073 : vector<32x1xf32>
      %select_n3A_1075 = arith.select %le3A_1074, %squeeze3A_542, %squeeze3A : vector<32x1xi1>, vector<32x1xi32>
      %swap3A_1076 = arith.constant 0 : index
      %swap3A_1077 = arith.constant 14 : index
      %swap3A_1078 = vector.load %arg3[%swap3A_1076, %swap3A_1077] : memref<32x32xi32, #tpu.memory_space<vmem>>, vector<32x1xi32>
      tpu.vector_store %arg3[%swap3A_1076, %swap3A_1077], %select_n3A_1075 {strides = array<i32>} : memref<32x32xi32, #tpu.memory_space<vmem>>, vector<32x1xi32>,
      %le3A_1079 = vector.broadcast %cond3A : f32 to vector<32x1xf32>
      %le3A_1080 = arith.cmpf ole, %squeeze3A_566, %le3A_1079 : vector<32x1xf32>
      %select_n3A_1081 = arith.select %le3A_1080, %squeeze3A_567, %squeeze3A : vector<32x1xi1>, vector<32x1xi32>
      %swap3A_1082 = arith.constant 0 : index
      %swap3A_1083 = arith.constant 15 : index
      %swap3A_1084 = vector.load %arg3[%swap3A_1082, %swap3A_1083] : memref<32x32xi32, #tpu.memory_space<vmem>>, vector<32x1xi32>
      tpu.vector_store %arg3[%swap3A_1082, %swap3A_1083], %select_n3A_1081 {strides = array<i32>} : memref<32x32xi32, #tpu.memory_space<vmem>>, vector<32x1xi32>,
      %le3A_1085 = vector.broadcast %cond3A : f32 to vector<32x1xf32>
      %le3A_1086 = arith.cmpf ole, %squeeze3A_591, %le3A_1085 : vector<32x1xf32>
      %select_n3A_1087 = arith.select %le3A_1086, %squeeze3A_592, %squeeze3A : vector<32x1xi1>, vector<32x1xi32>
      %swap3A_1088 = arith.constant 0 : index
      %swap3A_1089 = arith.constant 16 : index
      %swap3A_1090 = vector.load %arg3[%swap3A_1088, %swap3A_1089] : memref<32x32xi32, #tpu.memory_space<vmem>>, vector<32x1xi32>
      tpu.vector_store %arg3[%swap3A_1088, %swap3A_1089], %select_n3A_1087 {strides = array<i32>} : memref<32x32xi32, #tpu.memory_space<vmem>>, vector<32x1xi32>,
      %le3A_1091 = vector.broadcast %cond3A : f32 to vector<32x1xf32>
      %le3A_1092 = arith.cmpf ole, %squeeze3A_616, %le3A_1091 : vector<32x1xf32>
      %select_n3A_1093 = arith.select %le3A_1092, %squeeze3A_617, %squeeze3A : vector<32x1xi1>, vector<32x1xi32>
      %swap3A_1094 = arith.constant 0 : index
      %swap3A_1095 = arith.constant 17 : index
      %swap3A_1096 = vector.load %arg3[%swap3A_1094, %swap3A_1095] : memref<32x32xi32, #tpu.memory_space<vmem>>, vector<32x1xi32>
      tpu.vector_store %arg3[%swap3A_1094, %swap3A_1095], %select_n3A_1093 {strides = array<i32>} : memref<32x32xi32, #tpu.memory_space<vmem>>, vector<32x1xi32>,
      %le3A_1097 = vector.broadcast %cond3A : f32 to vector<32x1xf32>
      %le3A_1098 = arith.cmpf ole, %squeeze3A_641, %le3A_1097 : vector<32x1xf32>
      %select_n3A_1099 = arith.select %le3A_1098, %squeeze3A_642, %squeeze3A : vector<32x1xi1>, vector<32x1xi32>
      %swap3A_1100 = arith.constant 0 : index
      %swap3A_1101 = arith.constant 18 : index
      %swap3A_1102 = vector.load %arg3[%swap3A_1100, %swap3A_1101] : memref<32x32xi32, #tpu.memory_space<vmem>>, vector<32x1xi32>
      tpu.vector_store %arg3[%swap3A_1100, %swap3A_1101], %select_n3A_1099 {strides = array<i32>} : memref<32x32xi32, #tpu.memory_space<vmem>>, vector<32x1xi32>,
      %le3A_1103 = vector.broadcast %cond3A : f32 to vector<32x1xf32>
      %le3A_1104 = arith.cmpf ole, %squeeze3A_666, %le3A_1103 : vector<32x1xf32>
      %select_n3A_1105 = arith.select %le3A_1104, %squeeze3A_667, %squeeze3A : vector<32x1xi1>, vector<32x1xi32>
      %swap3A_1106 = arith.constant 0 : index
      %swap3A_1107 = arith.constant 19 : index
      %swap3A_1108 = vector.load %arg3[%swap3A_1106, %swap3A_1107] : memref<32x32xi32, #tpu.memory_space<vmem>>, vector<32x1xi32>
      tpu.vector_store %arg3[%swap3A_1106, %swap3A_1107], %select_n3A_1105 {strides = array<i32>} : memref<32x32xi32, #tpu.memory_space<vmem>>, vector<32x1xi32>,
      %le3A_1109 = vector.broadcast %cond3A : f32 to vector<32x1xf32>
      %le3A_1110 = arith.cmpf ole, %squeeze3A_691, %le3A_1109 : vector<32x1xf32>
      %select_n3A_1111 = arith.select %le3A_1110, %squeeze3A_692, %squeeze3A : vector<32x1xi1>, vector<32x1xi32>
      %swap3A_1112 = arith.constant 0 : index
      %swap3A_1113 = arith.constant 20 : index
      %swap3A_1114 = vector.load %arg3[%swap3A_1112, %swap3A_1113] : memref<32x32xi32, #tpu.memory_space<vmem>>, vector<32x1xi32>
      tpu.vector_store %arg3[%swap3A_1112, %swap3A_1113], %select_n3A_1111 {strides = array<i32>} : memref<32x32xi32, #tpu.memory_space<vmem>>, vector<32x1xi32>,
      %le3A_1115 = vector.broadcast %cond3A : f32 to vector<32x1xf32>
      %le3A_1116 = arith.cmpf ole, %squeeze3A_716, %le3A_1115 : vector<32x1xf32>
      %select_n3A_1117 = arith.select %le3A_1116, %squeeze3A_717, %squeeze3A : vector<32x1xi1>, vector<32x1xi32>
      %swap3A_1118 = arith.constant 0 : index
      %swap3A_1119 = arith.constant 21 : index
      %swap3A_1120 = vector.load %arg3[%swap3A_1118, %swap3A_1119] : memref<32x32xi32, #tpu.memory_space<vmem>>, vector<32x1xi32>
      tpu.vector_store %arg3[%swap3A_1118, %swap3A_1119], %select_n3A_1117 {strides = array<i32>} : memref<32x32xi32, #tpu.memory_space<vmem>>, vector<32x1xi32>,
      %le3A_1121 = vector.broadcast %cond3A : f32 to vector<32x1xf32>
      %le3A_1122 = arith.cmpf ole, %squeeze3A_741, %le3A_1121 : vector<32x1xf32>
      %select_n3A_1123 = arith.select %le3A_1122, %squeeze3A_742, %squeeze3A : vector<32x1xi1>, vector<32x1xi32>
      %swap3A_1124 = arith.constant 0 : index
      %swap3A_1125 = arith.constant 22 : index
      %swap3A_1126 = vector.load %arg3[%swap3A_1124, %swap3A_1125] : memref<32x32xi32, #tpu.memory_space<vmem>>, vector<32x1xi32>
      tpu.vector_store %arg3[%swap3A_1124, %swap3A_1125], %select_n3A_1123 {strides = array<i32>} : memref<32x32xi32, #tpu.memory_space<vmem>>, vector<32x1xi32>,
      %le3A_1127 = vector.broadcast %cond3A : f32 to vector<32x1xf32>
      %le3A_1128 = arith.cmpf ole, %squeeze3A_766, %le3A_1127 : vector<32x1xf32>
      %select_n3A_1129 = arith.select %le3A_1128, %squeeze3A_767, %squeeze3A : vector<32x1xi1>, vector<32x1xi32>
      %swap3A_1130 = arith.constant 0 : index
      %swap3A_1131 = arith.constant 23 : index
      %swap3A_1132 = vector.load %arg3[%swap3A_1130, %swap3A_1131] : memref<32x32xi32, #tpu.memory_space<vmem>>, vector<32x1xi32>
      tpu.vector_store %arg3[%swap3A_1130, %swap3A_1131], %select_n3A_1129 {strides = array<i32>} : memref<32x32xi32, #tpu.memory_space<vmem>>, vector<32x1xi32>,
      %le3A_1133 = vector.broadcast %cond3A : f32 to vector<32x1xf32>
      %le3A_1134 = arith.cmpf ole, %squeeze3A_791, %le3A_1133 : vector<32x1xf32>
      %select_n3A_1135 = arith.select %le3A_1134, %squeeze3A_792, %squeeze3A : vector<32x1xi1>, vector<32x1xi32>
      %swap3A_1136 = arith.constant 0 : index
      %swap3A_1137 = arith.constant 24 : index
      %swap3A_1138 = vector.load %arg3[%swap3A_1136, %swap3A_1137] : memref<32x32xi32, #tpu.memory_space<vmem>>, vector<32x1xi32>
      tpu.vector_store %arg3[%swap3A_1136, %swap3A_1137], %select_n3A_1135 {strides = array<i32>} : memref<32x32xi32, #tpu.memory_space<vmem>>, vector<32x1xi32>,
      %le3A_1139 = vector.broadcast %cond3A : f32 to vector<32x1xf32>
      %le3A_1140 = arith.cmpf ole, %squeeze3A_816, %le3A_1139 : vector<32x1xf32>
      %select_n3A_1141 = arith.select %le3A_1140, %squeeze3A_817, %squeeze3A : vector<32x1xi1>, vector<32x1xi32>
      %swap3A_1142 = arith.constant 0 : index
      %swap3A_1143 = arith.constant 25 : index
      %swap3A_1144 = vector.load %arg3[%swap3A_1142, %swap3A_1143] : memref<32x32xi32, #tpu.memory_space<vmem>>, vector<32x1xi32>
      tpu.vector_store %arg3[%swap3A_1142, %swap3A_1143], %select_n3A_1141 {strides = array<i32>} : memref<32x32xi32, #tpu.memory_space<vmem>>, vector<32x1xi32>,
      %le3A_1145 = vector.broadcast %cond3A : f32 to vector<32x1xf32>
      %le3A_1146 = arith.cmpf ole, %squeeze3A_841, %le3A_1145 : vector<32x1xf32>
      %select_n3A_1147 = arith.select %le3A_1146, %squeeze3A_842, %squeeze3A : vector<32x1xi1>, vector<32x1xi32>
      %swap3A_1148 = arith.constant 0 : index
      %swap3A_1149 = arith.constant 26 : index
      %swap3A_1150 = vector.load %arg3[%swap3A_1148, %swap3A_1149] : memref<32x32xi32, #tpu.memory_space<vmem>>, vector<32x1xi32>
      tpu.vector_store %arg3[%swap3A_1148, %swap3A_1149], %select_n3A_1147 {strides = array<i32>} : memref<32x32xi32, #tpu.memory_space<vmem>>, vector<32x1xi32>,
      %le3A_1151 = vector.broadcast %cond3A : f32 to vector<32x1xf32>
      %le3A_1152 = arith.cmpf ole, %squeeze3A_866, %le3A_1151 : vector<32x1xf32>
      %select_n3A_1153 = arith.select %le3A_1152, %squeeze3A_867, %squeeze3A : vector<32x1xi1>, vector<32x1xi32>
      %swap3A_1154 = arith.constant 0 : index
      %swap3A_1155 = arith.constant 27 : index
      %swap3A_1156 = vector.load %arg3[%swap3A_1154, %swap3A_1155] : memref<32x32xi32, #tpu.memory_space<vmem>>, vector<32x1xi32>
      tpu.vector_store %arg3[%swap3A_1154, %swap3A_1155], %select_n3A_1153 {strides = array<i32>} : memref<32x32xi32, #tpu.memory_space<vmem>>, vector<32x1xi32>,
      %le3A_1157 = vector.broadcast %cond3A : f32 to vector<32x1xf32>
      %le3A_1158 = arith.cmpf ole, %squeeze3A_891, %le3A_1157 : vector<32x1xf32>
      %select_n3A_1159 = arith.select %le3A_1158, %squeeze3A_892, %squeeze3A : vector<32x1xi1>, vector<32x1xi32>
      %swap3A_1160 = arith.constant 0 : index
      %swap3A_1161 = arith.constant 28 : index
      %swap3A_1162 = vector.load %arg3[%swap3A_1160, %swap3A_1161] : memref<32x32xi32, #tpu.memory_space<vmem>>, vector<32x1xi32>
      tpu.vector_store %arg3[%swap3A_1160, %swap3A_1161], %select_n3A_1159 {strides = array<i32>} : memref<32x32xi32, #tpu.memory_space<vmem>>, vector<32x1xi32>,
      %le3A_1163 = vector.broadcast %cond3A : f32 to vector<32x1xf32>
      %le3A_1164 = arith.cmpf ole, %squeeze3A_916, %le3A_1163 : vector<32x1xf32>
      %select_n3A_1165 = arith.select %le3A_1164, %squeeze3A_917, %squeeze3A : vector<32x1xi1>, vector<32x1xi32>
      %swap3A_1166 = arith.constant 0 : index
      %swap3A_1167 = arith.constant 29 : index
      %swap3A_1168 = vector.load %arg3[%swap3A_1166, %swap3A_1167] : memref<32x32xi32, #tpu.memory_space<vmem>>, vector<32x1xi32>
      tpu.vector_store %arg3[%swap3A_1166, %swap3A_1167], %select_n3A_1165 {strides = array<i32>} : memref<32x32xi32, #tpu.memory_space<vmem>>, vector<32x1xi32>,
      %le3A_1169 = vector.broadcast %cond3A : f32 to vector<32x1xf32>
      %le3A_1170 = arith.cmpf ole, %squeeze3A_941, %le3A_1169 : vector<32x1xf32>
      %select_n3A_1171 = arith.select %le3A_1170, %squeeze3A_942, %squeeze3A : vector<32x1xi1>, vector<32x1xi32>
      %swap3A_1172 = arith.constant 0 : index
      %swap3A_1173 = arith.constant 30 : index
      %swap3A_1174 = vector.load %arg3[%swap3A_1172, %swap3A_1173] : memref<32x32xi32, #tpu.memory_space<vmem>>, vector<32x1xi32>
      tpu.vector_store %arg3[%swap3A_1172, %swap3A_1173], %select_n3A_1171 {strides = array<i32>} : memref<32x32xi32, #tpu.memory_space<vmem>>, vector<32x1xi32>,
      %le3A_1175 = vector.broadcast %cond3A : f32 to vector<32x1xf32>
      %le3A_1176 = arith.cmpf ole, %squeeze3A_966, %le3A_1175 : vector<32x1xf32>
      %select_n3A_1177 = arith.select %le3A_1176, %squeeze3A_967, %squeeze3A : vector<32x1xi1>, vector<32x1xi32>
      %swap3A_1178 = arith.constant 0 : index
      %swap3A_1179 = arith.constant 31 : index
      %swap3A_1180 = vector.load %arg3[%swap3A_1178, %swap3A_1179] : memref<32x32xi32, #tpu.memory_space<vmem>>, vector<32x1xi32>
      tpu.vector_store %arg3[%swap3A_1178, %swap3A_1179], %select_n3A_1177 {strides = array<i32>} : memref<32x32xi32, #tpu.memory_space<vmem>>, vector<32x1xi32>,
    } else {
    }
    %convert_element_type3A_987 = arith.extui %reduce_or3A_983 : i1 to i32
    %cond3A_988 = arith.constant 10240 : i32
    %cond3A_989 = arith.constant 0x7F800000 : f32
    %cond3A_990 = arith.constant 4.000000e-02 : f32
    %cond3A_991 = arith.constant 0 : i32
    %cond3A_992 = arith.cmpi ne, %convert_element_type3A_987, %cond3A_991 : i32
    scf.if %cond3A_992 {
      %sub3A_993 = vector.broadcast %broadcast_in_dim3A_13 : vector<32x1x1xf32> to vector<32x80x128xf32>
      %sub3A_994 = vector.broadcast %broadcast_in_dim3A : vector<1x80x128xf32> to vector<32x80x128xf32>
      %sub3A_995 = arith.subf %sub3A_993, %sub3A_994 : vector<32x80x128xf32>
      %sub3A_996 = vector.broadcast %broadcast_in_dim3A_17 : vector<32x1x1xf32> to vector<32x80x128xf32>
      %sub3A_997 = vector.broadcast %broadcast_in_dim3A_5 : vector<1x80x128xf32> to vector<32x80x128xf32>
      %sub3A_998 = arith.subf %sub3A_996, %sub3A_997 : vector<32x80x128xf32>
      %sub3A_999 = vector.broadcast %broadcast_in_dim3A_21 : vector<32x1x1xf32> to vector<32x80x128xf32>
      %sub3A_1000 = vector.broadcast %broadcast_in_dim3A_9 : vector<1x80x128xf32> to vector<32x80x128xf32>
      %sub3A_1001 = arith.subf %sub3A_999, %sub3A_1000 : vector<32x80x128xf32>
      %mul3A_1002 = arith.mulf %sub3A_995, %sub3A_995 : vector<32x80x128xf32>
      %mul3A_1003 = arith.mulf %sub3A_998, %sub3A_998 : vector<32x80x128xf32>
      %add3A_1004 = arith.addf %mul3A_1002, %mul3A_1003 : vector<32x80x128xf32>
      %mul3A_1005 = arith.mulf %sub3A_1001, %sub3A_1001 : vector<32x80x128xf32>
      %add3A_1006 = arith.addf %add3A_1004, %mul3A_1005 : vector<32x80x128xf32>
      %reduce_min3A_1007 = arith.constant dense<0x7F800000> : vector<32x128xf32>
      %reduce_min3A_1008 = vector.multi_reduction <minimumf>, %add3A_1006, %reduce_min3A_1007 [1] : vector<32x80x128xf32> to vector<32x128xf32>
      %broadcast_in_dim3A_1009 = vector.shape_cast %reduce_min3A_1008 : vector<32x128xf32> to vector<32x1x128xf32>
      %reduce_min3A_1010 = arith.constant dense<0x7F800000> : vector<32x1xf32>
      %reduce_min3A_1011 = vector.multi_reduction <minimumf>, %broadcast_in_dim3A_1009, %reduce_min3A_1010 [2] : vector<32x1x128xf32> to vector<32x1xf32>
      %broadcast_in_dim3A_1012 = vector.shape_cast %reduce_min3A_1011 : vector<32x1xf32> to vector<32x1x1xf32>
      %eq3A_1013 = vector.broadcast %broadcast_in_dim3A_1012 : vector<32x1x1xf32> to vector<32x80x128xf32>
      %eq3A_1014 = arith.cmpf oeq, %add3A_1006, %eq3A_1013 : vector<32x80x128xf32>
      %broadcast_in_dim3A_1015 = vector.broadcast %cond3A_988 : i32 to vector<32x80x128xi32>
      %select_n3A_1016 = arith.select %eq3A_1014, %add3A, %broadcast_in_dim3A_1015 : vector<32x80x128xi1>, vector<32x80x128xi32>
      %reduce_min3A_1017 = arith.constant dense<2147483647> : vector<32x128xi32>
      %reduce_min3A_1018 = vector.multi_reduction <minsi>, %select_n3A_1016, %reduce_min3A_1017 [1] : vector<32x80x128xi32> to vector<32x128xi32>
      %broadcast_in_dim3A_1019 = vector.shape_cast %reduce_min3A_1018 : vector<32x128xi32> to vector<32x1x128xi32>
      %reduce_min3A_1020 = arith.constant dense<2147483647> : vector<32x1xi32>
      %reduce_min3A_1021 = vector.multi_reduction <minsi>, %broadcast_in_dim3A_1019, %reduce_min3A_1020 [2] : vector<32x1x128xi32> to vector<32x1xi32>
      %broadcast_in_dim3A_1022 = vector.shape_cast %reduce_min3A_1021 : vector<32x1xi32> to vector<32x1x1xi32>
      %squeeze3A_1023 = vector.shape_cast %broadcast_in_dim3A_1022 : vector<32x1x1xi32> to vector<32x1xi32>
      %swap3A = arith.constant 0 : index
      %swap3A_1024 = arith.constant 0 : index
      %swap3A_1025 = vector.load %arg3[%swap3A, %swap3A_1024] : memref<32x32xi32, #tpu.memory_space<vmem>>, vector<32x1xi32>
      tpu.vector_store %arg3[%swap3A, %swap3A_1024], %squeeze3A_1023 {strides = array<i32>} : memref<32x32xi32, #tpu.memory_space<vmem>>, vector<32x1xi32>,
      %eq3A_1026 = vector.broadcast %broadcast_in_dim3A_1022 : vector<32x1x1xi32> to vector<32x80x128xi32>
      %eq3A_1027 = arith.cmpi eq, %add3A, %eq3A_1026 : vector<32x80x128xi32>
      %and3A_1028 = arith.andi %eq3A_1014, %eq3A_1027 : vector<32x80x128xi1>
      %broadcast_in_dim3A_1029 = vector.broadcast %cond3A_989 : f32 to vector<32x80x128xf32>
      %select_n3A_1030 = arith.select %and3A_1028, %broadcast_in_dim3A_1029, %add3A_1006 : vector<32x80x128xi1>, vector<32x80x128xf32>
      %reduce_min3A_1031 = arith.constant dense<0x7F800000> : vector<32x128xf32>
      %reduce_min3A_1032 = vector.multi_reduction <minimumf>, %select_n3A_1030, %reduce_min3A_1031 [1] : vector<32x80x128xf32> to vector<32x128xf32>
      %broadcast_in_dim3A_1033 = vector.shape_cast %reduce_min3A_1032 : vector<32x128xf32> to vector<32x1x128xf32>
      %reduce_min3A_1034 = arith.constant dense<0x7F800000> : vector<32x1xf32>
      %reduce_min3A_1035 = vector.multi_reduction <minimumf>, %broadcast_in_dim3A_1033, %reduce_min3A_1034 [2] : vector<32x1x128xf32> to vector<32x1xf32>
      %broadcast_in_dim3A_1036 = vector.shape_cast %reduce_min3A_1035 : vector<32x1xf32> to vector<32x1x1xf32>
      %eq3A_1037 = vector.broadcast %broadcast_in_dim3A_1036 : vector<32x1x1xf32> to vector<32x80x128xf32>
      %eq3A_1038 = arith.cmpf oeq, %select_n3A_1030, %eq3A_1037 : vector<32x80x128xf32>
      %broadcast_in_dim3A_1039 = vector.broadcast %cond3A_988 : i32 to vector<32x80x128xi32>
      %select_n3A_1040 = arith.select %eq3A_1038, %add3A, %broadcast_in_dim3A_1039 : vector<32x80x128xi1>, vector<32x80x128xi32>
      %reduce_min3A_1041 = arith.constant dense<2147483647> : vector<32x128xi32>
      %reduce_min3A_1042 = vector.multi_reduction <minsi>, %select_n3A_1040, %reduce_min3A_1041 [1] : vector<32x80x128xi32> to vector<32x128xi32>
      %broadcast_in_dim3A_1043 = vector.shape_cast %reduce_min3A_1042 : vector<32x128xi32> to vector<32x1x128xi32>
      %reduce_min3A_1044 = arith.constant dense<2147483647> : vector<32x1xi32>
      %reduce_min3A_1045 = vector.multi_reduction <minsi>, %broadcast_in_dim3A_1043, %reduce_min3A_1044 [2] : vector<32x1x128xi32> to vector<32x1xi32>
      %broadcast_in_dim3A_1046 = vector.shape_cast %reduce_min3A_1045 : vector<32x1xi32> to vector<32x1x1xi32>
      %squeeze3A_1047 = vector.shape_cast %broadcast_in_dim3A_1046 : vector<32x1x1xi32> to vector<32x1xi32>
      %squeeze3A_1048 = vector.shape_cast %broadcast_in_dim3A_1036 : vector<32x1x1xf32> to vector<32x1xf32>
      %le3A_1049 = vector.broadcast %cond3A_990 : f32 to vector<32x1xf32>
      %le3A_1050 = arith.cmpf ole, %squeeze3A_1048, %le3A_1049 : vector<32x1xf32>
      %select_n3A_1051 = arith.select %le3A_1050, %squeeze3A_1047, %squeeze3A_1023 : vector<32x1xi1>, vector<32x1xi32>
      %swap3A_1052 = arith.constant 0 : index
      %swap3A_1053 = arith.constant 1 : index
      %swap3A_1054 = vector.load %arg3[%swap3A_1052, %swap3A_1053] : memref<32x32xi32, #tpu.memory_space<vmem>>, vector<32x1xi32>
      tpu.vector_store %arg3[%swap3A_1052, %swap3A_1053], %select_n3A_1051 {strides = array<i32>} : memref<32x32xi32, #tpu.memory_space<vmem>>, vector<32x1xi32>,
      %eq3A_1055 = vector.broadcast %broadcast_in_dim3A_1046 : vector<32x1x1xi32> to vector<32x80x128xi32>
      %eq3A_1056 = arith.cmpi eq, %add3A, %eq3A_1055 : vector<32x80x128xi32>
      %and3A_1057 = arith.andi %eq3A_1038, %eq3A_1056 : vector<32x80x128xi1>
      %broadcast_in_dim3A_1058 = vector.broadcast %cond3A_989 : f32 to vector<32x80x128xf32>
      %select_n3A_1059 = arith.select %and3A_1057, %broadcast_in_dim3A_1058, %select_n3A_1030 : vector<32x80x128xi1>, vector<32x80x128xf32>
      %reduce_min3A_1060 = arith.constant dense<0x7F800000> : vector<32x128xf32>
      %reduce_min3A_1061 = vector.multi_reduction <minimumf>, %select_n3A_1059, %reduce_min3A_1060 [1] : vector<32x80x128xf32> to vector<32x128xf32>
      %broadcast_in_dim3A_1062 = vector.shape_cast %reduce_min3A_1061 : vector<32x128xf32> to vector<32x1x128xf32>
      %reduce_min3A_1063 = arith.constant dense<0x7F800000> : vector<32x1xf32>
      %reduce_min3A_1064 = vector.multi_reduction <minimumf>, %broadcast_in_dim3A_1062, %reduce_min3A_1063 [2] : vector<32x1x128xf32> to vector<32x1xf32>
      %broadcast_in_dim3A_1065 = vector.shape_cast %reduce_min3A_1064 : vector<32x1xf32> to vector<32x1x1xf32>
      %eq3A_1066 = vector.broadcast %broadcast_in_dim3A_1065 : vector<32x1x1xf32> to vector<32x80x128xf32>
      %eq3A_1067 = arith.cmpf oeq, %select_n3A_1059, %eq3A_1066 : vector<32x80x128xf32>
      %broadcast_in_dim3A_1068 = vector.broadcast %cond3A_988 : i32 to vector<32x80x128xi32>
      %select_n3A_1069 = arith.select %eq3A_1067, %add3A, %broadcast_in_dim3A_1068 : vector<32x80x128xi1>, vector<32x80x128xi32>
      %reduce_min3A_1070 = arith.constant dense<2147483647> : vector<32x128xi32>
      %reduce_min3A_1071 = vector.multi_reduction <minsi>, %select_n3A_1069, %reduce_min3A_1070 [1] : vector<32x80x128xi32> to vector<32x128xi32>
      %broadcast_in_dim3A_1072 = vector.shape_cast %reduce_min3A_1071 : vector<32x128xi32> to vector<32x1x128xi32>
      %reduce_min3A_1073 = arith.constant dense<2147483647> : vector<32x1xi32>
      %reduce_min3A_1074 = vector.multi_reduction <minsi>, %broadcast_in_dim3A_1072, %reduce_min3A_1073 [2] : vector<32x1x128xi32> to vector<32x1xi32>
      %broadcast_in_dim3A_1075 = vector.shape_cast %reduce_min3A_1074 : vector<32x1xi32> to vector<32x1x1xi32>
      %squeeze3A_1076 = vector.shape_cast %broadcast_in_dim3A_1075 : vector<32x1x1xi32> to vector<32x1xi32>
      %squeeze3A_1077 = vector.shape_cast %broadcast_in_dim3A_1065 : vector<32x1x1xf32> to vector<32x1xf32>
      %le3A_1078 = vector.broadcast %cond3A_990 : f32 to vector<32x1xf32>
      %le3A_1079 = arith.cmpf ole, %squeeze3A_1077, %le3A_1078 : vector<32x1xf32>
      %select_n3A_1080 = arith.select %le3A_1079, %squeeze3A_1076, %squeeze3A_1023 : vector<32x1xi1>, vector<32x1xi32>
      %swap3A_1081 = arith.constant 0 : index
      %swap3A_1082 = arith.constant 2 : index
      %swap3A_1083 = vector.load %arg3[%swap3A_1081, %swap3A_1082] : memref<32x32xi32, #tpu.memory_space<vmem>>, vector<32x1xi32>
      tpu.vector_store %arg3[%swap3A_1081, %swap3A_1082], %select_n3A_1080 {strides = array<i32>} : memref<32x32xi32, #tpu.memory_space<vmem>>, vector<32x1xi32>,
      %eq3A_1084 = vector.broadcast %broadcast_in_dim3A_1075 : vector<32x1x1xi32> to vector<32x80x128xi32>
      %eq3A_1085 = arith.cmpi eq, %add3A, %eq3A_1084 : vector<32x80x128xi32>
      %and3A_1086 = arith.andi %eq3A_1067, %eq3A_1085 : vector<32x80x128xi1>
      %broadcast_in_dim3A_1087 = vector.broadcast %cond3A_989 : f32 to vector<32x80x128xf32>
      %select_n3A_1088 = arith.select %and3A_1086, %broadcast_in_dim3A_1087, %select_n3A_1059 : vector<32x80x128xi1>, vector<32x80x128xf32>
      %reduce_min3A_1089 = arith.constant dense<0x7F800000> : vector<32x128xf32>
      %reduce_min3A_1090 = vector.multi_reduction <minimumf>, %select_n3A_1088, %reduce_min3A_1089 [1] : vector<32x80x128xf32> to vector<32x128xf32>
      %broadcast_in_dim3A_1091 = vector.shape_cast %reduce_min3A_1090 : vector<32x128xf32> to vector<32x1x128xf32>
      %reduce_min3A_1092 = arith.constant dense<0x7F800000> : vector<32x1xf32>
      %reduce_min3A_1093 = vector.multi_reduction <minimumf>, %broadcast_in_dim3A_1091, %reduce_min3A_1092 [2] : vector<32x1x128xf32> to vector<32x1xf32>
      %broadcast_in_dim3A_1094 = vector.shape_cast %reduce_min3A_1093 : vector<32x1xf32> to vector<32x1x1xf32>
      %eq3A_1095 = vector.broadcast %broadcast_in_dim3A_1094 : vector<32x1x1xf32> to vector<32x80x128xf32>
      %eq3A_1096 = arith.cmpf oeq, %select_n3A_1088, %eq3A_1095 : vector<32x80x128xf32>
      %broadcast_in_dim3A_1097 = vector.broadcast %cond3A_988 : i32 to vector<32x80x128xi32>
      %select_n3A_1098 = arith.select %eq3A_1096, %add3A, %broadcast_in_dim3A_1097 : vector<32x80x128xi1>, vector<32x80x128xi32>
      %reduce_min3A_1099 = arith.constant dense<2147483647> : vector<32x128xi32>
      %reduce_min3A_1100 = vector.multi_reduction <minsi>, %select_n3A_1098, %reduce_min3A_1099 [1] : vector<32x80x128xi32> to vector<32x128xi32>
      %broadcast_in_dim3A_1101 = vector.shape_cast %reduce_min3A_1100 : vector<32x128xi32> to vector<32x1x128xi32>
      %reduce_min3A_1102 = arith.constant dense<2147483647> : vector<32x1xi32>
      %reduce_min3A_1103 = vector.multi_reduction <minsi>, %broadcast_in_dim3A_1101, %reduce_min3A_1102 [2] : vector<32x1x128xi32> to vector<32x1xi32>
      %broadcast_in_dim3A_1104 = vector.shape_cast %reduce_min3A_1103 : vector<32x1xi32> to vector<32x1x1xi32>
      %squeeze3A_1105 = vector.shape_cast %broadcast_in_dim3A_1104 : vector<32x1x1xi32> to vector<32x1xi32>
      %squeeze3A_1106 = vector.shape_cast %broadcast_in_dim3A_1094 : vector<32x1x1xf32> to vector<32x1xf32>
      %le3A_1107 = vector.broadcast %cond3A_990 : f32 to vector<32x1xf32>
      %le3A_1108 = arith.cmpf ole, %squeeze3A_1106, %le3A_1107 : vector<32x1xf32>
      %select_n3A_1109 = arith.select %le3A_1108, %squeeze3A_1105, %squeeze3A_1023 : vector<32x1xi1>, vector<32x1xi32>
      %swap3A_1110 = arith.constant 0 : index
      %swap3A_1111 = arith.constant 3 : index
      %swap3A_1112 = vector.load %arg3[%swap3A_1110, %swap3A_1111] : memref<32x32xi32, #tpu.memory_space<vmem>>, vector<32x1xi32>
      tpu.vector_store %arg3[%swap3A_1110, %swap3A_1111], %select_n3A_1109 {strides = array<i32>} : memref<32x32xi32, #tpu.memory_space<vmem>>, vector<32x1xi32>,
      %eq3A_1113 = vector.broadcast %broadcast_in_dim3A_1104 : vector<32x1x1xi32> to vector<32x80x128xi32>
      %eq3A_1114 = arith.cmpi eq, %add3A, %eq3A_1113 : vector<32x80x128xi32>
      %and3A_1115 = arith.andi %eq3A_1096, %eq3A_1114 : vector<32x80x128xi1>
      %broadcast_in_dim3A_1116 = vector.broadcast %cond3A_989 : f32 to vector<32x80x128xf32>
      %select_n3A_1117 = arith.select %and3A_1115, %broadcast_in_dim3A_1116, %select_n3A_1088 : vector<32x80x128xi1>, vector<32x80x128xf32>
      %reduce_min3A_1118 = arith.constant dense<0x7F800000> : vector<32x128xf32>
      %reduce_min3A_1119 = vector.multi_reduction <minimumf>, %select_n3A_1117, %reduce_min3A_1118 [1] : vector<32x80x128xf32> to vector<32x128xf32>
      %broadcast_in_dim3A_1120 = vector.shape_cast %reduce_min3A_1119 : vector<32x128xf32> to vector<32x1x128xf32>
      %reduce_min3A_1121 = arith.constant dense<0x7F800000> : vector<32x1xf32>
      %reduce_min3A_1122 = vector.multi_reduction <minimumf>, %broadcast_in_dim3A_1120, %reduce_min3A_1121 [2] : vector<32x1x128xf32> to vector<32x1xf32>
      %broadcast_in_dim3A_1123 = vector.shape_cast %reduce_min3A_1122 : vector<32x1xf32> to vector<32x1x1xf32>
      %eq3A_1124 = vector.broadcast %broadcast_in_dim3A_1123 : vector<32x1x1xf32> to vector<32x80x128xf32>
      %eq3A_1125 = arith.cmpf oeq, %select_n3A_1117, %eq3A_1124 : vector<32x80x128xf32>
      %broadcast_in_dim3A_1126 = vector.broadcast %cond3A_988 : i32 to vector<32x80x128xi32>
      %select_n3A_1127 = arith.select %eq3A_1125, %add3A, %broadcast_in_dim3A_1126 : vector<32x80x128xi1>, vector<32x80x128xi32>
      %reduce_min3A_1128 = arith.constant dense<2147483647> : vector<32x128xi32>
      %reduce_min3A_1129 = vector.multi_reduction <minsi>, %select_n3A_1127, %reduce_min3A_1128 [1] : vector<32x80x128xi32> to vector<32x128xi32>
      %broadcast_in_dim3A_1130 = vector.shape_cast %reduce_min3A_1129 : vector<32x128xi32> to vector<32x1x128xi32>
      %reduce_min3A_1131 = arith.constant dense<2147483647> : vector<32x1xi32>
      %reduce_min3A_1132 = vector.multi_reduction <minsi>, %broadcast_in_dim3A_1130, %reduce_min3A_1131 [2] : vector<32x1x128xi32> to vector<32x1xi32>
      %broadcast_in_dim3A_1133 = vector.shape_cast %reduce_min3A_1132 : vector<32x1xi32> to vector<32x1x1xi32>
      %squeeze3A_1134 = vector.shape_cast %broadcast_in_dim3A_1133 : vector<32x1x1xi32> to vector<32x1xi32>
      %squeeze3A_1135 = vector.shape_cast %broadcast_in_dim3A_1123 : vector<32x1x1xf32> to vector<32x1xf32>
      %le3A_1136 = vector.broadcast %cond3A_990 : f32 to vector<32x1xf32>
      %le3A_1137 = arith.cmpf ole, %squeeze3A_1135, %le3A_1136 : vector<32x1xf32>
      %select_n3A_1138 = arith.select %le3A_1137, %squeeze3A_1134, %squeeze3A_1023 : vector<32x1xi1>, vector<32x1xi32>
      %swap3A_1139 = arith.constant 0 : index
      %swap3A_1140 = arith.constant 4 : index
      %swap3A_1141 = vector.load %arg3[%swap3A_1139, %swap3A_1140] : memref<32x32xi32, #tpu.memory_space<vmem>>, vector<32x1xi32>
      tpu.vector_store %arg3[%swap3A_1139, %swap3A_1140], %select_n3A_1138 {strides = array<i32>} : memref<32x32xi32, #tpu.memory_space<vmem>>, vector<32x1xi32>,
      %eq3A_1142 = vector.broadcast %broadcast_in_dim3A_1133 : vector<32x1x1xi32> to vector<32x80x128xi32>
      %eq3A_1143 = arith.cmpi eq, %add3A, %eq3A_1142 : vector<32x80x128xi32>
      %and3A_1144 = arith.andi %eq3A_1125, %eq3A_1143 : vector<32x80x128xi1>
      %broadcast_in_dim3A_1145 = vector.broadcast %cond3A_989 : f32 to vector<32x80x128xf32>
      %select_n3A_1146 = arith.select %and3A_1144, %broadcast_in_dim3A_1145, %select_n3A_1117 : vector<32x80x128xi1>, vector<32x80x128xf32>
      %reduce_min3A_1147 = arith.constant dense<0x7F800000> : vector<32x128xf32>
      %reduce_min3A_1148 = vector.multi_reduction <minimumf>, %select_n3A_1146, %reduce_min3A_1147 [1] : vector<32x80x128xf32> to vector<32x128xf32>
      %broadcast_in_dim3A_1149 = vector.shape_cast %reduce_min3A_1148 : vector<32x128xf32> to vector<32x1x128xf32>
      %reduce_min3A_1150 = arith.constant dense<0x7F800000> : vector<32x1xf32>
      %reduce_min3A_1151 = vector.multi_reduction <minimumf>, %broadcast_in_dim3A_1149, %reduce_min3A_1150 [2] : vector<32x1x128xf32> to vector<32x1xf32>
      %broadcast_in_dim3A_1152 = vector.shape_cast %reduce_min3A_1151 : vector<32x1xf32> to vector<32x1x1xf32>
      %eq3A_1153 = vector.broadcast %broadcast_in_dim3A_1152 : vector<32x1x1xf32> to vector<32x80x128xf32>
      %eq3A_1154 = arith.cmpf oeq, %select_n3A_1146, %eq3A_1153 : vector<32x80x128xf32>
      %broadcast_in_dim3A_1155 = vector.broadcast %cond3A_988 : i32 to vector<32x80x128xi32>
      %select_n3A_1156 = arith.select %eq3A_1154, %add3A, %broadcast_in_dim3A_1155 : vector<32x80x128xi1>, vector<32x80x128xi32>
      %reduce_min3A_1157 = arith.constant dense<2147483647> : vector<32x128xi32>
      %reduce_min3A_1158 = vector.multi_reduction <minsi>, %select_n3A_1156, %reduce_min3A_1157 [1] : vector<32x80x128xi32> to vector<32x128xi32>
      %broadcast_in_dim3A_1159 = vector.shape_cast %reduce_min3A_1158 : vector<32x128xi32> to vector<32x1x128xi32>
      %reduce_min3A_1160 = arith.constant dense<2147483647> : vector<32x1xi32>
      %reduce_min3A_1161 = vector.multi_reduction <minsi>, %broadcast_in_dim3A_1159, %reduce_min3A_1160 [2] : vector<32x1x128xi32> to vector<32x1xi32>
      %broadcast_in_dim3A_1162 = vector.shape_cast %reduce_min3A_1161 : vector<32x1xi32> to vector<32x1x1xi32>
      %squeeze3A_1163 = vector.shape_cast %broadcast_in_dim3A_1162 : vector<32x1x1xi32> to vector<32x1xi32>
      %squeeze3A_1164 = vector.shape_cast %broadcast_in_dim3A_1152 : vector<32x1x1xf32> to vector<32x1xf32>
      %le3A_1165 = vector.broadcast %cond3A_990 : f32 to vector<32x1xf32>
      %le3A_1166 = arith.cmpf ole, %squeeze3A_1164, %le3A_1165 : vector<32x1xf32>
      %select_n3A_1167 = arith.select %le3A_1166, %squeeze3A_1163, %squeeze3A_1023 : vector<32x1xi1>, vector<32x1xi32>
      %swap3A_1168 = arith.constant 0 : index
      %swap3A_1169 = arith.constant 5 : index
      %swap3A_1170 = vector.load %arg3[%swap3A_1168, %swap3A_1169] : memref<32x32xi32, #tpu.memory_space<vmem>>, vector<32x1xi32>
      tpu.vector_store %arg3[%swap3A_1168, %swap3A_1169], %select_n3A_1167 {strides = array<i32>} : memref<32x32xi32, #tpu.memory_space<vmem>>, vector<32x1xi32>,
      %eq3A_1171 = vector.broadcast %broadcast_in_dim3A_1162 : vector<32x1x1xi32> to vector<32x80x128xi32>
      %eq3A_1172 = arith.cmpi eq, %add3A, %eq3A_1171 : vector<32x80x128xi32>
      %and3A_1173 = arith.andi %eq3A_1154, %eq3A_1172 : vector<32x80x128xi1>
      %broadcast_in_dim3A_1174 = vector.broadcast %cond3A_989 : f32 to vector<32x80x128xf32>
      %select_n3A_1175 = arith.select %and3A_1173, %broadcast_in_dim3A_1174, %select_n3A_1146 : vector<32x80x128xi1>, vector<32x80x128xf32>
      %reduce_min3A_1176 = arith.constant dense<0x7F800000> : vector<32x128xf32>
      %reduce_min3A_1177 = vector.multi_reduction <minimumf>, %select_n3A_1175, %reduce_min3A_1176 [1] : vector<32x80x128xf32> to vector<32x128xf32>
      %broadcast_in_dim3A_1178 = vector.shape_cast %reduce_min3A_1177 : vector<32x128xf32> to vector<32x1x128xf32>
      %reduce_min3A_1179 = arith.constant dense<0x7F800000> : vector<32x1xf32>
      %reduce_min3A_1180 = vector.multi_reduction <minimumf>, %broadcast_in_dim3A_1178, %reduce_min3A_1179 [2] : vector<32x1x128xf32> to vector<32x1xf32>
      %broadcast_in_dim3A_1181 = vector.shape_cast %reduce_min3A_1180 : vector<32x1xf32> to vector<32x1x1xf32>
      %eq3A_1182 = vector.broadcast %broadcast_in_dim3A_1181 : vector<32x1x1xf32> to vector<32x80x128xf32>
      %eq3A_1183 = arith.cmpf oeq, %select_n3A_1175, %eq3A_1182 : vector<32x80x128xf32>
      %broadcast_in_dim3A_1184 = vector.broadcast %cond3A_988 : i32 to vector<32x80x128xi32>
      %select_n3A_1185 = arith.select %eq3A_1183, %add3A, %broadcast_in_dim3A_1184 : vector<32x80x128xi1>, vector<32x80x128xi32>
      %reduce_min3A_1186 = arith.constant dense<2147483647> : vector<32x128xi32>
      %reduce_min3A_1187 = vector.multi_reduction <minsi>, %select_n3A_1185, %reduce_min3A_1186 [1] : vector<32x80x128xi32> to vector<32x128xi32>
      %broadcast_in_dim3A_1188 = vector.shape_cast %reduce_min3A_1187 : vector<32x128xi32> to vector<32x1x128xi32>
      %reduce_min3A_1189 = arith.constant dense<2147483647> : vector<32x1xi32>
      %reduce_min3A_1190 = vector.multi_reduction <minsi>, %broadcast_in_dim3A_1188, %reduce_min3A_1189 [2] : vector<32x1x128xi32> to vector<32x1xi32>
      %broadcast_in_dim3A_1191 = vector.shape_cast %reduce_min3A_1190 : vector<32x1xi32> to vector<32x1x1xi32>
      %squeeze3A_1192 = vector.shape_cast %broadcast_in_dim3A_1191 : vector<32x1x1xi32> to vector<32x1xi32>
      %squeeze3A_1193 = vector.shape_cast %broadcast_in_dim3A_1181 : vector<32x1x1xf32> to vector<32x1xf32>
      %le3A_1194 = vector.broadcast %cond3A_990 : f32 to vector<32x1xf32>
      %le3A_1195 = arith.cmpf ole, %squeeze3A_1193, %le3A_1194 : vector<32x1xf32>
      %select_n3A_1196 = arith.select %le3A_1195, %squeeze3A_1192, %squeeze3A_1023 : vector<32x1xi1>, vector<32x1xi32>
      %swap3A_1197 = arith.constant 0 : index
      %swap3A_1198 = arith.constant 6 : index
      %swap3A_1199 = vector.load %arg3[%swap3A_1197, %swap3A_1198] : memref<32x32xi32, #tpu.memory_space<vmem>>, vector<32x1xi32>
      tpu.vector_store %arg3[%swap3A_1197, %swap3A_1198], %select_n3A_1196 {strides = array<i32>} : memref<32x32xi32, #tpu.memory_space<vmem>>, vector<32x1xi32>,
      %eq3A_1200 = vector.broadcast %broadcast_in_dim3A_1191 : vector<32x1x1xi32> to vector<32x80x128xi32>
      %eq3A_1201 = arith.cmpi eq, %add3A, %eq3A_1200 : vector<32x80x128xi32>
      %and3A_1202 = arith.andi %eq3A_1183, %eq3A_1201 : vector<32x80x128xi1>
      %broadcast_in_dim3A_1203 = vector.broadcast %cond3A_989 : f32 to vector<32x80x128xf32>
      %select_n3A_1204 = arith.select %and3A_1202, %broadcast_in_dim3A_1203, %select_n3A_1175 : vector<32x80x128xi1>, vector<32x80x128xf32>
      %reduce_min3A_1205 = arith.constant dense<0x7F800000> : vector<32x128xf32>
      %reduce_min3A_1206 = vector.multi_reduction <minimumf>, %select_n3A_1204, %reduce_min3A_1205 [1] : vector<32x80x128xf32> to vector<32x128xf32>
      %broadcast_in_dim3A_1207 = vector.shape_cast %reduce_min3A_1206 : vector<32x128xf32> to vector<32x1x128xf32>
      %reduce_min3A_1208 = arith.constant dense<0x7F800000> : vector<32x1xf32>
      %reduce_min3A_1209 = vector.multi_reduction <minimumf>, %broadcast_in_dim3A_1207, %reduce_min3A_1208 [2] : vector<32x1x128xf32> to vector<32x1xf32>
      %broadcast_in_dim3A_1210 = vector.shape_cast %reduce_min3A_1209 : vector<32x1xf32> to vector<32x1x1xf32>
      %eq3A_1211 = vector.broadcast %broadcast_in_dim3A_1210 : vector<32x1x1xf32> to vector<32x80x128xf32>
      %eq3A_1212 = arith.cmpf oeq, %select_n3A_1204, %eq3A_1211 : vector<32x80x128xf32>
      %broadcast_in_dim3A_1213 = vector.broadcast %cond3A_988 : i32 to vector<32x80x128xi32>
      %select_n3A_1214 = arith.select %eq3A_1212, %add3A, %broadcast_in_dim3A_1213 : vector<32x80x128xi1>, vector<32x80x128xi32>
      %reduce_min3A_1215 = arith.constant dense<2147483647> : vector<32x128xi32>
      %reduce_min3A_1216 = vector.multi_reduction <minsi>, %select_n3A_1214, %reduce_min3A_1215 [1] : vector<32x80x128xi32> to vector<32x128xi32>
      %broadcast_in_dim3A_1217 = vector.shape_cast %reduce_min3A_1216 : vector<32x128xi32> to vector<32x1x128xi32>
      %reduce_min3A_1218 = arith.constant dense<2147483647> : vector<32x1xi32>
      %reduce_min3A_1219 = vector.multi_reduction <minsi>, %broadcast_in_dim3A_1217, %reduce_min3A_1218 [2] : vector<32x1x128xi32> to vector<32x1xi32>
      %broadcast_in_dim3A_1220 = vector.shape_cast %reduce_min3A_1219 : vector<32x1xi32> to vector<32x1x1xi32>
      %squeeze3A_1221 = vector.shape_cast %broadcast_in_dim3A_1220 : vector<32x1x1xi32> to vector<32x1xi32>
      %squeeze3A_1222 = vector.shape_cast %broadcast_in_dim3A_1210 : vector<32x1x1xf32> to vector<32x1xf32>
      %le3A_1223 = vector.broadcast %cond3A_990 : f32 to vector<32x1xf32>
      %le3A_1224 = arith.cmpf ole, %squeeze3A_1222, %le3A_1223 : vector<32x1xf32>
      %select_n3A_1225 = arith.select %le3A_1224, %squeeze3A_1221, %squeeze3A_1023 : vector<32x1xi1>, vector<32x1xi32>
      %swap3A_1226 = arith.constant 0 : index
      %swap3A_1227 = arith.constant 7 : index
      %swap3A_1228 = vector.load %arg3[%swap3A_1226, %swap3A_1227] : memref<32x32xi32, #tpu.memory_space<vmem>>, vector<32x1xi32>
      tpu.vector_store %arg3[%swap3A_1226, %swap3A_1227], %select_n3A_1225 {strides = array<i32>} : memref<32x32xi32, #tpu.memory_space<vmem>>, vector<32x1xi32>,
      %eq3A_1229 = vector.broadcast %broadcast_in_dim3A_1220 : vector<32x1x1xi32> to vector<32x80x128xi32>
      %eq3A_1230 = arith.cmpi eq, %add3A, %eq3A_1229 : vector<32x80x128xi32>
      %and3A_1231 = arith.andi %eq3A_1212, %eq3A_1230 : vector<32x80x128xi1>
      %broadcast_in_dim3A_1232 = vector.broadcast %cond3A_989 : f32 to vector<32x80x128xf32>
      %select_n3A_1233 = arith.select %and3A_1231, %broadcast_in_dim3A_1232, %select_n3A_1204 : vector<32x80x128xi1>, vector<32x80x128xf32>
      %reduce_min3A_1234 = arith.constant dense<0x7F800000> : vector<32x128xf32>
      %reduce_min3A_1235 = vector.multi_reduction <minimumf>, %select_n3A_1233, %reduce_min3A_1234 [1] : vector<32x80x128xf32> to vector<32x128xf32>
      %broadcast_in_dim3A_1236 = vector.shape_cast %reduce_min3A_1235 : vector<32x128xf32> to vector<32x1x128xf32>
      %reduce_min3A_1237 = arith.constant dense<0x7F800000> : vector<32x1xf32>
      %reduce_min3A_1238 = vector.multi_reduction <minimumf>, %broadcast_in_dim3A_1236, %reduce_min3A_1237 [2] : vector<32x1x128xf32> to vector<32x1xf32>
      %broadcast_in_dim3A_1239 = vector.shape_cast %reduce_min3A_1238 : vector<32x1xf32> to vector<32x1x1xf32>
      %eq3A_1240 = vector.broadcast %broadcast_in_dim3A_1239 : vector<32x1x1xf32> to vector<32x80x128xf32>
      %eq3A_1241 = arith.cmpf oeq, %select_n3A_1233, %eq3A_1240 : vector<32x80x128xf32>
      %broadcast_in_dim3A_1242 = vector.broadcast %cond3A_988 : i32 to vector<32x80x128xi32>
      %select_n3A_1243 = arith.select %eq3A_1241, %add3A, %broadcast_in_dim3A_1242 : vector<32x80x128xi1>, vector<32x80x128xi32>
      %reduce_min3A_1244 = arith.constant dense<2147483647> : vector<32x128xi32>
      %reduce_min3A_1245 = vector.multi_reduction <minsi>, %select_n3A_1243, %reduce_min3A_1244 [1] : vector<32x80x128xi32> to vector<32x128xi32>
      %broadcast_in_dim3A_1246 = vector.shape_cast %reduce_min3A_1245 : vector<32x128xi32> to vector<32x1x128xi32>
      %reduce_min3A_1247 = arith.constant dense<2147483647> : vector<32x1xi32>
      %reduce_min3A_1248 = vector.multi_reduction <minsi>, %broadcast_in_dim3A_1246, %reduce_min3A_1247 [2] : vector<32x1x128xi32> to vector<32x1xi32>
      %broadcast_in_dim3A_1249 = vector.shape_cast %reduce_min3A_1248 : vector<32x1xi32> to vector<32x1x1xi32>
      %squeeze3A_1250 = vector.shape_cast %broadcast_in_dim3A_1249 : vector<32x1x1xi32> to vector<32x1xi32>
      %squeeze3A_1251 = vector.shape_cast %broadcast_in_dim3A_1239 : vector<32x1x1xf32> to vector<32x1xf32>
      %le3A_1252 = vector.broadcast %cond3A_990 : f32 to vector<32x1xf32>
      %le3A_1253 = arith.cmpf ole, %squeeze3A_1251, %le3A_1252 : vector<32x1xf32>
      %select_n3A_1254 = arith.select %le3A_1253, %squeeze3A_1250, %squeeze3A_1023 : vector<32x1xi1>, vector<32x1xi32>
      %swap3A_1255 = arith.constant 0 : index
      %swap3A_1256 = arith.constant 8 : index
      %swap3A_1257 = vector.load %arg3[%swap3A_1255, %swap3A_1256] : memref<32x32xi32, #tpu.memory_space<vmem>>, vector<32x1xi32>
      tpu.vector_store %arg3[%swap3A_1255, %swap3A_1256], %select_n3A_1254 {strides = array<i32>} : memref<32x32xi32, #tpu.memory_space<vmem>>, vector<32x1xi32>,
      %eq3A_1258 = vector.broadcast %broadcast_in_dim3A_1249 : vector<32x1x1xi32> to vector<32x80x128xi32>
      %eq3A_1259 = arith.cmpi eq, %add3A, %eq3A_1258 : vector<32x80x128xi32>
      %and3A_1260 = arith.andi %eq3A_1241, %eq3A_1259 : vector<32x80x128xi1>
      %broadcast_in_dim3A_1261 = vector.broadcast %cond3A_989 : f32 to vector<32x80x128xf32>
      %select_n3A_1262 = arith.select %and3A_1260, %broadcast_in_dim3A_1261, %select_n3A_1233 : vector<32x80x128xi1>, vector<32x80x128xf32>
      %reduce_min3A_1263 = arith.constant dense<0x7F800000> : vector<32x128xf32>
      %reduce_min3A_1264 = vector.multi_reduction <minimumf>, %select_n3A_1262, %reduce_min3A_1263 [1] : vector<32x80x128xf32> to vector<32x128xf32>
      %broadcast_in_dim3A_1265 = vector.shape_cast %reduce_min3A_1264 : vector<32x128xf32> to vector<32x1x128xf32>
      %reduce_min3A_1266 = arith.constant dense<0x7F800000> : vector<32x1xf32>
      %reduce_min3A_1267 = vector.multi_reduction <minimumf>, %broadcast_in_dim3A_1265, %reduce_min3A_1266 [2] : vector<32x1x128xf32> to vector<32x1xf32>
      %broadcast_in_dim3A_1268 = vector.shape_cast %reduce_min3A_1267 : vector<32x1xf32> to vector<32x1x1xf32>
      %eq3A_1269 = vector.broadcast %broadcast_in_dim3A_1268 : vector<32x1x1xf32> to vector<32x80x128xf32>
      %eq3A_1270 = arith.cmpf oeq, %select_n3A_1262, %eq3A_1269 : vector<32x80x128xf32>
      %broadcast_in_dim3A_1271 = vector.broadcast %cond3A_988 : i32 to vector<32x80x128xi32>
      %select_n3A_1272 = arith.select %eq3A_1270, %add3A, %broadcast_in_dim3A_1271 : vector<32x80x128xi1>, vector<32x80x128xi32>
      %reduce_min3A_1273 = arith.constant dense<2147483647> : vector<32x128xi32>
      %reduce_min3A_1274 = vector.multi_reduction <minsi>, %select_n3A_1272, %reduce_min3A_1273 [1] : vector<32x80x128xi32> to vector<32x128xi32>
      %broadcast_in_dim3A_1275 = vector.shape_cast %reduce_min3A_1274 : vector<32x128xi32> to vector<32x1x128xi32>
      %reduce_min3A_1276 = arith.constant dense<2147483647> : vector<32x1xi32>
      %reduce_min3A_1277 = vector.multi_reduction <minsi>, %broadcast_in_dim3A_1275, %reduce_min3A_1276 [2] : vector<32x1x128xi32> to vector<32x1xi32>
      %broadcast_in_dim3A_1278 = vector.shape_cast %reduce_min3A_1277 : vector<32x1xi32> to vector<32x1x1xi32>
      %squeeze3A_1279 = vector.shape_cast %broadcast_in_dim3A_1278 : vector<32x1x1xi32> to vector<32x1xi32>
      %squeeze3A_1280 = vector.shape_cast %broadcast_in_dim3A_1268 : vector<32x1x1xf32> to vector<32x1xf32>
      %le3A_1281 = vector.broadcast %cond3A_990 : f32 to vector<32x1xf32>
      %le3A_1282 = arith.cmpf ole, %squeeze3A_1280, %le3A_1281 : vector<32x1xf32>
      %select_n3A_1283 = arith.select %le3A_1282, %squeeze3A_1279, %squeeze3A_1023 : vector<32x1xi1>, vector<32x1xi32>
      %swap3A_1284 = arith.constant 0 : index
      %swap3A_1285 = arith.constant 9 : index
      %swap3A_1286 = vector.load %arg3[%swap3A_1284, %swap3A_1285] : memref<32x32xi32, #tpu.memory_space<vmem>>, vector<32x1xi32>
      tpu.vector_store %arg3[%swap3A_1284, %swap3A_1285], %select_n3A_1283 {strides = array<i32>} : memref<32x32xi32, #tpu.memory_space<vmem>>, vector<32x1xi32>,
      %eq3A_1287 = vector.broadcast %broadcast_in_dim3A_1278 : vector<32x1x1xi32> to vector<32x80x128xi32>
      %eq3A_1288 = arith.cmpi eq, %add3A, %eq3A_1287 : vector<32x80x128xi32>
      %and3A_1289 = arith.andi %eq3A_1270, %eq3A_1288 : vector<32x80x128xi1>
      %broadcast_in_dim3A_1290 = vector.broadcast %cond3A_989 : f32 to vector<32x80x128xf32>
      %select_n3A_1291 = arith.select %and3A_1289, %broadcast_in_dim3A_1290, %select_n3A_1262 : vector<32x80x128xi1>, vector<32x80x128xf32>
      %reduce_min3A_1292 = arith.constant dense<0x7F800000> : vector<32x128xf32>
      %reduce_min3A_1293 = vector.multi_reduction <minimumf>, %select_n3A_1291, %reduce_min3A_1292 [1] : vector<32x80x128xf32> to vector<32x128xf32>
      %broadcast_in_dim3A_1294 = vector.shape_cast %reduce_min3A_1293 : vector<32x128xf32> to vector<32x1x128xf32>
      %reduce_min3A_1295 = arith.constant dense<0x7F800000> : vector<32x1xf32>
      %reduce_min3A_1296 = vector.multi_reduction <minimumf>, %broadcast_in_dim3A_1294, %reduce_min3A_1295 [2] : vector<32x1x128xf32> to vector<32x1xf32>
      %broadcast_in_dim3A_1297 = vector.shape_cast %reduce_min3A_1296 : vector<32x1xf32> to vector<32x1x1xf32>
      %eq3A_1298 = vector.broadcast %broadcast_in_dim3A_1297 : vector<32x1x1xf32> to vector<32x80x128xf32>
      %eq3A_1299 = arith.cmpf oeq, %select_n3A_1291, %eq3A_1298 : vector<32x80x128xf32>
      %broadcast_in_dim3A_1300 = vector.broadcast %cond3A_988 : i32 to vector<32x80x128xi32>
      %select_n3A_1301 = arith.select %eq3A_1299, %add3A, %broadcast_in_dim3A_1300 : vector<32x80x128xi1>, vector<32x80x128xi32>
      %reduce_min3A_1302 = arith.constant dense<2147483647> : vector<32x128xi32>
      %reduce_min3A_1303 = vector.multi_reduction <minsi>, %select_n3A_1301, %reduce_min3A_1302 [1] : vector<32x80x128xi32> to vector<32x128xi32>
      %broadcast_in_dim3A_1304 = vector.shape_cast %reduce_min3A_1303 : vector<32x128xi32> to vector<32x1x128xi32>
      %reduce_min3A_1305 = arith.constant dense<2147483647> : vector<32x1xi32>
      %reduce_min3A_1306 = vector.multi_reduction <minsi>, %broadcast_in_dim3A_1304, %reduce_min3A_1305 [2] : vector<32x1x128xi32> to vector<32x1xi32>
      %broadcast_in_dim3A_1307 = vector.shape_cast %reduce_min3A_1306 : vector<32x1xi32> to vector<32x1x1xi32>
      %squeeze3A_1308 = vector.shape_cast %broadcast_in_dim3A_1307 : vector<32x1x1xi32> to vector<32x1xi32>
      %squeeze3A_1309 = vector.shape_cast %broadcast_in_dim3A_1297 : vector<32x1x1xf32> to vector<32x1xf32>
      %le3A_1310 = vector.broadcast %cond3A_990 : f32 to vector<32x1xf32>
      %le3A_1311 = arith.cmpf ole, %squeeze3A_1309, %le3A_1310 : vector<32x1xf32>
      %select_n3A_1312 = arith.select %le3A_1311, %squeeze3A_1308, %squeeze3A_1023 : vector<32x1xi1>, vector<32x1xi32>
      %swap3A_1313 = arith.constant 0 : index
      %swap3A_1314 = arith.constant 10 : index
      %swap3A_1315 = vector.load %arg3[%swap3A_1313, %swap3A_1314] : memref<32x32xi32, #tpu.memory_space<vmem>>, vector<32x1xi32>
      tpu.vector_store %arg3[%swap3A_1313, %swap3A_1314], %select_n3A_1312 {strides = array<i32>} : memref<32x32xi32, #tpu.memory_space<vmem>>, vector<32x1xi32>,
      %eq3A_1316 = vector.broadcast %broadcast_in_dim3A_1307 : vector<32x1x1xi32> to vector<32x80x128xi32>
      %eq3A_1317 = arith.cmpi eq, %add3A, %eq3A_1316 : vector<32x80x128xi32>
      %and3A_1318 = arith.andi %eq3A_1299, %eq3A_1317 : vector<32x80x128xi1>
      %broadcast_in_dim3A_1319 = vector.broadcast %cond3A_989 : f32 to vector<32x80x128xf32>
      %select_n3A_1320 = arith.select %and3A_1318, %broadcast_in_dim3A_1319, %select_n3A_1291 : vector<32x80x128xi1>, vector<32x80x128xf32>
      %reduce_min3A_1321 = arith.constant dense<0x7F800000> : vector<32x128xf32>
      %reduce_min3A_1322 = vector.multi_reduction <minimumf>, %select_n3A_1320, %reduce_min3A_1321 [1] : vector<32x80x128xf32> to vector<32x128xf32>
      %broadcast_in_dim3A_1323 = vector.shape_cast %reduce_min3A_1322 : vector<32x128xf32> to vector<32x1x128xf32>
      %reduce_min3A_1324 = arith.constant dense<0x7F800000> : vector<32x1xf32>
      %reduce_min3A_1325 = vector.multi_reduction <minimumf>, %broadcast_in_dim3A_1323, %reduce_min3A_1324 [2] : vector<32x1x128xf32> to vector<32x1xf32>
      %broadcast_in_dim3A_1326 = vector.shape_cast %reduce_min3A_1325 : vector<32x1xf32> to vector<32x1x1xf32>
      %eq3A_1327 = vector.broadcast %broadcast_in_dim3A_1326 : vector<32x1x1xf32> to vector<32x80x128xf32>
      %eq3A_1328 = arith.cmpf oeq, %select_n3A_1320, %eq3A_1327 : vector<32x80x128xf32>
      %broadcast_in_dim3A_1329 = vector.broadcast %cond3A_988 : i32 to vector<32x80x128xi32>
      %select_n3A_1330 = arith.select %eq3A_1328, %add3A, %broadcast_in_dim3A_1329 : vector<32x80x128xi1>, vector<32x80x128xi32>
      %reduce_min3A_1331 = arith.constant dense<2147483647> : vector<32x128xi32>
      %reduce_min3A_1332 = vector.multi_reduction <minsi>, %select_n3A_1330, %reduce_min3A_1331 [1] : vector<32x80x128xi32> to vector<32x128xi32>
      %broadcast_in_dim3A_1333 = vector.shape_cast %reduce_min3A_1332 : vector<32x128xi32> to vector<32x1x128xi32>
      %reduce_min3A_1334 = arith.constant dense<2147483647> : vector<32x1xi32>
      %reduce_min3A_1335 = vector.multi_reduction <minsi>, %broadcast_in_dim3A_1333, %reduce_min3A_1334 [2] : vector<32x1x128xi32> to vector<32x1xi32>
      %broadcast_in_dim3A_1336 = vector.shape_cast %reduce_min3A_1335 : vector<32x1xi32> to vector<32x1x1xi32>
      %squeeze3A_1337 = vector.shape_cast %broadcast_in_dim3A_1336 : vector<32x1x1xi32> to vector<32x1xi32>
      %squeeze3A_1338 = vector.shape_cast %broadcast_in_dim3A_1326 : vector<32x1x1xf32> to vector<32x1xf32>
      %le3A_1339 = vector.broadcast %cond3A_990 : f32 to vector<32x1xf32>
      %le3A_1340 = arith.cmpf ole, %squeeze3A_1338, %le3A_1339 : vector<32x1xf32>
      %select_n3A_1341 = arith.select %le3A_1340, %squeeze3A_1337, %squeeze3A_1023 : vector<32x1xi1>, vector<32x1xi32>
      %swap3A_1342 = arith.constant 0 : index
      %swap3A_1343 = arith.constant 11 : index
      %swap3A_1344 = vector.load %arg3[%swap3A_1342, %swap3A_1343] : memref<32x32xi32, #tpu.memory_space<vmem>>, vector<32x1xi32>
      tpu.vector_store %arg3[%swap3A_1342, %swap3A_1343], %select_n3A_1341 {strides = array<i32>} : memref<32x32xi32, #tpu.memory_space<vmem>>, vector<32x1xi32>,
      %eq3A_1345 = vector.broadcast %broadcast_in_dim3A_1336 : vector<32x1x1xi32> to vector<32x80x128xi32>
      %eq3A_1346 = arith.cmpi eq, %add3A, %eq3A_1345 : vector<32x80x128xi32>
      %and3A_1347 = arith.andi %eq3A_1328, %eq3A_1346 : vector<32x80x128xi1>
      %broadcast_in_dim3A_1348 = vector.broadcast %cond3A_989 : f32 to vector<32x80x128xf32>
      %select_n3A_1349 = arith.select %and3A_1347, %broadcast_in_dim3A_1348, %select_n3A_1320 : vector<32x80x128xi1>, vector<32x80x128xf32>
      %reduce_min3A_1350 = arith.constant dense<0x7F800000> : vector<32x128xf32>
      %reduce_min3A_1351 = vector.multi_reduction <minimumf>, %select_n3A_1349, %reduce_min3A_1350 [1] : vector<32x80x128xf32> to vector<32x128xf32>
      %broadcast_in_dim3A_1352 = vector.shape_cast %reduce_min3A_1351 : vector<32x128xf32> to vector<32x1x128xf32>
      %reduce_min3A_1353 = arith.constant dense<0x7F800000> : vector<32x1xf32>
      %reduce_min3A_1354 = vector.multi_reduction <minimumf>, %broadcast_in_dim3A_1352, %reduce_min3A_1353 [2] : vector<32x1x128xf32> to vector<32x1xf32>
      %broadcast_in_dim3A_1355 = vector.shape_cast %reduce_min3A_1354 : vector<32x1xf32> to vector<32x1x1xf32>
      %eq3A_1356 = vector.broadcast %broadcast_in_dim3A_1355 : vector<32x1x1xf32> to vector<32x80x128xf32>
      %eq3A_1357 = arith.cmpf oeq, %select_n3A_1349, %eq3A_1356 : vector<32x80x128xf32>
      %broadcast_in_dim3A_1358 = vector.broadcast %cond3A_988 : i32 to vector<32x80x128xi32>
      %select_n3A_1359 = arith.select %eq3A_1357, %add3A, %broadcast_in_dim3A_1358 : vector<32x80x128xi1>, vector<32x80x128xi32>
      %reduce_min3A_1360 = arith.constant dense<2147483647> : vector<32x128xi32>
      %reduce_min3A_1361 = vector.multi_reduction <minsi>, %select_n3A_1359, %reduce_min3A_1360 [1] : vector<32x80x128xi32> to vector<32x128xi32>
      %broadcast_in_dim3A_1362 = vector.shape_cast %reduce_min3A_1361 : vector<32x128xi32> to vector<32x1x128xi32>
      %reduce_min3A_1363 = arith.constant dense<2147483647> : vector<32x1xi32>
      %reduce_min3A_1364 = vector.multi_reduction <minsi>, %broadcast_in_dim3A_1362, %reduce_min3A_1363 [2] : vector<32x1x128xi32> to vector<32x1xi32>
      %broadcast_in_dim3A_1365 = vector.shape_cast %reduce_min3A_1364 : vector<32x1xi32> to vector<32x1x1xi32>
      %squeeze3A_1366 = vector.shape_cast %broadcast_in_dim3A_1365 : vector<32x1x1xi32> to vector<32x1xi32>
      %squeeze3A_1367 = vector.shape_cast %broadcast_in_dim3A_1355 : vector<32x1x1xf32> to vector<32x1xf32>
      %le3A_1368 = vector.broadcast %cond3A_990 : f32 to vector<32x1xf32>
      %le3A_1369 = arith.cmpf ole, %squeeze3A_1367, %le3A_1368 : vector<32x1xf32>
      %select_n3A_1370 = arith.select %le3A_1369, %squeeze3A_1366, %squeeze3A_1023 : vector<32x1xi1>, vector<32x1xi32>
      %swap3A_1371 = arith.constant 0 : index
      %swap3A_1372 = arith.constant 12 : index
      %swap3A_1373 = vector.load %arg3[%swap3A_1371, %swap3A_1372] : memref<32x32xi32, #tpu.memory_space<vmem>>, vector<32x1xi32>
      tpu.vector_store %arg3[%swap3A_1371, %swap3A_1372], %select_n3A_1370 {strides = array<i32>} : memref<32x32xi32, #tpu.memory_space<vmem>>, vector<32x1xi32>,
      %eq3A_1374 = vector.broadcast %broadcast_in_dim3A_1365 : vector<32x1x1xi32> to vector<32x80x128xi32>
      %eq3A_1375 = arith.cmpi eq, %add3A, %eq3A_1374 : vector<32x80x128xi32>
      %and3A_1376 = arith.andi %eq3A_1357, %eq3A_1375 : vector<32x80x128xi1>
      %broadcast_in_dim3A_1377 = vector.broadcast %cond3A_989 : f32 to vector<32x80x128xf32>
      %select_n3A_1378 = arith.select %and3A_1376, %broadcast_in_dim3A_1377, %select_n3A_1349 : vector<32x80x128xi1>, vector<32x80x128xf32>
      %reduce_min3A_1379 = arith.constant dense<0x7F800000> : vector<32x128xf32>
      %reduce_min3A_1380 = vector.multi_reduction <minimumf>, %select_n3A_1378, %reduce_min3A_1379 [1] : vector<32x80x128xf32> to vector<32x128xf32>
      %broadcast_in_dim3A_1381 = vector.shape_cast %reduce_min3A_1380 : vector<32x128xf32> to vector<32x1x128xf32>
      %reduce_min3A_1382 = arith.constant dense<0x7F800000> : vector<32x1xf32>
      %reduce_min3A_1383 = vector.multi_reduction <minimumf>, %broadcast_in_dim3A_1381, %reduce_min3A_1382 [2] : vector<32x1x128xf32> to vector<32x1xf32>
      %broadcast_in_dim3A_1384 = vector.shape_cast %reduce_min3A_1383 : vector<32x1xf32> to vector<32x1x1xf32>
      %eq3A_1385 = vector.broadcast %broadcast_in_dim3A_1384 : vector<32x1x1xf32> to vector<32x80x128xf32>
      %eq3A_1386 = arith.cmpf oeq, %select_n3A_1378, %eq3A_1385 : vector<32x80x128xf32>
      %broadcast_in_dim3A_1387 = vector.broadcast %cond3A_988 : i32 to vector<32x80x128xi32>
      %select_n3A_1388 = arith.select %eq3A_1386, %add3A, %broadcast_in_dim3A_1387 : vector<32x80x128xi1>, vector<32x80x128xi32>
      %reduce_min3A_1389 = arith.constant dense<2147483647> : vector<32x128xi32>
      %reduce_min3A_1390 = vector.multi_reduction <minsi>, %select_n3A_1388, %reduce_min3A_1389 [1] : vector<32x80x128xi32> to vector<32x128xi32>
      %broadcast_in_dim3A_1391 = vector.shape_cast %reduce_min3A_1390 : vector<32x128xi32> to vector<32x1x128xi32>
      %reduce_min3A_1392 = arith.constant dense<2147483647> : vector<32x1xi32>
      %reduce_min3A_1393 = vector.multi_reduction <minsi>, %broadcast_in_dim3A_1391, %reduce_min3A_1392 [2] : vector<32x1x128xi32> to vector<32x1xi32>
      %broadcast_in_dim3A_1394 = vector.shape_cast %reduce_min3A_1393 : vector<32x1xi32> to vector<32x1x1xi32>
      %squeeze3A_1395 = vector.shape_cast %broadcast_in_dim3A_1394 : vector<32x1x1xi32> to vector<32x1xi32>
      %squeeze3A_1396 = vector.shape_cast %broadcast_in_dim3A_1384 : vector<32x1x1xf32> to vector<32x1xf32>
      %le3A_1397 = vector.broadcast %cond3A_990 : f32 to vector<32x1xf32>
      %le3A_1398 = arith.cmpf ole, %squeeze3A_1396, %le3A_1397 : vector<32x1xf32>
      %select_n3A_1399 = arith.select %le3A_1398, %squeeze3A_1395, %squeeze3A_1023 : vector<32x1xi1>, vector<32x1xi32>
      %swap3A_1400 = arith.constant 0 : index
      %swap3A_1401 = arith.constant 13 : index
      %swap3A_1402 = vector.load %arg3[%swap3A_1400, %swap3A_1401] : memref<32x32xi32, #tpu.memory_space<vmem>>, vector<32x1xi32>
      tpu.vector_store %arg3[%swap3A_1400, %swap3A_1401], %select_n3A_1399 {strides = array<i32>} : memref<32x32xi32, #tpu.memory_space<vmem>>, vector<32x1xi32>,
      %eq3A_1403 = vector.broadcast %broadcast_in_dim3A_1394 : vector<32x1x1xi32> to vector<32x80x128xi32>
      %eq3A_1404 = arith.cmpi eq, %add3A, %eq3A_1403 : vector<32x80x128xi32>
      %and3A_1405 = arith.andi %eq3A_1386, %eq3A_1404 : vector<32x80x128xi1>
      %broadcast_in_dim3A_1406 = vector.broadcast %cond3A_989 : f32 to vector<32x80x128xf32>
      %select_n3A_1407 = arith.select %and3A_1405, %broadcast_in_dim3A_1406, %select_n3A_1378 : vector<32x80x128xi1>, vector<32x80x128xf32>
      %reduce_min3A_1408 = arith.constant dense<0x7F800000> : vector<32x128xf32>
      %reduce_min3A_1409 = vector.multi_reduction <minimumf>, %select_n3A_1407, %reduce_min3A_1408 [1] : vector<32x80x128xf32> to vector<32x128xf32>
      %broadcast_in_dim3A_1410 = vector.shape_cast %reduce_min3A_1409 : vector<32x128xf32> to vector<32x1x128xf32>
      %reduce_min3A_1411 = arith.constant dense<0x7F800000> : vector<32x1xf32>
      %reduce_min3A_1412 = vector.multi_reduction <minimumf>, %broadcast_in_dim3A_1410, %reduce_min3A_1411 [2] : vector<32x1x128xf32> to vector<32x1xf32>
      %broadcast_in_dim3A_1413 = vector.shape_cast %reduce_min3A_1412 : vector<32x1xf32> to vector<32x1x1xf32>
      %eq3A_1414 = vector.broadcast %broadcast_in_dim3A_1413 : vector<32x1x1xf32> to vector<32x80x128xf32>
      %eq3A_1415 = arith.cmpf oeq, %select_n3A_1407, %eq3A_1414 : vector<32x80x128xf32>
      %broadcast_in_dim3A_1416 = vector.broadcast %cond3A_988 : i32 to vector<32x80x128xi32>
      %select_n3A_1417 = arith.select %eq3A_1415, %add3A, %broadcast_in_dim3A_1416 : vector<32x80x128xi1>, vector<32x80x128xi32>
      %reduce_min3A_1418 = arith.constant dense<2147483647> : vector<32x128xi32>
      %reduce_min3A_1419 = vector.multi_reduction <minsi>, %select_n3A_1417, %reduce_min3A_1418 [1] : vector<32x80x128xi32> to vector<32x128xi32>
      %broadcast_in_dim3A_1420 = vector.shape_cast %reduce_min3A_1419 : vector<32x128xi32> to vector<32x1x128xi32>
      %reduce_min3A_1421 = arith.constant dense<2147483647> : vector<32x1xi32>
      %reduce_min3A_1422 = vector.multi_reduction <minsi>, %broadcast_in_dim3A_1420, %reduce_min3A_1421 [2] : vector<32x1x128xi32> to vector<32x1xi32>
      %broadcast_in_dim3A_1423 = vector.shape_cast %reduce_min3A_1422 : vector<32x1xi32> to vector<32x1x1xi32>
      %squeeze3A_1424 = vector.shape_cast %broadcast_in_dim3A_1423 : vector<32x1x1xi32> to vector<32x1xi32>
      %squeeze3A_1425 = vector.shape_cast %broadcast_in_dim3A_1413 : vector<32x1x1xf32> to vector<32x1xf32>
      %le3A_1426 = vector.broadcast %cond3A_990 : f32 to vector<32x1xf32>
      %le3A_1427 = arith.cmpf ole, %squeeze3A_1425, %le3A_1426 : vector<32x1xf32>
      %select_n3A_1428 = arith.select %le3A_1427, %squeeze3A_1424, %squeeze3A_1023 : vector<32x1xi1>, vector<32x1xi32>
      %swap3A_1429 = arith.constant 0 : index
      %swap3A_1430 = arith.constant 14 : index
      %swap3A_1431 = vector.load %arg3[%swap3A_1429, %swap3A_1430] : memref<32x32xi32, #tpu.memory_space<vmem>>, vector<32x1xi32>
      tpu.vector_store %arg3[%swap3A_1429, %swap3A_1430], %select_n3A_1428 {strides = array<i32>} : memref<32x32xi32, #tpu.memory_space<vmem>>, vector<32x1xi32>,
      %eq3A_1432 = vector.broadcast %broadcast_in_dim3A_1423 : vector<32x1x1xi32> to vector<32x80x128xi32>
      %eq3A_1433 = arith.cmpi eq, %add3A, %eq3A_1432 : vector<32x80x128xi32>
      %and3A_1434 = arith.andi %eq3A_1415, %eq3A_1433 : vector<32x80x128xi1>
      %broadcast_in_dim3A_1435 = vector.broadcast %cond3A_989 : f32 to vector<32x80x128xf32>
      %select_n3A_1436 = arith.select %and3A_1434, %broadcast_in_dim3A_1435, %select_n3A_1407 : vector<32x80x128xi1>, vector<32x80x128xf32>
      %reduce_min3A_1437 = arith.constant dense<0x7F800000> : vector<32x128xf32>
      %reduce_min3A_1438 = vector.multi_reduction <minimumf>, %select_n3A_1436, %reduce_min3A_1437 [1] : vector<32x80x128xf32> to vector<32x128xf32>
      %broadcast_in_dim3A_1439 = vector.shape_cast %reduce_min3A_1438 : vector<32x128xf32> to vector<32x1x128xf32>
      %reduce_min3A_1440 = arith.constant dense<0x7F800000> : vector<32x1xf32>
      %reduce_min3A_1441 = vector.multi_reduction <minimumf>, %broadcast_in_dim3A_1439, %reduce_min3A_1440 [2] : vector<32x1x128xf32> to vector<32x1xf32>
      %broadcast_in_dim3A_1442 = vector.shape_cast %reduce_min3A_1441 : vector<32x1xf32> to vector<32x1x1xf32>
      %eq3A_1443 = vector.broadcast %broadcast_in_dim3A_1442 : vector<32x1x1xf32> to vector<32x80x128xf32>
      %eq3A_1444 = arith.cmpf oeq, %select_n3A_1436, %eq3A_1443 : vector<32x80x128xf32>
      %broadcast_in_dim3A_1445 = vector.broadcast %cond3A_988 : i32 to vector<32x80x128xi32>
      %select_n3A_1446 = arith.select %eq3A_1444, %add3A, %broadcast_in_dim3A_1445 : vector<32x80x128xi1>, vector<32x80x128xi32>
      %reduce_min3A_1447 = arith.constant dense<2147483647> : vector<32x128xi32>
      %reduce_min3A_1448 = vector.multi_reduction <minsi>, %select_n3A_1446, %reduce_min3A_1447 [1] : vector<32x80x128xi32> to vector<32x128xi32>
      %broadcast_in_dim3A_1449 = vector.shape_cast %reduce_min3A_1448 : vector<32x128xi32> to vector<32x1x128xi32>
      %reduce_min3A_1450 = arith.constant dense<2147483647> : vector<32x1xi32>
      %reduce_min3A_1451 = vector.multi_reduction <minsi>, %broadcast_in_dim3A_1449, %reduce_min3A_1450 [2] : vector<32x1x128xi32> to vector<32x1xi32>
      %broadcast_in_dim3A_1452 = vector.shape_cast %reduce_min3A_1451 : vector<32x1xi32> to vector<32x1x1xi32>
      %squeeze3A_1453 = vector.shape_cast %broadcast_in_dim3A_1452 : vector<32x1x1xi32> to vector<32x1xi32>
      %squeeze3A_1454 = vector.shape_cast %broadcast_in_dim3A_1442 : vector<32x1x1xf32> to vector<32x1xf32>
      %le3A_1455 = vector.broadcast %cond3A_990 : f32 to vector<32x1xf32>
      %le3A_1456 = arith.cmpf ole, %squeeze3A_1454, %le3A_1455 : vector<32x1xf32>
      %select_n3A_1457 = arith.select %le3A_1456, %squeeze3A_1453, %squeeze3A_1023 : vector<32x1xi1>, vector<32x1xi32>
      %swap3A_1458 = arith.constant 0 : index
      %swap3A_1459 = arith.constant 15 : index
      %swap3A_1460 = vector.load %arg3[%swap3A_1458, %swap3A_1459] : memref<32x32xi32, #tpu.memory_space<vmem>>, vector<32x1xi32>
      tpu.vector_store %arg3[%swap3A_1458, %swap3A_1459], %select_n3A_1457 {strides = array<i32>} : memref<32x32xi32, #tpu.memory_space<vmem>>, vector<32x1xi32>,
      %eq3A_1461 = vector.broadcast %broadcast_in_dim3A_1452 : vector<32x1x1xi32> to vector<32x80x128xi32>
      %eq3A_1462 = arith.cmpi eq, %add3A, %eq3A_1461 : vector<32x80x128xi32>
      %and3A_1463 = arith.andi %eq3A_1444, %eq3A_1462 : vector<32x80x128xi1>
      %broadcast_in_dim3A_1464 = vector.broadcast %cond3A_989 : f32 to vector<32x80x128xf32>
      %select_n3A_1465 = arith.select %and3A_1463, %broadcast_in_dim3A_1464, %select_n3A_1436 : vector<32x80x128xi1>, vector<32x80x128xf32>
      %reduce_min3A_1466 = arith.constant dense<0x7F800000> : vector<32x128xf32>
      %reduce_min3A_1467 = vector.multi_reduction <minimumf>, %select_n3A_1465, %reduce_min3A_1466 [1] : vector<32x80x128xf32> to vector<32x128xf32>
      %broadcast_in_dim3A_1468 = vector.shape_cast %reduce_min3A_1467 : vector<32x128xf32> to vector<32x1x128xf32>
      %reduce_min3A_1469 = arith.constant dense<0x7F800000> : vector<32x1xf32>
      %reduce_min3A_1470 = vector.multi_reduction <minimumf>, %broadcast_in_dim3A_1468, %reduce_min3A_1469 [2] : vector<32x1x128xf32> to vector<32x1xf32>
      %broadcast_in_dim3A_1471 = vector.shape_cast %reduce_min3A_1470 : vector<32x1xf32> to vector<32x1x1xf32>
      %eq3A_1472 = vector.broadcast %broadcast_in_dim3A_1471 : vector<32x1x1xf32> to vector<32x80x128xf32>
      %eq3A_1473 = arith.cmpf oeq, %select_n3A_1465, %eq3A_1472 : vector<32x80x128xf32>
      %broadcast_in_dim3A_1474 = vector.broadcast %cond3A_988 : i32 to vector<32x80x128xi32>
      %select_n3A_1475 = arith.select %eq3A_1473, %add3A, %broadcast_in_dim3A_1474 : vector<32x80x128xi1>, vector<32x80x128xi32>
      %reduce_min3A_1476 = arith.constant dense<2147483647> : vector<32x128xi32>
      %reduce_min3A_1477 = vector.multi_reduction <minsi>, %select_n3A_1475, %reduce_min3A_1476 [1] : vector<32x80x128xi32> to vector<32x128xi32>
      %broadcast_in_dim3A_1478 = vector.shape_cast %reduce_min3A_1477 : vector<32x128xi32> to vector<32x1x128xi32>
      %reduce_min3A_1479 = arith.constant dense<2147483647> : vector<32x1xi32>
      %reduce_min3A_1480 = vector.multi_reduction <minsi>, %broadcast_in_dim3A_1478, %reduce_min3A_1479 [2] : vector<32x1x128xi32> to vector<32x1xi32>
      %broadcast_in_dim3A_1481 = vector.shape_cast %reduce_min3A_1480 : vector<32x1xi32> to vector<32x1x1xi32>
      %squeeze3A_1482 = vector.shape_cast %broadcast_in_dim3A_1481 : vector<32x1x1xi32> to vector<32x1xi32>
      %squeeze3A_1483 = vector.shape_cast %broadcast_in_dim3A_1471 : vector<32x1x1xf32> to vector<32x1xf32>
      %le3A_1484 = vector.broadcast %cond3A_990 : f32 to vector<32x1xf32>
      %le3A_1485 = arith.cmpf ole, %squeeze3A_1483, %le3A_1484 : vector<32x1xf32>
      %select_n3A_1486 = arith.select %le3A_1485, %squeeze3A_1482, %squeeze3A_1023 : vector<32x1xi1>, vector<32x1xi32>
      %swap3A_1487 = arith.constant 0 : index
      %swap3A_1488 = arith.constant 16 : index
      %swap3A_1489 = vector.load %arg3[%swap3A_1487, %swap3A_1488] : memref<32x32xi32, #tpu.memory_space<vmem>>, vector<32x1xi32>
      tpu.vector_store %arg3[%swap3A_1487, %swap3A_1488], %select_n3A_1486 {strides = array<i32>} : memref<32x32xi32, #tpu.memory_space<vmem>>, vector<32x1xi32>,
      %eq3A_1490 = vector.broadcast %broadcast_in_dim3A_1481 : vector<32x1x1xi32> to vector<32x80x128xi32>
      %eq3A_1491 = arith.cmpi eq, %add3A, %eq3A_1490 : vector<32x80x128xi32>
      %and3A_1492 = arith.andi %eq3A_1473, %eq3A_1491 : vector<32x80x128xi1>
      %broadcast_in_dim3A_1493 = vector.broadcast %cond3A_989 : f32 to vector<32x80x128xf32>
      %select_n3A_1494 = arith.select %and3A_1492, %broadcast_in_dim3A_1493, %select_n3A_1465 : vector<32x80x128xi1>, vector<32x80x128xf32>
      %reduce_min3A_1495 = arith.constant dense<0x7F800000> : vector<32x128xf32>
      %reduce_min3A_1496 = vector.multi_reduction <minimumf>, %select_n3A_1494, %reduce_min3A_1495 [1] : vector<32x80x128xf32> to vector<32x128xf32>
      %broadcast_in_dim3A_1497 = vector.shape_cast %reduce_min3A_1496 : vector<32x128xf32> to vector<32x1x128xf32>
      %reduce_min3A_1498 = arith.constant dense<0x7F800000> : vector<32x1xf32>
      %reduce_min3A_1499 = vector.multi_reduction <minimumf>, %broadcast_in_dim3A_1497, %reduce_min3A_1498 [2] : vector<32x1x128xf32> to vector<32x1xf32>
      %broadcast_in_dim3A_1500 = vector.shape_cast %reduce_min3A_1499 : vector<32x1xf32> to vector<32x1x1xf32>
      %eq3A_1501 = vector.broadcast %broadcast_in_dim3A_1500 : vector<32x1x1xf32> to vector<32x80x128xf32>
      %eq3A_1502 = arith.cmpf oeq, %select_n3A_1494, %eq3A_1501 : vector<32x80x128xf32>
      %broadcast_in_dim3A_1503 = vector.broadcast %cond3A_988 : i32 to vector<32x80x128xi32>
      %select_n3A_1504 = arith.select %eq3A_1502, %add3A, %broadcast_in_dim3A_1503 : vector<32x80x128xi1>, vector<32x80x128xi32>
      %reduce_min3A_1505 = arith.constant dense<2147483647> : vector<32x128xi32>
      %reduce_min3A_1506 = vector.multi_reduction <minsi>, %select_n3A_1504, %reduce_min3A_1505 [1] : vector<32x80x128xi32> to vector<32x128xi32>
      %broadcast_in_dim3A_1507 = vector.shape_cast %reduce_min3A_1506 : vector<32x128xi32> to vector<32x1x128xi32>
      %reduce_min3A_1508 = arith.constant dense<2147483647> : vector<32x1xi32>
      %reduce_min3A_1509 = vector.multi_reduction <minsi>, %broadcast_in_dim3A_1507, %reduce_min3A_1508 [2] : vector<32x1x128xi32> to vector<32x1xi32>
      %broadcast_in_dim3A_1510 = vector.shape_cast %reduce_min3A_1509 : vector<32x1xi32> to vector<32x1x1xi32>
      %squeeze3A_1511 = vector.shape_cast %broadcast_in_dim3A_1510 : vector<32x1x1xi32> to vector<32x1xi32>
      %squeeze3A_1512 = vector.shape_cast %broadcast_in_dim3A_1500 : vector<32x1x1xf32> to vector<32x1xf32>
      %le3A_1513 = vector.broadcast %cond3A_990 : f32 to vector<32x1xf32>
      %le3A_1514 = arith.cmpf ole, %squeeze3A_1512, %le3A_1513 : vector<32x1xf32>
      %select_n3A_1515 = arith.select %le3A_1514, %squeeze3A_1511, %squeeze3A_1023 : vector<32x1xi1>, vector<32x1xi32>
      %swap3A_1516 = arith.constant 0 : index
      %swap3A_1517 = arith.constant 17 : index
      %swap3A_1518 = vector.load %arg3[%swap3A_1516, %swap3A_1517] : memref<32x32xi32, #tpu.memory_space<vmem>>, vector<32x1xi32>
      tpu.vector_store %arg3[%swap3A_1516, %swap3A_1517], %select_n3A_1515 {strides = array<i32>} : memref<32x32xi32, #tpu.memory_space<vmem>>, vector<32x1xi32>,
      %eq3A_1519 = vector.broadcast %broadcast_in_dim3A_1510 : vector<32x1x1xi32> to vector<32x80x128xi32>
      %eq3A_1520 = arith.cmpi eq, %add3A, %eq3A_1519 : vector<32x80x128xi32>
      %and3A_1521 = arith.andi %eq3A_1502, %eq3A_1520 : vector<32x80x128xi1>
      %broadcast_in_dim3A_1522 = vector.broadcast %cond3A_989 : f32 to vector<32x80x128xf32>
      %select_n3A_1523 = arith.select %and3A_1521, %broadcast_in_dim3A_1522, %select_n3A_1494 : vector<32x80x128xi1>, vector<32x80x128xf32>
      %reduce_min3A_1524 = arith.constant dense<0x7F800000> : vector<32x128xf32>
      %reduce_min3A_1525 = vector.multi_reduction <minimumf>, %select_n3A_1523, %reduce_min3A_1524 [1] : vector<32x80x128xf32> to vector<32x128xf32>
      %broadcast_in_dim3A_1526 = vector.shape_cast %reduce_min3A_1525 : vector<32x128xf32> to vector<32x1x128xf32>
      %reduce_min3A_1527 = arith.constant dense<0x7F800000> : vector<32x1xf32>
      %reduce_min3A_1528 = vector.multi_reduction <minimumf>, %broadcast_in_dim3A_1526, %reduce_min3A_1527 [2] : vector<32x1x128xf32> to vector<32x1xf32>
      %broadcast_in_dim3A_1529 = vector.shape_cast %reduce_min3A_1528 : vector<32x1xf32> to vector<32x1x1xf32>
      %eq3A_1530 = vector.broadcast %broadcast_in_dim3A_1529 : vector<32x1x1xf32> to vector<32x80x128xf32>
      %eq3A_1531 = arith.cmpf oeq, %select_n3A_1523, %eq3A_1530 : vector<32x80x128xf32>
      %broadcast_in_dim3A_1532 = vector.broadcast %cond3A_988 : i32 to vector<32x80x128xi32>
      %select_n3A_1533 = arith.select %eq3A_1531, %add3A, %broadcast_in_dim3A_1532 : vector<32x80x128xi1>, vector<32x80x128xi32>
      %reduce_min3A_1534 = arith.constant dense<2147483647> : vector<32x128xi32>
      %reduce_min3A_1535 = vector.multi_reduction <minsi>, %select_n3A_1533, %reduce_min3A_1534 [1] : vector<32x80x128xi32> to vector<32x128xi32>
      %broadcast_in_dim3A_1536 = vector.shape_cast %reduce_min3A_1535 : vector<32x128xi32> to vector<32x1x128xi32>
      %reduce_min3A_1537 = arith.constant dense<2147483647> : vector<32x1xi32>
      %reduce_min3A_1538 = vector.multi_reduction <minsi>, %broadcast_in_dim3A_1536, %reduce_min3A_1537 [2] : vector<32x1x128xi32> to vector<32x1xi32>
      %broadcast_in_dim3A_1539 = vector.shape_cast %reduce_min3A_1538 : vector<32x1xi32> to vector<32x1x1xi32>
      %squeeze3A_1540 = vector.shape_cast %broadcast_in_dim3A_1539 : vector<32x1x1xi32> to vector<32x1xi32>
      %squeeze3A_1541 = vector.shape_cast %broadcast_in_dim3A_1529 : vector<32x1x1xf32> to vector<32x1xf32>
      %le3A_1542 = vector.broadcast %cond3A_990 : f32 to vector<32x1xf32>
      %le3A_1543 = arith.cmpf ole, %squeeze3A_1541, %le3A_1542 : vector<32x1xf32>
      %select_n3A_1544 = arith.select %le3A_1543, %squeeze3A_1540, %squeeze3A_1023 : vector<32x1xi1>, vector<32x1xi32>
      %swap3A_1545 = arith.constant 0 : index
      %swap3A_1546 = arith.constant 18 : index
      %swap3A_1547 = vector.load %arg3[%swap3A_1545, %swap3A_1546] : memref<32x32xi32, #tpu.memory_space<vmem>>, vector<32x1xi32>
      tpu.vector_store %arg3[%swap3A_1545, %swap3A_1546], %select_n3A_1544 {strides = array<i32>} : memref<32x32xi32, #tpu.memory_space<vmem>>, vector<32x1xi32>,
      %eq3A_1548 = vector.broadcast %broadcast_in_dim3A_1539 : vector<32x1x1xi32> to vector<32x80x128xi32>
      %eq3A_1549 = arith.cmpi eq, %add3A, %eq3A_1548 : vector<32x80x128xi32>
      %and3A_1550 = arith.andi %eq3A_1531, %eq3A_1549 : vector<32x80x128xi1>
      %broadcast_in_dim3A_1551 = vector.broadcast %cond3A_989 : f32 to vector<32x80x128xf32>
      %select_n3A_1552 = arith.select %and3A_1550, %broadcast_in_dim3A_1551, %select_n3A_1523 : vector<32x80x128xi1>, vector<32x80x128xf32>
      %reduce_min3A_1553 = arith.constant dense<0x7F800000> : vector<32x128xf32>
      %reduce_min3A_1554 = vector.multi_reduction <minimumf>, %select_n3A_1552, %reduce_min3A_1553 [1] : vector<32x80x128xf32> to vector<32x128xf32>
      %broadcast_in_dim3A_1555 = vector.shape_cast %reduce_min3A_1554 : vector<32x128xf32> to vector<32x1x128xf32>
      %reduce_min3A_1556 = arith.constant dense<0x7F800000> : vector<32x1xf32>
      %reduce_min3A_1557 = vector.multi_reduction <minimumf>, %broadcast_in_dim3A_1555, %reduce_min3A_1556 [2] : vector<32x1x128xf32> to vector<32x1xf32>
      %broadcast_in_dim3A_1558 = vector.shape_cast %reduce_min3A_1557 : vector<32x1xf32> to vector<32x1x1xf32>
      %eq3A_1559 = vector.broadcast %broadcast_in_dim3A_1558 : vector<32x1x1xf32> to vector<32x80x128xf32>
      %eq3A_1560 = arith.cmpf oeq, %select_n3A_1552, %eq3A_1559 : vector<32x80x128xf32>
      %broadcast_in_dim3A_1561 = vector.broadcast %cond3A_988 : i32 to vector<32x80x128xi32>
      %select_n3A_1562 = arith.select %eq3A_1560, %add3A, %broadcast_in_dim3A_1561 : vector<32x80x128xi1>, vector<32x80x128xi32>
      %reduce_min3A_1563 = arith.constant dense<2147483647> : vector<32x128xi32>
      %reduce_min3A_1564 = vector.multi_reduction <minsi>, %select_n3A_1562, %reduce_min3A_1563 [1] : vector<32x80x128xi32> to vector<32x128xi32>
      %broadcast_in_dim3A_1565 = vector.shape_cast %reduce_min3A_1564 : vector<32x128xi32> to vector<32x1x128xi32>
      %reduce_min3A_1566 = arith.constant dense<2147483647> : vector<32x1xi32>
      %reduce_min3A_1567 = vector.multi_reduction <minsi>, %broadcast_in_dim3A_1565, %reduce_min3A_1566 [2] : vector<32x1x128xi32> to vector<32x1xi32>
      %broadcast_in_dim3A_1568 = vector.shape_cast %reduce_min3A_1567 : vector<32x1xi32> to vector<32x1x1xi32>
      %squeeze3A_1569 = vector.shape_cast %broadcast_in_dim3A_1568 : vector<32x1x1xi32> to vector<32x1xi32>
      %squeeze3A_1570 = vector.shape_cast %broadcast_in_dim3A_1558 : vector<32x1x1xf32> to vector<32x1xf32>
      %le3A_1571 = vector.broadcast %cond3A_990 : f32 to vector<32x1xf32>
      %le3A_1572 = arith.cmpf ole, %squeeze3A_1570, %le3A_1571 : vector<32x1xf32>
      %select_n3A_1573 = arith.select %le3A_1572, %squeeze3A_1569, %squeeze3A_1023 : vector<32x1xi1>, vector<32x1xi32>
      %swap3A_1574 = arith.constant 0 : index
      %swap3A_1575 = arith.constant 19 : index
      %swap3A_1576 = vector.load %arg3[%swap3A_1574, %swap3A_1575] : memref<32x32xi32, #tpu.memory_space<vmem>>, vector<32x1xi32>
      tpu.vector_store %arg3[%swap3A_1574, %swap3A_1575], %select_n3A_1573 {strides = array<i32>} : memref<32x32xi32, #tpu.memory_space<vmem>>, vector<32x1xi32>,
      %eq3A_1577 = vector.broadcast %broadcast_in_dim3A_1568 : vector<32x1x1xi32> to vector<32x80x128xi32>
      %eq3A_1578 = arith.cmpi eq, %add3A, %eq3A_1577 : vector<32x80x128xi32>
      %and3A_1579 = arith.andi %eq3A_1560, %eq3A_1578 : vector<32x80x128xi1>
      %broadcast_in_dim3A_1580 = vector.broadcast %cond3A_989 : f32 to vector<32x80x128xf32>
      %select_n3A_1581 = arith.select %and3A_1579, %broadcast_in_dim3A_1580, %select_n3A_1552 : vector<32x80x128xi1>, vector<32x80x128xf32>
      %reduce_min3A_1582 = arith.constant dense<0x7F800000> : vector<32x128xf32>
      %reduce_min3A_1583 = vector.multi_reduction <minimumf>, %select_n3A_1581, %reduce_min3A_1582 [1] : vector<32x80x128xf32> to vector<32x128xf32>
      %broadcast_in_dim3A_1584 = vector.shape_cast %reduce_min3A_1583 : vector<32x128xf32> to vector<32x1x128xf32>
      %reduce_min3A_1585 = arith.constant dense<0x7F800000> : vector<32x1xf32>
      %reduce_min3A_1586 = vector.multi_reduction <minimumf>, %broadcast_in_dim3A_1584, %reduce_min3A_1585 [2] : vector<32x1x128xf32> to vector<32x1xf32>
      %broadcast_in_dim3A_1587 = vector.shape_cast %reduce_min3A_1586 : vector<32x1xf32> to vector<32x1x1xf32>
      %eq3A_1588 = vector.broadcast %broadcast_in_dim3A_1587 : vector<32x1x1xf32> to vector<32x80x128xf32>
      %eq3A_1589 = arith.cmpf oeq, %select_n3A_1581, %eq3A_1588 : vector<32x80x128xf32>
      %broadcast_in_dim3A_1590 = vector.broadcast %cond3A_988 : i32 to vector<32x80x128xi32>
      %select_n3A_1591 = arith.select %eq3A_1589, %add3A, %broadcast_in_dim3A_1590 : vector<32x80x128xi1>, vector<32x80x128xi32>
      %reduce_min3A_1592 = arith.constant dense<2147483647> : vector<32x128xi32>
      %reduce_min3A_1593 = vector.multi_reduction <minsi>, %select_n3A_1591, %reduce_min3A_1592 [1] : vector<32x80x128xi32> to vector<32x128xi32>
      %broadcast_in_dim3A_1594 = vector.shape_cast %reduce_min3A_1593 : vector<32x128xi32> to vector<32x1x128xi32>
      %reduce_min3A_1595 = arith.constant dense<2147483647> : vector<32x1xi32>
      %reduce_min3A_1596 = vector.multi_reduction <minsi>, %broadcast_in_dim3A_1594, %reduce_min3A_1595 [2] : vector<32x1x128xi32> to vector<32x1xi32>
      %broadcast_in_dim3A_1597 = vector.shape_cast %reduce_min3A_1596 : vector<32x1xi32> to vector<32x1x1xi32>
      %squeeze3A_1598 = vector.shape_cast %broadcast_in_dim3A_1597 : vector<32x1x1xi32> to vector<32x1xi32>
      %squeeze3A_1599 = vector.shape_cast %broadcast_in_dim3A_1587 : vector<32x1x1xf32> to vector<32x1xf32>
      %le3A_1600 = vector.broadcast %cond3A_990 : f32 to vector<32x1xf32>
      %le3A_1601 = arith.cmpf ole, %squeeze3A_1599, %le3A_1600 : vector<32x1xf32>
      %select_n3A_1602 = arith.select %le3A_1601, %squeeze3A_1598, %squeeze3A_1023 : vector<32x1xi1>, vector<32x1xi32>
      %swap3A_1603 = arith.constant 0 : index
      %swap3A_1604 = arith.constant 20 : index
      %swap3A_1605 = vector.load %arg3[%swap3A_1603, %swap3A_1604] : memref<32x32xi32, #tpu.memory_space<vmem>>, vector<32x1xi32>
      tpu.vector_store %arg3[%swap3A_1603, %swap3A_1604], %select_n3A_1602 {strides = array<i32>} : memref<32x32xi32, #tpu.memory_space<vmem>>, vector<32x1xi32>,
      %eq3A_1606 = vector.broadcast %broadcast_in_dim3A_1597 : vector<32x1x1xi32> to vector<32x80x128xi32>
      %eq3A_1607 = arith.cmpi eq, %add3A, %eq3A_1606 : vector<32x80x128xi32>
      %and3A_1608 = arith.andi %eq3A_1589, %eq3A_1607 : vector<32x80x128xi1>
      %broadcast_in_dim3A_1609 = vector.broadcast %cond3A_989 : f32 to vector<32x80x128xf32>
      %select_n3A_1610 = arith.select %and3A_1608, %broadcast_in_dim3A_1609, %select_n3A_1581 : vector<32x80x128xi1>, vector<32x80x128xf32>
      %reduce_min3A_1611 = arith.constant dense<0x7F800000> : vector<32x128xf32>
      %reduce_min3A_1612 = vector.multi_reduction <minimumf>, %select_n3A_1610, %reduce_min3A_1611 [1] : vector<32x80x128xf32> to vector<32x128xf32>
      %broadcast_in_dim3A_1613 = vector.shape_cast %reduce_min3A_1612 : vector<32x128xf32> to vector<32x1x128xf32>
      %reduce_min3A_1614 = arith.constant dense<0x7F800000> : vector<32x1xf32>
      %reduce_min3A_1615 = vector.multi_reduction <minimumf>, %broadcast_in_dim3A_1613, %reduce_min3A_1614 [2] : vector<32x1x128xf32> to vector<32x1xf32>
      %broadcast_in_dim3A_1616 = vector.shape_cast %reduce_min3A_1615 : vector<32x1xf32> to vector<32x1x1xf32>
      %eq3A_1617 = vector.broadcast %broadcast_in_dim3A_1616 : vector<32x1x1xf32> to vector<32x80x128xf32>
      %eq3A_1618 = arith.cmpf oeq, %select_n3A_1610, %eq3A_1617 : vector<32x80x128xf32>
      %broadcast_in_dim3A_1619 = vector.broadcast %cond3A_988 : i32 to vector<32x80x128xi32>
      %select_n3A_1620 = arith.select %eq3A_1618, %add3A, %broadcast_in_dim3A_1619 : vector<32x80x128xi1>, vector<32x80x128xi32>
      %reduce_min3A_1621 = arith.constant dense<2147483647> : vector<32x128xi32>
      %reduce_min3A_1622 = vector.multi_reduction <minsi>, %select_n3A_1620, %reduce_min3A_1621 [1] : vector<32x80x128xi32> to vector<32x128xi32>
      %broadcast_in_dim3A_1623 = vector.shape_cast %reduce_min3A_1622 : vector<32x128xi32> to vector<32x1x128xi32>
      %reduce_min3A_1624 = arith.constant dense<2147483647> : vector<32x1xi32>
      %reduce_min3A_1625 = vector.multi_reduction <minsi>, %broadcast_in_dim3A_1623, %reduce_min3A_1624 [2] : vector<32x1x128xi32> to vector<32x1xi32>
      %broadcast_in_dim3A_1626 = vector.shape_cast %reduce_min3A_1625 : vector<32x1xi32> to vector<32x1x1xi32>
      %squeeze3A_1627 = vector.shape_cast %broadcast_in_dim3A_1626 : vector<32x1x1xi32> to vector<32x1xi32>
      %squeeze3A_1628 = vector.shape_cast %broadcast_in_dim3A_1616 : vector<32x1x1xf32> to vector<32x1xf32>
      %le3A_1629 = vector.broadcast %cond3A_990 : f32 to vector<32x1xf32>
      %le3A_1630 = arith.cmpf ole, %squeeze3A_1628, %le3A_1629 : vector<32x1xf32>
      %select_n3A_1631 = arith.select %le3A_1630, %squeeze3A_1627, %squeeze3A_1023 : vector<32x1xi1>, vector<32x1xi32>
      %swap3A_1632 = arith.constant 0 : index
      %swap3A_1633 = arith.constant 21 : index
      %swap3A_1634 = vector.load %arg3[%swap3A_1632, %swap3A_1633] : memref<32x32xi32, #tpu.memory_space<vmem>>, vector<32x1xi32>
      tpu.vector_store %arg3[%swap3A_1632, %swap3A_1633], %select_n3A_1631 {strides = array<i32>} : memref<32x32xi32, #tpu.memory_space<vmem>>, vector<32x1xi32>,
      %eq3A_1635 = vector.broadcast %broadcast_in_dim3A_1626 : vector<32x1x1xi32> to vector<32x80x128xi32>
      %eq3A_1636 = arith.cmpi eq, %add3A, %eq3A_1635 : vector<32x80x128xi32>
      %and3A_1637 = arith.andi %eq3A_1618, %eq3A_1636 : vector<32x80x128xi1>
      %broadcast_in_dim3A_1638 = vector.broadcast %cond3A_989 : f32 to vector<32x80x128xf32>
      %select_n3A_1639 = arith.select %and3A_1637, %broadcast_in_dim3A_1638, %select_n3A_1610 : vector<32x80x128xi1>, vector<32x80x128xf32>
      %reduce_min3A_1640 = arith.constant dense<0x7F800000> : vector<32x128xf32>
      %reduce_min3A_1641 = vector.multi_reduction <minimumf>, %select_n3A_1639, %reduce_min3A_1640 [1] : vector<32x80x128xf32> to vector<32x128xf32>
      %broadcast_in_dim3A_1642 = vector.shape_cast %reduce_min3A_1641 : vector<32x128xf32> to vector<32x1x128xf32>
      %reduce_min3A_1643 = arith.constant dense<0x7F800000> : vector<32x1xf32>
      %reduce_min3A_1644 = vector.multi_reduction <minimumf>, %broadcast_in_dim3A_1642, %reduce_min3A_1643 [2] : vector<32x1x128xf32> to vector<32x1xf32>
      %broadcast_in_dim3A_1645 = vector.shape_cast %reduce_min3A_1644 : vector<32x1xf32> to vector<32x1x1xf32>
      %eq3A_1646 = vector.broadcast %broadcast_in_dim3A_1645 : vector<32x1x1xf32> to vector<32x80x128xf32>
      %eq3A_1647 = arith.cmpf oeq, %select_n3A_1639, %eq3A_1646 : vector<32x80x128xf32>
      %broadcast_in_dim3A_1648 = vector.broadcast %cond3A_988 : i32 to vector<32x80x128xi32>
      %select_n3A_1649 = arith.select %eq3A_1647, %add3A, %broadcast_in_dim3A_1648 : vector<32x80x128xi1>, vector<32x80x128xi32>
      %reduce_min3A_1650 = arith.constant dense<2147483647> : vector<32x128xi32>
      %reduce_min3A_1651 = vector.multi_reduction <minsi>, %select_n3A_1649, %reduce_min3A_1650 [1] : vector<32x80x128xi32> to vector<32x128xi32>
      %broadcast_in_dim3A_1652 = vector.shape_cast %reduce_min3A_1651 : vector<32x128xi32> to vector<32x1x128xi32>
      %reduce_min3A_1653 = arith.constant dense<2147483647> : vector<32x1xi32>
      %reduce_min3A_1654 = vector.multi_reduction <minsi>, %broadcast_in_dim3A_1652, %reduce_min3A_1653 [2] : vector<32x1x128xi32> to vector<32x1xi32>
      %broadcast_in_dim3A_1655 = vector.shape_cast %reduce_min3A_1654 : vector<32x1xi32> to vector<32x1x1xi32>
      %squeeze3A_1656 = vector.shape_cast %broadcast_in_dim3A_1655 : vector<32x1x1xi32> to vector<32x1xi32>
      %squeeze3A_1657 = vector.shape_cast %broadcast_in_dim3A_1645 : vector<32x1x1xf32> to vector<32x1xf32>
      %le3A_1658 = vector.broadcast %cond3A_990 : f32 to vector<32x1xf32>
      %le3A_1659 = arith.cmpf ole, %squeeze3A_1657, %le3A_1658 : vector<32x1xf32>
      %select_n3A_1660 = arith.select %le3A_1659, %squeeze3A_1656, %squeeze3A_1023 : vector<32x1xi1>, vector<32x1xi32>
      %swap3A_1661 = arith.constant 0 : index
      %swap3A_1662 = arith.constant 22 : index
      %swap3A_1663 = vector.load %arg3[%swap3A_1661, %swap3A_1662] : memref<32x32xi32, #tpu.memory_space<vmem>>, vector<32x1xi32>
      tpu.vector_store %arg3[%swap3A_1661, %swap3A_1662], %select_n3A_1660 {strides = array<i32>} : memref<32x32xi32, #tpu.memory_space<vmem>>, vector<32x1xi32>,
      %eq3A_1664 = vector.broadcast %broadcast_in_dim3A_1655 : vector<32x1x1xi32> to vector<32x80x128xi32>
      %eq3A_1665 = arith.cmpi eq, %add3A, %eq3A_1664 : vector<32x80x128xi32>
      %and3A_1666 = arith.andi %eq3A_1647, %eq3A_1665 : vector<32x80x128xi1>
      %broadcast_in_dim3A_1667 = vector.broadcast %cond3A_989 : f32 to vector<32x80x128xf32>
      %select_n3A_1668 = arith.select %and3A_1666, %broadcast_in_dim3A_1667, %select_n3A_1639 : vector<32x80x128xi1>, vector<32x80x128xf32>
      %reduce_min3A_1669 = arith.constant dense<0x7F800000> : vector<32x128xf32>
      %reduce_min3A_1670 = vector.multi_reduction <minimumf>, %select_n3A_1668, %reduce_min3A_1669 [1] : vector<32x80x128xf32> to vector<32x128xf32>
      %broadcast_in_dim3A_1671 = vector.shape_cast %reduce_min3A_1670 : vector<32x128xf32> to vector<32x1x128xf32>
      %reduce_min3A_1672 = arith.constant dense<0x7F800000> : vector<32x1xf32>
      %reduce_min3A_1673 = vector.multi_reduction <minimumf>, %broadcast_in_dim3A_1671, %reduce_min3A_1672 [2] : vector<32x1x128xf32> to vector<32x1xf32>
      %broadcast_in_dim3A_1674 = vector.shape_cast %reduce_min3A_1673 : vector<32x1xf32> to vector<32x1x1xf32>
      %eq3A_1675 = vector.broadcast %broadcast_in_dim3A_1674 : vector<32x1x1xf32> to vector<32x80x128xf32>
      %eq3A_1676 = arith.cmpf oeq, %select_n3A_1668, %eq3A_1675 : vector<32x80x128xf32>
      %broadcast_in_dim3A_1677 = vector.broadcast %cond3A_988 : i32 to vector<32x80x128xi32>
      %select_n3A_1678 = arith.select %eq3A_1676, %add3A, %broadcast_in_dim3A_1677 : vector<32x80x128xi1>, vector<32x80x128xi32>
      %reduce_min3A_1679 = arith.constant dense<2147483647> : vector<32x128xi32>
      %reduce_min3A_1680 = vector.multi_reduction <minsi>, %select_n3A_1678, %reduce_min3A_1679 [1] : vector<32x80x128xi32> to vector<32x128xi32>
      %broadcast_in_dim3A_1681 = vector.shape_cast %reduce_min3A_1680 : vector<32x128xi32> to vector<32x1x128xi32>
      %reduce_min3A_1682 = arith.constant dense<2147483647> : vector<32x1xi32>
      %reduce_min3A_1683 = vector.multi_reduction <minsi>, %broadcast_in_dim3A_1681, %reduce_min3A_1682 [2] : vector<32x1x128xi32> to vector<32x1xi32>
      %broadcast_in_dim3A_1684 = vector.shape_cast %reduce_min3A_1683 : vector<32x1xi32> to vector<32x1x1xi32>
      %squeeze3A_1685 = vector.shape_cast %broadcast_in_dim3A_1684 : vector<32x1x1xi32> to vector<32x1xi32>
      %squeeze3A_1686 = vector.shape_cast %broadcast_in_dim3A_1674 : vector<32x1x1xf32> to vector<32x1xf32>
      %le3A_1687 = vector.broadcast %cond3A_990 : f32 to vector<32x1xf32>
      %le3A_1688 = arith.cmpf ole, %squeeze3A_1686, %le3A_1687 : vector<32x1xf32>
      %select_n3A_1689 = arith.select %le3A_1688, %squeeze3A_1685, %squeeze3A_1023 : vector<32x1xi1>, vector<32x1xi32>
      %swap3A_1690 = arith.constant 0 : index
      %swap3A_1691 = arith.constant 23 : index
      %swap3A_1692 = vector.load %arg3[%swap3A_1690, %swap3A_1691] : memref<32x32xi32, #tpu.memory_space<vmem>>, vector<32x1xi32>
      tpu.vector_store %arg3[%swap3A_1690, %swap3A_1691], %select_n3A_1689 {strides = array<i32>} : memref<32x32xi32, #tpu.memory_space<vmem>>, vector<32x1xi32>,
      %eq3A_1693 = vector.broadcast %broadcast_in_dim3A_1684 : vector<32x1x1xi32> to vector<32x80x128xi32>
      %eq3A_1694 = arith.cmpi eq, %add3A, %eq3A_1693 : vector<32x80x128xi32>
      %and3A_1695 = arith.andi %eq3A_1676, %eq3A_1694 : vector<32x80x128xi1>
      %broadcast_in_dim3A_1696 = vector.broadcast %cond3A_989 : f32 to vector<32x80x128xf32>
      %select_n3A_1697 = arith.select %and3A_1695, %broadcast_in_dim3A_1696, %select_n3A_1668 : vector<32x80x128xi1>, vector<32x80x128xf32>
      %reduce_min3A_1698 = arith.constant dense<0x7F800000> : vector<32x128xf32>
      %reduce_min3A_1699 = vector.multi_reduction <minimumf>, %select_n3A_1697, %reduce_min3A_1698 [1] : vector<32x80x128xf32> to vector<32x128xf32>
      %broadcast_in_dim3A_1700 = vector.shape_cast %reduce_min3A_1699 : vector<32x128xf32> to vector<32x1x128xf32>
      %reduce_min3A_1701 = arith.constant dense<0x7F800000> : vector<32x1xf32>
      %reduce_min3A_1702 = vector.multi_reduction <minimumf>, %broadcast_in_dim3A_1700, %reduce_min3A_1701 [2] : vector<32x1x128xf32> to vector<32x1xf32>
      %broadcast_in_dim3A_1703 = vector.shape_cast %reduce_min3A_1702 : vector<32x1xf32> to vector<32x1x1xf32>
      %eq3A_1704 = vector.broadcast %broadcast_in_dim3A_1703 : vector<32x1x1xf32> to vector<32x80x128xf32>
      %eq3A_1705 = arith.cmpf oeq, %select_n3A_1697, %eq3A_1704 : vector<32x80x128xf32>
      %broadcast_in_dim3A_1706 = vector.broadcast %cond3A_988 : i32 to vector<32x80x128xi32>
      %select_n3A_1707 = arith.select %eq3A_1705, %add3A, %broadcast_in_dim3A_1706 : vector<32x80x128xi1>, vector<32x80x128xi32>
      %reduce_min3A_1708 = arith.constant dense<2147483647> : vector<32x128xi32>
      %reduce_min3A_1709 = vector.multi_reduction <minsi>, %select_n3A_1707, %reduce_min3A_1708 [1] : vector<32x80x128xi32> to vector<32x128xi32>
      %broadcast_in_dim3A_1710 = vector.shape_cast %reduce_min3A_1709 : vector<32x128xi32> to vector<32x1x128xi32>
      %reduce_min3A_1711 = arith.constant dense<2147483647> : vector<32x1xi32>
      %reduce_min3A_1712 = vector.multi_reduction <minsi>, %broadcast_in_dim3A_1710, %reduce_min3A_1711 [2] : vector<32x1x128xi32> to vector<32x1xi32>
      %broadcast_in_dim3A_1713 = vector.shape_cast %reduce_min3A_1712 : vector<32x1xi32> to vector<32x1x1xi32>
      %squeeze3A_1714 = vector.shape_cast %broadcast_in_dim3A_1713 : vector<32x1x1xi32> to vector<32x1xi32>
      %squeeze3A_1715 = vector.shape_cast %broadcast_in_dim3A_1703 : vector<32x1x1xf32> to vector<32x1xf32>
      %le3A_1716 = vector.broadcast %cond3A_990 : f32 to vector<32x1xf32>
      %le3A_1717 = arith.cmpf ole, %squeeze3A_1715, %le3A_1716 : vector<32x1xf32>
      %select_n3A_1718 = arith.select %le3A_1717, %squeeze3A_1714, %squeeze3A_1023 : vector<32x1xi1>, vector<32x1xi32>
      %swap3A_1719 = arith.constant 0 : index
      %swap3A_1720 = arith.constant 24 : index
      %swap3A_1721 = vector.load %arg3[%swap3A_1719, %swap3A_1720] : memref<32x32xi32, #tpu.memory_space<vmem>>, vector<32x1xi32>
      tpu.vector_store %arg3[%swap3A_1719, %swap3A_1720], %select_n3A_1718 {strides = array<i32>} : memref<32x32xi32, #tpu.memory_space<vmem>>, vector<32x1xi32>,
      %eq3A_1722 = vector.broadcast %broadcast_in_dim3A_1713 : vector<32x1x1xi32> to vector<32x80x128xi32>
      %eq3A_1723 = arith.cmpi eq, %add3A, %eq3A_1722 : vector<32x80x128xi32>
      %and3A_1724 = arith.andi %eq3A_1705, %eq3A_1723 : vector<32x80x128xi1>
      %broadcast_in_dim3A_1725 = vector.broadcast %cond3A_989 : f32 to vector<32x80x128xf32>
      %select_n3A_1726 = arith.select %and3A_1724, %broadcast_in_dim3A_1725, %select_n3A_1697 : vector<32x80x128xi1>, vector<32x80x128xf32>
      %reduce_min3A_1727 = arith.constant dense<0x7F800000> : vector<32x128xf32>
      %reduce_min3A_1728 = vector.multi_reduction <minimumf>, %select_n3A_1726, %reduce_min3A_1727 [1] : vector<32x80x128xf32> to vector<32x128xf32>
      %broadcast_in_dim3A_1729 = vector.shape_cast %reduce_min3A_1728 : vector<32x128xf32> to vector<32x1x128xf32>
      %reduce_min3A_1730 = arith.constant dense<0x7F800000> : vector<32x1xf32>
      %reduce_min3A_1731 = vector.multi_reduction <minimumf>, %broadcast_in_dim3A_1729, %reduce_min3A_1730 [2] : vector<32x1x128xf32> to vector<32x1xf32>
      %broadcast_in_dim3A_1732 = vector.shape_cast %reduce_min3A_1731 : vector<32x1xf32> to vector<32x1x1xf32>
      %eq3A_1733 = vector.broadcast %broadcast_in_dim3A_1732 : vector<32x1x1xf32> to vector<32x80x128xf32>
      %eq3A_1734 = arith.cmpf oeq, %select_n3A_1726, %eq3A_1733 : vector<32x80x128xf32>
      %broadcast_in_dim3A_1735 = vector.broadcast %cond3A_988 : i32 to vector<32x80x128xi32>
      %select_n3A_1736 = arith.select %eq3A_1734, %add3A, %broadcast_in_dim3A_1735 : vector<32x80x128xi1>, vector<32x80x128xi32>
      %reduce_min3A_1737 = arith.constant dense<2147483647> : vector<32x128xi32>
      %reduce_min3A_1738 = vector.multi_reduction <minsi>, %select_n3A_1736, %reduce_min3A_1737 [1] : vector<32x80x128xi32> to vector<32x128xi32>
      %broadcast_in_dim3A_1739 = vector.shape_cast %reduce_min3A_1738 : vector<32x128xi32> to vector<32x1x128xi32>
      %reduce_min3A_1740 = arith.constant dense<2147483647> : vector<32x1xi32>
      %reduce_min3A_1741 = vector.multi_reduction <minsi>, %broadcast_in_dim3A_1739, %reduce_min3A_1740 [2] : vector<32x1x128xi32> to vector<32x1xi32>
      %broadcast_in_dim3A_1742 = vector.shape_cast %reduce_min3A_1741 : vector<32x1xi32> to vector<32x1x1xi32>
      %squeeze3A_1743 = vector.shape_cast %broadcast_in_dim3A_1742 : vector<32x1x1xi32> to vector<32x1xi32>
      %squeeze3A_1744 = vector.shape_cast %broadcast_in_dim3A_1732 : vector<32x1x1xf32> to vector<32x1xf32>
      %le3A_1745 = vector.broadcast %cond3A_990 : f32 to vector<32x1xf32>
      %le3A_1746 = arith.cmpf ole, %squeeze3A_1744, %le3A_1745 : vector<32x1xf32>
      %select_n3A_1747 = arith.select %le3A_1746, %squeeze3A_1743, %squeeze3A_1023 : vector<32x1xi1>, vector<32x1xi32>
      %swap3A_1748 = arith.constant 0 : index
      %swap3A_1749 = arith.constant 25 : index
      %swap3A_1750 = vector.load %arg3[%swap3A_1748, %swap3A_1749] : memref<32x32xi32, #tpu.memory_space<vmem>>, vector<32x1xi32>
      tpu.vector_store %arg3[%swap3A_1748, %swap3A_1749], %select_n3A_1747 {strides = array<i32>} : memref<32x32xi32, #tpu.memory_space<vmem>>, vector<32x1xi32>,
      %eq3A_1751 = vector.broadcast %broadcast_in_dim3A_1742 : vector<32x1x1xi32> to vector<32x80x128xi32>
      %eq3A_1752 = arith.cmpi eq, %add3A, %eq3A_1751 : vector<32x80x128xi32>
      %and3A_1753 = arith.andi %eq3A_1734, %eq3A_1752 : vector<32x80x128xi1>
      %broadcast_in_dim3A_1754 = vector.broadcast %cond3A_989 : f32 to vector<32x80x128xf32>
      %select_n3A_1755 = arith.select %and3A_1753, %broadcast_in_dim3A_1754, %select_n3A_1726 : vector<32x80x128xi1>, vector<32x80x128xf32>
      %reduce_min3A_1756 = arith.constant dense<0x7F800000> : vector<32x128xf32>
      %reduce_min3A_1757 = vector.multi_reduction <minimumf>, %select_n3A_1755, %reduce_min3A_1756 [1] : vector<32x80x128xf32> to vector<32x128xf32>
      %broadcast_in_dim3A_1758 = vector.shape_cast %reduce_min3A_1757 : vector<32x128xf32> to vector<32x1x128xf32>
      %reduce_min3A_1759 = arith.constant dense<0x7F800000> : vector<32x1xf32>
      %reduce_min3A_1760 = vector.multi_reduction <minimumf>, %broadcast_in_dim3A_1758, %reduce_min3A_1759 [2] : vector<32x1x128xf32> to vector<32x1xf32>
      %broadcast_in_dim3A_1761 = vector.shape_cast %reduce_min3A_1760 : vector<32x1xf32> to vector<32x1x1xf32>
      %eq3A_1762 = vector.broadcast %broadcast_in_dim3A_1761 : vector<32x1x1xf32> to vector<32x80x128xf32>
      %eq3A_1763 = arith.cmpf oeq, %select_n3A_1755, %eq3A_1762 : vector<32x80x128xf32>
      %broadcast_in_dim3A_1764 = vector.broadcast %cond3A_988 : i32 to vector<32x80x128xi32>
      %select_n3A_1765 = arith.select %eq3A_1763, %add3A, %broadcast_in_dim3A_1764 : vector<32x80x128xi1>, vector<32x80x128xi32>
      %reduce_min3A_1766 = arith.constant dense<2147483647> : vector<32x128xi32>
      %reduce_min3A_1767 = vector.multi_reduction <minsi>, %select_n3A_1765, %reduce_min3A_1766 [1] : vector<32x80x128xi32> to vector<32x128xi32>
      %broadcast_in_dim3A_1768 = vector.shape_cast %reduce_min3A_1767 : vector<32x128xi32> to vector<32x1x128xi32>
      %reduce_min3A_1769 = arith.constant dense<2147483647> : vector<32x1xi32>
      %reduce_min3A_1770 = vector.multi_reduction <minsi>, %broadcast_in_dim3A_1768, %reduce_min3A_1769 [2] : vector<32x1x128xi32> to vector<32x1xi32>
      %broadcast_in_dim3A_1771 = vector.shape_cast %reduce_min3A_1770 : vector<32x1xi32> to vector<32x1x1xi32>
      %squeeze3A_1772 = vector.shape_cast %broadcast_in_dim3A_1771 : vector<32x1x1xi32> to vector<32x1xi32>
      %squeeze3A_1773 = vector.shape_cast %broadcast_in_dim3A_1761 : vector<32x1x1xf32> to vector<32x1xf32>
      %le3A_1774 = vector.broadcast %cond3A_990 : f32 to vector<32x1xf32>
      %le3A_1775 = arith.cmpf ole, %squeeze3A_1773, %le3A_1774 : vector<32x1xf32>
      %select_n3A_1776 = arith.select %le3A_1775, %squeeze3A_1772, %squeeze3A_1023 : vector<32x1xi1>, vector<32x1xi32>
      %swap3A_1777 = arith.constant 0 : index
      %swap3A_1778 = arith.constant 26 : index
      %swap3A_1779 = vector.load %arg3[%swap3A_1777, %swap3A_1778] : memref<32x32xi32, #tpu.memory_space<vmem>>, vector<32x1xi32>
      tpu.vector_store %arg3[%swap3A_1777, %swap3A_1778], %select_n3A_1776 {strides = array<i32>} : memref<32x32xi32, #tpu.memory_space<vmem>>, vector<32x1xi32>,
      %eq3A_1780 = vector.broadcast %broadcast_in_dim3A_1771 : vector<32x1x1xi32> to vector<32x80x128xi32>
      %eq3A_1781 = arith.cmpi eq, %add3A, %eq3A_1780 : vector<32x80x128xi32>
      %and3A_1782 = arith.andi %eq3A_1763, %eq3A_1781 : vector<32x80x128xi1>
      %broadcast_in_dim3A_1783 = vector.broadcast %cond3A_989 : f32 to vector<32x80x128xf32>
      %select_n3A_1784 = arith.select %and3A_1782, %broadcast_in_dim3A_1783, %select_n3A_1755 : vector<32x80x128xi1>, vector<32x80x128xf32>
      %reduce_min3A_1785 = arith.constant dense<0x7F800000> : vector<32x128xf32>
      %reduce_min3A_1786 = vector.multi_reduction <minimumf>, %select_n3A_1784, %reduce_min3A_1785 [1] : vector<32x80x128xf32> to vector<32x128xf32>
      %broadcast_in_dim3A_1787 = vector.shape_cast %reduce_min3A_1786 : vector<32x128xf32> to vector<32x1x128xf32>
      %reduce_min3A_1788 = arith.constant dense<0x7F800000> : vector<32x1xf32>
      %reduce_min3A_1789 = vector.multi_reduction <minimumf>, %broadcast_in_dim3A_1787, %reduce_min3A_1788 [2] : vector<32x1x128xf32> to vector<32x1xf32>
      %broadcast_in_dim3A_1790 = vector.shape_cast %reduce_min3A_1789 : vector<32x1xf32> to vector<32x1x1xf32>
      %eq3A_1791 = vector.broadcast %broadcast_in_dim3A_1790 : vector<32x1x1xf32> to vector<32x80x128xf32>
      %eq3A_1792 = arith.cmpf oeq, %select_n3A_1784, %eq3A_1791 : vector<32x80x128xf32>
      %broadcast_in_dim3A_1793 = vector.broadcast %cond3A_988 : i32 to vector<32x80x128xi32>
      %select_n3A_1794 = arith.select %eq3A_1792, %add3A, %broadcast_in_dim3A_1793 : vector<32x80x128xi1>, vector<32x80x128xi32>
      %reduce_min3A_1795 = arith.constant dense<2147483647> : vector<32x128xi32>
      %reduce_min3A_1796 = vector.multi_reduction <minsi>, %select_n3A_1794, %reduce_min3A_1795 [1] : vector<32x80x128xi32> to vector<32x128xi32>
      %broadcast_in_dim3A_1797 = vector.shape_cast %reduce_min3A_1796 : vector<32x128xi32> to vector<32x1x128xi32>
      %reduce_min3A_1798 = arith.constant dense<2147483647> : vector<32x1xi32>
      %reduce_min3A_1799 = vector.multi_reduction <minsi>, %broadcast_in_dim3A_1797, %reduce_min3A_1798 [2] : vector<32x1x128xi32> to vector<32x1xi32>
      %broadcast_in_dim3A_1800 = vector.shape_cast %reduce_min3A_1799 : vector<32x1xi32> to vector<32x1x1xi32>
      %squeeze3A_1801 = vector.shape_cast %broadcast_in_dim3A_1800 : vector<32x1x1xi32> to vector<32x1xi32>
      %squeeze3A_1802 = vector.shape_cast %broadcast_in_dim3A_1790 : vector<32x1x1xf32> to vector<32x1xf32>
      %le3A_1803 = vector.broadcast %cond3A_990 : f32 to vector<32x1xf32>
      %le3A_1804 = arith.cmpf ole, %squeeze3A_1802, %le3A_1803 : vector<32x1xf32>
      %select_n3A_1805 = arith.select %le3A_1804, %squeeze3A_1801, %squeeze3A_1023 : vector<32x1xi1>, vector<32x1xi32>
      %swap3A_1806 = arith.constant 0 : index
      %swap3A_1807 = arith.constant 27 : index
      %swap3A_1808 = vector.load %arg3[%swap3A_1806, %swap3A_1807] : memref<32x32xi32, #tpu.memory_space<vmem>>, vector<32x1xi32>
      tpu.vector_store %arg3[%swap3A_1806, %swap3A_1807], %select_n3A_1805 {strides = array<i32>} : memref<32x32xi32, #tpu.memory_space<vmem>>, vector<32x1xi32>,
      %eq3A_1809 = vector.broadcast %broadcast_in_dim3A_1800 : vector<32x1x1xi32> to vector<32x80x128xi32>
      %eq3A_1810 = arith.cmpi eq, %add3A, %eq3A_1809 : vector<32x80x128xi32>
      %and3A_1811 = arith.andi %eq3A_1792, %eq3A_1810 : vector<32x80x128xi1>
      %broadcast_in_dim3A_1812 = vector.broadcast %cond3A_989 : f32 to vector<32x80x128xf32>
      %select_n3A_1813 = arith.select %and3A_1811, %broadcast_in_dim3A_1812, %select_n3A_1784 : vector<32x80x128xi1>, vector<32x80x128xf32>
      %reduce_min3A_1814 = arith.constant dense<0x7F800000> : vector<32x128xf32>
      %reduce_min3A_1815 = vector.multi_reduction <minimumf>, %select_n3A_1813, %reduce_min3A_1814 [1] : vector<32x80x128xf32> to vector<32x128xf32>
      %broadcast_in_dim3A_1816 = vector.shape_cast %reduce_min3A_1815 : vector<32x128xf32> to vector<32x1x128xf32>
      %reduce_min3A_1817 = arith.constant dense<0x7F800000> : vector<32x1xf32>
      %reduce_min3A_1818 = vector.multi_reduction <minimumf>, %broadcast_in_dim3A_1816, %reduce_min3A_1817 [2] : vector<32x1x128xf32> to vector<32x1xf32>
      %broadcast_in_dim3A_1819 = vector.shape_cast %reduce_min3A_1818 : vector<32x1xf32> to vector<32x1x1xf32>
      %eq3A_1820 = vector.broadcast %broadcast_in_dim3A_1819 : vector<32x1x1xf32> to vector<32x80x128xf32>
      %eq3A_1821 = arith.cmpf oeq, %select_n3A_1813, %eq3A_1820 : vector<32x80x128xf32>
      %broadcast_in_dim3A_1822 = vector.broadcast %cond3A_988 : i32 to vector<32x80x128xi32>
      %select_n3A_1823 = arith.select %eq3A_1821, %add3A, %broadcast_in_dim3A_1822 : vector<32x80x128xi1>, vector<32x80x128xi32>
      %reduce_min3A_1824 = arith.constant dense<2147483647> : vector<32x128xi32>
      %reduce_min3A_1825 = vector.multi_reduction <minsi>, %select_n3A_1823, %reduce_min3A_1824 [1] : vector<32x80x128xi32> to vector<32x128xi32>
      %broadcast_in_dim3A_1826 = vector.shape_cast %reduce_min3A_1825 : vector<32x128xi32> to vector<32x1x128xi32>
      %reduce_min3A_1827 = arith.constant dense<2147483647> : vector<32x1xi32>
      %reduce_min3A_1828 = vector.multi_reduction <minsi>, %broadcast_in_dim3A_1826, %reduce_min3A_1827 [2] : vector<32x1x128xi32> to vector<32x1xi32>
      %broadcast_in_dim3A_1829 = vector.shape_cast %reduce_min3A_1828 : vector<32x1xi32> to vector<32x1x1xi32>
      %squeeze3A_1830 = vector.shape_cast %broadcast_in_dim3A_1829 : vector<32x1x1xi32> to vector<32x1xi32>
      %squeeze3A_1831 = vector.shape_cast %broadcast_in_dim3A_1819 : vector<32x1x1xf32> to vector<32x1xf32>
      %le3A_1832 = vector.broadcast %cond3A_990 : f32 to vector<32x1xf32>
      %le3A_1833 = arith.cmpf ole, %squeeze3A_1831, %le3A_1832 : vector<32x1xf32>
      %select_n3A_1834 = arith.select %le3A_1833, %squeeze3A_1830, %squeeze3A_1023 : vector<32x1xi1>, vector<32x1xi32>
      %swap3A_1835 = arith.constant 0 : index
      %swap3A_1836 = arith.constant 28 : index
      %swap3A_1837 = vector.load %arg3[%swap3A_1835, %swap3A_1836] : memref<32x32xi32, #tpu.memory_space<vmem>>, vector<32x1xi32>
      tpu.vector_store %arg3[%swap3A_1835, %swap3A_1836], %select_n3A_1834 {strides = array<i32>} : memref<32x32xi32, #tpu.memory_space<vmem>>, vector<32x1xi32>,
      %eq3A_1838 = vector.broadcast %broadcast_in_dim3A_1829 : vector<32x1x1xi32> to vector<32x80x128xi32>
      %eq3A_1839 = arith.cmpi eq, %add3A, %eq3A_1838 : vector<32x80x128xi32>
      %and3A_1840 = arith.andi %eq3A_1821, %eq3A_1839 : vector<32x80x128xi1>
      %broadcast_in_dim3A_1841 = vector.broadcast %cond3A_989 : f32 to vector<32x80x128xf32>
      %select_n3A_1842 = arith.select %and3A_1840, %broadcast_in_dim3A_1841, %select_n3A_1813 : vector<32x80x128xi1>, vector<32x80x128xf32>
      %reduce_min3A_1843 = arith.constant dense<0x7F800000> : vector<32x128xf32>
      %reduce_min3A_1844 = vector.multi_reduction <minimumf>, %select_n3A_1842, %reduce_min3A_1843 [1] : vector<32x80x128xf32> to vector<32x128xf32>
      %broadcast_in_dim3A_1845 = vector.shape_cast %reduce_min3A_1844 : vector<32x128xf32> to vector<32x1x128xf32>
      %reduce_min3A_1846 = arith.constant dense<0x7F800000> : vector<32x1xf32>
      %reduce_min3A_1847 = vector.multi_reduction <minimumf>, %broadcast_in_dim3A_1845, %reduce_min3A_1846 [2] : vector<32x1x128xf32> to vector<32x1xf32>
      %broadcast_in_dim3A_1848 = vector.shape_cast %reduce_min3A_1847 : vector<32x1xf32> to vector<32x1x1xf32>
      %eq3A_1849 = vector.broadcast %broadcast_in_dim3A_1848 : vector<32x1x1xf32> to vector<32x80x128xf32>
      %eq3A_1850 = arith.cmpf oeq, %select_n3A_1842, %eq3A_1849 : vector<32x80x128xf32>
      %broadcast_in_dim3A_1851 = vector.broadcast %cond3A_988 : i32 to vector<32x80x128xi32>
      %select_n3A_1852 = arith.select %eq3A_1850, %add3A, %broadcast_in_dim3A_1851 : vector<32x80x128xi1>, vector<32x80x128xi32>
      %reduce_min3A_1853 = arith.constant dense<2147483647> : vector<32x128xi32>
      %reduce_min3A_1854 = vector.multi_reduction <minsi>, %select_n3A_1852, %reduce_min3A_1853 [1] : vector<32x80x128xi32> to vector<32x128xi32>
      %broadcast_in_dim3A_1855 = vector.shape_cast %reduce_min3A_1854 : vector<32x128xi32> to vector<32x1x128xi32>
      %reduce_min3A_1856 = arith.constant dense<2147483647> : vector<32x1xi32>
      %reduce_min3A_1857 = vector.multi_reduction <minsi>, %broadcast_in_dim3A_1855, %reduce_min3A_1856 [2] : vector<32x1x128xi32> to vector<32x1xi32>
      %broadcast_in_dim3A_1858 = vector.shape_cast %reduce_min3A_1857 : vector<32x1xi32> to vector<32x1x1xi32>
      %squeeze3A_1859 = vector.shape_cast %broadcast_in_dim3A_1858 : vector<32x1x1xi32> to vector<32x1xi32>
      %squeeze3A_1860 = vector.shape_cast %broadcast_in_dim3A_1848 : vector<32x1x1xf32> to vector<32x1xf32>
      %le3A_1861 = vector.broadcast %cond3A_990 : f32 to vector<32x1xf32>
      %le3A_1862 = arith.cmpf ole, %squeeze3A_1860, %le3A_1861 : vector<32x1xf32>
      %select_n3A_1863 = arith.select %le3A_1862, %squeeze3A_1859, %squeeze3A_1023 : vector<32x1xi1>, vector<32x1xi32>
      %swap3A_1864 = arith.constant 0 : index
      %swap3A_1865 = arith.constant 29 : index
      %swap3A_1866 = vector.load %arg3[%swap3A_1864, %swap3A_1865] : memref<32x32xi32, #tpu.memory_space<vmem>>, vector<32x1xi32>
      tpu.vector_store %arg3[%swap3A_1864, %swap3A_1865], %select_n3A_1863 {strides = array<i32>} : memref<32x32xi32, #tpu.memory_space<vmem>>, vector<32x1xi32>,
      %eq3A_1867 = vector.broadcast %broadcast_in_dim3A_1858 : vector<32x1x1xi32> to vector<32x80x128xi32>
      %eq3A_1868 = arith.cmpi eq, %add3A, %eq3A_1867 : vector<32x80x128xi32>
      %and3A_1869 = arith.andi %eq3A_1850, %eq3A_1868 : vector<32x80x128xi1>
      %broadcast_in_dim3A_1870 = vector.broadcast %cond3A_989 : f32 to vector<32x80x128xf32>
      %select_n3A_1871 = arith.select %and3A_1869, %broadcast_in_dim3A_1870, %select_n3A_1842 : vector<32x80x128xi1>, vector<32x80x128xf32>
      %reduce_min3A_1872 = arith.constant dense<0x7F800000> : vector<32x128xf32>
      %reduce_min3A_1873 = vector.multi_reduction <minimumf>, %select_n3A_1871, %reduce_min3A_1872 [1] : vector<32x80x128xf32> to vector<32x128xf32>
      %broadcast_in_dim3A_1874 = vector.shape_cast %reduce_min3A_1873 : vector<32x128xf32> to vector<32x1x128xf32>
      %reduce_min3A_1875 = arith.constant dense<0x7F800000> : vector<32x1xf32>
      %reduce_min3A_1876 = vector.multi_reduction <minimumf>, %broadcast_in_dim3A_1874, %reduce_min3A_1875 [2] : vector<32x1x128xf32> to vector<32x1xf32>
      %broadcast_in_dim3A_1877 = vector.shape_cast %reduce_min3A_1876 : vector<32x1xf32> to vector<32x1x1xf32>
      %eq3A_1878 = vector.broadcast %broadcast_in_dim3A_1877 : vector<32x1x1xf32> to vector<32x80x128xf32>
      %eq3A_1879 = arith.cmpf oeq, %select_n3A_1871, %eq3A_1878 : vector<32x80x128xf32>
      %broadcast_in_dim3A_1880 = vector.broadcast %cond3A_988 : i32 to vector<32x80x128xi32>
      %select_n3A_1881 = arith.select %eq3A_1879, %add3A, %broadcast_in_dim3A_1880 : vector<32x80x128xi1>, vector<32x80x128xi32>
      %reduce_min3A_1882 = arith.constant dense<2147483647> : vector<32x128xi32>
      %reduce_min3A_1883 = vector.multi_reduction <minsi>, %select_n3A_1881, %reduce_min3A_1882 [1] : vector<32x80x128xi32> to vector<32x128xi32>
      %broadcast_in_dim3A_1884 = vector.shape_cast %reduce_min3A_1883 : vector<32x128xi32> to vector<32x1x128xi32>
      %reduce_min3A_1885 = arith.constant dense<2147483647> : vector<32x1xi32>
      %reduce_min3A_1886 = vector.multi_reduction <minsi>, %broadcast_in_dim3A_1884, %reduce_min3A_1885 [2] : vector<32x1x128xi32> to vector<32x1xi32>
      %broadcast_in_dim3A_1887 = vector.shape_cast %reduce_min3A_1886 : vector<32x1xi32> to vector<32x1x1xi32>
      %squeeze3A_1888 = vector.shape_cast %broadcast_in_dim3A_1887 : vector<32x1x1xi32> to vector<32x1xi32>
      %squeeze3A_1889 = vector.shape_cast %broadcast_in_dim3A_1877 : vector<32x1x1xf32> to vector<32x1xf32>
      %le3A_1890 = vector.broadcast %cond3A_990 : f32 to vector<32x1xf32>
      %le3A_1891 = arith.cmpf ole, %squeeze3A_1889, %le3A_1890 : vector<32x1xf32>
      %select_n3A_1892 = arith.select %le3A_1891, %squeeze3A_1888, %squeeze3A_1023 : vector<32x1xi1>, vector<32x1xi32>
      %swap3A_1893 = arith.constant 0 : index
      %swap3A_1894 = arith.constant 30 : index
      %swap3A_1895 = vector.load %arg3[%swap3A_1893, %swap3A_1894] : memref<32x32xi32, #tpu.memory_space<vmem>>, vector<32x1xi32>
      tpu.vector_store %arg3[%swap3A_1893, %swap3A_1894], %select_n3A_1892 {strides = array<i32>} : memref<32x32xi32, #tpu.memory_space<vmem>>, vector<32x1xi32>,
      %eq3A_1896 = vector.broadcast %broadcast_in_dim3A_1887 : vector<32x1x1xi32> to vector<32x80x128xi32>
      %eq3A_1897 = arith.cmpi eq, %add3A, %eq3A_1896 : vector<32x80x128xi32>
      %and3A_1898 = arith.andi %eq3A_1879, %eq3A_1897 : vector<32x80x128xi1>
      %broadcast_in_dim3A_1899 = vector.broadcast %cond3A_989 : f32 to vector<32x80x128xf32>
      %select_n3A_1900 = arith.select %and3A_1898, %broadcast_in_dim3A_1899, %select_n3A_1871 : vector<32x80x128xi1>, vector<32x80x128xf32>
      %reduce_min3A_1901 = arith.constant dense<0x7F800000> : vector<32x128xf32>
      %reduce_min3A_1902 = vector.multi_reduction <minimumf>, %select_n3A_1900, %reduce_min3A_1901 [1] : vector<32x80x128xf32> to vector<32x128xf32>
      %broadcast_in_dim3A_1903 = vector.shape_cast %reduce_min3A_1902 : vector<32x128xf32> to vector<32x1x128xf32>
      %reduce_min3A_1904 = arith.constant dense<0x7F800000> : vector<32x1xf32>
      %reduce_min3A_1905 = vector.multi_reduction <minimumf>, %broadcast_in_dim3A_1903, %reduce_min3A_1904 [2] : vector<32x1x128xf32> to vector<32x1xf32>
      %broadcast_in_dim3A_1906 = vector.shape_cast %reduce_min3A_1905 : vector<32x1xf32> to vector<32x1x1xf32>
      %eq3A_1907 = vector.broadcast %broadcast_in_dim3A_1906 : vector<32x1x1xf32> to vector<32x80x128xf32>
      %eq3A_1908 = arith.cmpf oeq, %select_n3A_1900, %eq3A_1907 : vector<32x80x128xf32>
      %broadcast_in_dim3A_1909 = vector.broadcast %cond3A_988 : i32 to vector<32x80x128xi32>
      %select_n3A_1910 = arith.select %eq3A_1908, %add3A, %broadcast_in_dim3A_1909 : vector<32x80x128xi1>, vector<32x80x128xi32>
      %reduce_min3A_1911 = arith.constant dense<2147483647> : vector<32x128xi32>
      %reduce_min3A_1912 = vector.multi_reduction <minsi>, %select_n3A_1910, %reduce_min3A_1911 [1] : vector<32x80x128xi32> to vector<32x128xi32>
      %broadcast_in_dim3A_1913 = vector.shape_cast %reduce_min3A_1912 : vector<32x128xi32> to vector<32x1x128xi32>
      %reduce_min3A_1914 = arith.constant dense<2147483647> : vector<32x1xi32>
      %reduce_min3A_1915 = vector.multi_reduction <minsi>, %broadcast_in_dim3A_1913, %reduce_min3A_1914 [2] : vector<32x1x128xi32> to vector<32x1xi32>
      %broadcast_in_dim3A_1916 = vector.shape_cast %reduce_min3A_1915 : vector<32x1xi32> to vector<32x1x1xi32>
      %squeeze3A_1917 = vector.shape_cast %broadcast_in_dim3A_1916 : vector<32x1x1xi32> to vector<32x1xi32>
      %squeeze3A_1918 = vector.shape_cast %broadcast_in_dim3A_1906 : vector<32x1x1xf32> to vector<32x1xf32>
      %le3A_1919 = vector.broadcast %cond3A_990 : f32 to vector<32x1xf32>
      %le3A_1920 = arith.cmpf ole, %squeeze3A_1918, %le3A_1919 : vector<32x1xf32>
      %select_n3A_1921 = arith.select %le3A_1920, %squeeze3A_1917, %squeeze3A_1023 : vector<32x1xi1>, vector<32x1xi32>
      %swap3A_1922 = arith.constant 0 : index
      %swap3A_1923 = arith.constant 31 : index
      %swap3A_1924 = vector.load %arg3[%swap3A_1922, %swap3A_1923] : memref<32x32xi32, #tpu.memory_space<vmem>>, vector<32x1xi32>
      tpu.vector_store %arg3[%swap3A_1922, %swap3A_1923], %select_n3A_1921 {strides = array<i32>} : memref<32x32xi32, #tpu.memory_space<vmem>>, vector<32x1xi32>,
    } else {
    }
    return
  }
  func.func @transform_0(%arg0: i32) -> (i32, i32) {
    %c0_i32 = arith.constant 0 : i32
    %c0_i32_0 = arith.constant 0 : i32
    return %arg0, %c0_i32 : i32, i32
  }
  func.func @transform_1(%arg0: i32) -> (i32, i32) {
    %c0_i32 = arith.constant 0 : i32
    %c0_i32_0 = arith.constant 0 : i32
    %c0_i32_1 = arith.constant 0 : i32
    return %c0_i32, %c0_i32_0 : i32, i32
  }
  func.func @transform_2(%arg0: i32) -> (i32, i32) {
    %c0_i32 = arith.constant 0 : i32
    %c0_i32_0 = arith.constant 0 : i32
    return %arg0, %c0_i32 : i32, i32
  }
}

module attributes {stable_mosaic.version = 14 : i64} {
  func.func @_enc_body(%arg0: i32, %arg1: memref<16x1024xf32, #tpu.memory_space<vmem>>, %arg2: memref<16x1024xf32, #tpu.memory_space<vmem>>, %arg3: memref<1024x32xf32, #tpu.memory_space<vmem>>, %arg4: memref<4x128xf32, #tpu.memory_space<vmem>>, %arg5: memref<1x128xf32, #tpu.memory_space<vmem>>, %arg6: memref<128x256xf32, #tpu.memory_space<vmem>>, %arg7: memref<1x256xf32, #tpu.memory_space<vmem>>, %arg8: memref<256x512xf32, #tpu.memory_space<vmem>>, %arg9: memref<1x512xf32, #tpu.memory_space<vmem>>, %arg10: memref<3x256xf32, #tpu.memory_space<vmem>>, %arg11: memref<512x256xf32, #tpu.memory_space<vmem>>, %arg12: memref<1x256xf32, #tpu.memory_space<vmem>>, %arg13: memref<256x128xf32, #tpu.memory_space<vmem>>, %arg14: memref<1x128xf32, #tpu.memory_space<vmem>>, %arg15: memref<128x96xf32, #tpu.memory_space<vmem>>, %arg16: memref<1x96xf32, #tpu.memory_space<vmem>>, %arg17: memref<320x3xf32, #tpu.memory_space<vmem>>, %arg18: memref<3x96xf32, #tpu.memory_space<vmem>>, %arg19: memref<320x96xf32, #tpu.memory_space<vmem>>, %arg20: memref<320x512xf32, #tpu.memory_space<vmem>>, %arg21: memref<320x3xf32, #tpu.memory_space<vmem>>) attributes {dimension_semantics = [#tpu.dimension_semantics<arbitrary>], iteration_bounds = array<i64: 10>, scalar_prefetch = 0 : i64, scratch_operands = 2 : i64, tpu.core_type = #tpu.core_type<tc>, window_params = [{transform_indices = @transform_0, window_bounds = array<i64: 16, 1024>}, {transform_indices = @transform_1, window_bounds = array<i64: 16, 1024>}, {pipeline_mode = #tpu.pipeline_mode<synchronous>, transform_indices = @transform_2, window_bounds = array<i64: 1024, 32>}, {pipeline_mode = #tpu.pipeline_mode<synchronous>, transform_indices = @transform_3, window_bounds = array<i64: 4, 128>}, {pipeline_mode = #tpu.pipeline_mode<synchronous>, transform_indices = @transform_4, window_bounds = array<i64: 1, 128>}, {pipeline_mode = #tpu.pipeline_mode<synchronous>, transform_indices = @transform_5, window_bounds = array<i64: 128, 256>}, {pipeline_mode = #tpu.pipeline_mode<synchronous>, transform_indices = @transform_6, window_bounds = array<i64: 1, 256>}, {pipeline_mode = #tpu.pipeline_mode<synchronous>, transform_indices = @transform_7, window_bounds = array<i64: 256, 512>}, {pipeline_mode = #tpu.pipeline_mode<synchronous>, transform_indices = @transform_8, window_bounds = array<i64: 1, 512>}, {pipeline_mode = #tpu.pipeline_mode<synchronous>, transform_indices = @transform_9, window_bounds = array<i64: 3, 256>}, {pipeline_mode = #tpu.pipeline_mode<synchronous>, transform_indices = @transform_10, window_bounds = array<i64: 512, 256>}, {pipeline_mode = #tpu.pipeline_mode<synchronous>, transform_indices = @transform_11, window_bounds = array<i64: 1, 256>}, {pipeline_mode = #tpu.pipeline_mode<synchronous>, transform_indices = @transform_12, window_bounds = array<i64: 256, 128>}, {pipeline_mode = #tpu.pipeline_mode<synchronous>, transform_indices = @transform_13, window_bounds = array<i64: 1, 128>}, {pipeline_mode = #tpu.pipeline_mode<synchronous>, transform_indices = @transform_14, window_bounds = array<i64: 128, 96>}, {pipeline_mode = #tpu.pipeline_mode<synchronous>, transform_indices = @transform_15, window_bounds = array<i64: 1, 96>}, {pipeline_mode = #tpu.pipeline_mode<synchronous>, transform_indices = @transform_16, window_bounds = array<i64: 320, 3>}, {pipeline_mode = #tpu.pipeline_mode<synchronous>, transform_indices = @transform_17, window_bounds = array<i64: 3, 96>}, {pipeline_mode = #tpu.pipeline_mode<synchronous>, transform_indices = @transform_18, window_bounds = array<i64: 320, 96>}]} {
    %get3A = arith.constant 0 : index
    %get3A_0 = arith.constant 0 : index
    %get3A_1 = vector.load %arg1[%get3A, %get3A_0] : memref<16x1024xf32, #tpu.memory_space<vmem>>, vector<16x1024xf32>
    %get3A_2 = arith.constant 0 : index
    %get3A_3 = arith.constant 0 : index
    %get3A_4 = vector.load %arg2[%get3A_2, %get3A_3] : memref<16x1024xf32, #tpu.memory_space<vmem>>, vector<16x1024xf32>
    %slice3A = vector.extract_strided_slice %get3A_1 {offsets = [0, 0], sizes = [1, 1024], strides = [1, 1]} : vector<16x1024xf32> to vector<1x1024xf32>
    %slice3A_5 = vector.extract_strided_slice %get3A_1 {offsets = [1, 0], sizes = [1, 1024], strides = [1, 1]} : vector<16x1024xf32> to vector<1x1024xf32>
    %slice3A_6 = vector.extract_strided_slice %get3A_1 {offsets = [2, 0], sizes = [1, 1024], strides = [1, 1]} : vector<16x1024xf32> to vector<1x1024xf32>
    %slice3A_7 = vector.extract_strided_slice %get3A_1 {offsets = [3, 0], sizes = [1, 1024], strides = [1, 1]} : vector<16x1024xf32> to vector<1x1024xf32>
    %slice3A_8 = vector.extract_strided_slice %get3A_1 {offsets = [4, 0], sizes = [1, 1024], strides = [1, 1]} : vector<16x1024xf32> to vector<1x1024xf32>
    %slice3A_9 = vector.extract_strided_slice %get3A_1 {offsets = [5, 0], sizes = [1, 1024], strides = [1, 1]} : vector<16x1024xf32> to vector<1x1024xf32>
    %slice3A_10 = vector.extract_strided_slice %get3A_4 {offsets = [0, 0], sizes = [1, 1024], strides = [1, 1]} : vector<16x1024xf32> to vector<1x1024xf32>
    %slice3A_11 = vector.extract_strided_slice %get3A_4 {offsets = [1, 0], sizes = [1, 1024], strides = [1, 1]} : vector<16x1024xf32> to vector<1x1024xf32>
    %slice3A_12 = vector.extract_strided_slice %get3A_4 {offsets = [2, 0], sizes = [1, 1024], strides = [1, 1]} : vector<16x1024xf32> to vector<1x1024xf32>
    %slice3A_13 = vector.extract_strided_slice %get3A_4 {offsets = [3, 0], sizes = [1, 1024], strides = [1, 1]} : vector<16x1024xf32> to vector<1x1024xf32>
    %slice3A_14 = vector.extract_strided_slice %get3A_4 {offsets = [4, 0], sizes = [1, 1024], strides = [1, 1]} : vector<16x1024xf32> to vector<1x1024xf32>
    %slice3A_15 = vector.extract_strided_slice %get3A_4 {offsets = [5, 0], sizes = [1, 1024], strides = [1, 1]} : vector<16x1024xf32> to vector<1x1024xf32>
    %sub3A = arith.subf %slice3A, %slice3A_10 : vector<1x1024xf32>
    %mul3A = arith.constant 5.000000e+00 : f32
    %mul3A_16 = vector.broadcast %mul3A : f32 to vector<1x1024xf32>
    %mul3A_17 = arith.mulf %sub3A, %mul3A_16 : vector<1x1024xf32>
    %sub3A_18 = arith.subf %slice3A_5, %slice3A_11 : vector<1x1024xf32>
    %mul3A_19 = arith.constant 5.000000e+00 : f32
    %mul3A_20 = vector.broadcast %mul3A_19 : f32 to vector<1x1024xf32>
    %mul3A_21 = arith.mulf %sub3A_18, %mul3A_20 : vector<1x1024xf32>
    %sub3A_22 = arith.subf %slice3A_6, %slice3A_12 : vector<1x1024xf32>
    %mul3A_23 = arith.constant 5.000000e+00 : f32
    %mul3A_24 = vector.broadcast %mul3A_23 : f32 to vector<1x1024xf32>
    %mul3A_25 = arith.mulf %sub3A_22, %mul3A_24 : vector<1x1024xf32>
    %mul3A_26 = arith.mulf %mul3A_17, %mul3A_17 : vector<1x1024xf32>
    %mul3A_27 = arith.mulf %mul3A_21, %mul3A_21 : vector<1x1024xf32>
    %add3A = arith.addf %mul3A_26, %mul3A_27 : vector<1x1024xf32>
    %mul3A_28 = arith.mulf %mul3A_25, %mul3A_25 : vector<1x1024xf32>
    %add3A_29 = arith.addf %add3A, %mul3A_28 : vector<1x1024xf32>
    %mul3A_30 = arith.mulf %slice3A_13, %slice3A_13 : vector<1x1024xf32>
    %mul3A_31 = arith.mulf %slice3A_14, %slice3A_14 : vector<1x1024xf32>
    %add3A_32 = arith.addf %mul3A_30, %mul3A_31 : vector<1x1024xf32>
    %mul3A_33 = arith.mulf %slice3A_15, %slice3A_15 : vector<1x1024xf32>
    %add3A_34 = arith.addf %add3A_32, %mul3A_33 : vector<1x1024xf32>
    %mul3A_35 = arith.mulf %slice3A_7, %slice3A_7 : vector<1x1024xf32>
    %mul3A_36 = arith.mulf %slice3A_8, %slice3A_8 : vector<1x1024xf32>
    %add3A_37 = arith.addf %mul3A_35, %mul3A_36 : vector<1x1024xf32>
    %mul3A_38 = arith.mulf %slice3A_9, %slice3A_9 : vector<1x1024xf32>
    %add3A_39 = arith.addf %add3A_37, %mul3A_38 : vector<1x1024xf32>
    %mul3A_40 = arith.mulf %slice3A_13, %mul3A_17 : vector<1x1024xf32>
    %mul3A_41 = arith.mulf %slice3A_14, %mul3A_21 : vector<1x1024xf32>
    %add3A_42 = arith.addf %mul3A_40, %mul3A_41 : vector<1x1024xf32>
    %mul3A_43 = arith.mulf %slice3A_15, %mul3A_25 : vector<1x1024xf32>
    %add3A_44 = arith.addf %add3A_42, %mul3A_43 : vector<1x1024xf32>
    %mul3A_45 = arith.mulf %slice3A_7, %mul3A_17 : vector<1x1024xf32>
    %mul3A_46 = arith.mulf %slice3A_8, %mul3A_21 : vector<1x1024xf32>
    %add3A_47 = arith.addf %mul3A_45, %mul3A_46 : vector<1x1024xf32>
    %mul3A_48 = arith.mulf %slice3A_9, %mul3A_25 : vector<1x1024xf32>
    %add3A_49 = arith.addf %add3A_47, %mul3A_48 : vector<1x1024xf32>
    %mul3A_50 = arith.mulf %slice3A_13, %slice3A_7 : vector<1x1024xf32>
    %mul3A_51 = arith.mulf %slice3A_14, %slice3A_8 : vector<1x1024xf32>
    %add3A_52 = arith.addf %mul3A_50, %mul3A_51 : vector<1x1024xf32>
    %mul3A_53 = arith.mulf %slice3A_15, %slice3A_9 : vector<1x1024xf32>
    %add3A_54 = arith.addf %add3A_52, %mul3A_53 : vector<1x1024xf32>
    %mul3A_55 = arith.mulf %add3A_34, %add3A_29 : vector<1x1024xf32>
    %mul3A_56 = arith.mulf %add3A_44, %add3A_44 : vector<1x1024xf32>
    %sub3A_57 = arith.subf %mul3A_55, %mul3A_56 : vector<1x1024xf32>
    %max3A = arith.constant 0.000000e+00 : f32
    %max3A_58 = vector.broadcast %max3A : f32 to vector<1x1024xf32>
    %max3A_59 = arith.maximumf %sub3A_57, %max3A_58 : vector<1x1024xf32>
    %add3A_60 = arith.constant 9.99999996E-13 : f32
    %add3A_61 = vector.broadcast %add3A_60 : f32 to vector<1x1024xf32>
    %add3A_62 = arith.addf %max3A_59, %add3A_61 : vector<1x1024xf32>
    %sqrt3A = math.sqrt %add3A_62 : vector<1x1024xf32>
    %atan23A = math.atan2 %sqrt3A, %add3A_44 : vector<1x1024xf32>
    %mul3A_63 = arith.mulf %add3A_39, %add3A_29 : vector<1x1024xf32>
    %mul3A_64 = arith.mulf %add3A_49, %add3A_49 : vector<1x1024xf32>
    %sub3A_65 = arith.subf %mul3A_63, %mul3A_64 : vector<1x1024xf32>
    %max3A_66 = arith.constant 0.000000e+00 : f32
    %max3A_67 = vector.broadcast %max3A_66 : f32 to vector<1x1024xf32>
    %max3A_68 = arith.maximumf %sub3A_65, %max3A_67 : vector<1x1024xf32>
    %add3A_69 = arith.constant 9.99999996E-13 : f32
    %add3A_70 = vector.broadcast %add3A_69 : f32 to vector<1x1024xf32>
    %add3A_71 = arith.addf %max3A_68, %add3A_70 : vector<1x1024xf32>
    %sqrt3A_72 = math.sqrt %add3A_71 : vector<1x1024xf32>
    %atan23A_73 = math.atan2 %sqrt3A_72, %add3A_49 : vector<1x1024xf32>
    %mul3A_74 = arith.mulf %add3A_34, %add3A_39 : vector<1x1024xf32>
    %mul3A_75 = arith.mulf %add3A_54, %add3A_54 : vector<1x1024xf32>
    %sub3A_76 = arith.subf %mul3A_74, %mul3A_75 : vector<1x1024xf32>
    %max3A_77 = arith.constant 0.000000e+00 : f32
    %max3A_78 = vector.broadcast %max3A_77 : f32 to vector<1x1024xf32>
    %max3A_79 = arith.maximumf %sub3A_76, %max3A_78 : vector<1x1024xf32>
    %add3A_80 = arith.constant 9.99999996E-13 : f32
    %add3A_81 = vector.broadcast %add3A_80 : f32 to vector<1x1024xf32>
    %add3A_82 = arith.addf %max3A_79, %add3A_81 : vector<1x1024xf32>
    %sqrt3A_83 = math.sqrt %add3A_82 : vector<1x1024xf32>
    %atan23A_84 = math.atan2 %sqrt3A_83, %add3A_54 : vector<1x1024xf32>
    %add3A_85 = arith.constant 9.99999996E-13 : f32
    %add3A_86 = vector.broadcast %add3A_85 : f32 to vector<1x1024xf32>
    %add3A_87 = arith.addf %add3A_29, %add3A_86 : vector<1x1024xf32>
    %sqrt3A_88 = math.sqrt %add3A_87 : vector<1x1024xf32>
    %concatenate3A = tpu.concatenate %atan23A, %atan23A_73, %atan23A_84, %sqrt3A_88 in 0 : vector<1x1024xf32>, vector<1x1024xf32>, vector<1x1024xf32>, vector<1x1024xf32> -> vector<4x1024xf32>
    %get3A_89 = arith.constant 0 : index
    %get3A_90 = arith.constant 0 : index
    %get3A_91 = vector.load %arg4[%get3A_89, %get3A_90] : memref<4x128xf32, #tpu.memory_space<vmem>>, vector<4x128xf32>
    %dot_general3A = arith.constant dense<0.000000e+00> : vector<1024x128xf32>
    %dot_general3A_92 = tpu.matmul %concatenate3A, %get3A_91, %dot_general3A {dimension_numbers = #tpu.dot_dimension_numbers<[0], [0], [1], [1], [0, 1, 1, 1], [], []>, transpose_lhs_hint = false} : vector<4x1024xf32>, vector<4x128xf32>, vector<1024x128xf32> -> vector<1024x128xf32>
    %get3A_93 = arith.constant 0 : index
    %get3A_94 = arith.constant 0 : index
    %get3A_95 = vector.load %arg5[%get3A_93, %get3A_94] : memref<1x128xf32, #tpu.memory_space<vmem>>, vector<1x128xf32>
    %add3A_96 = vector.broadcast %get3A_95 : vector<1x128xf32> to vector<1024x128xf32>
    %add3A_97 = arith.addf %dot_general3A_92, %add3A_96 : vector<1024x128xf32>
    %max3A_98 = arith.constant 0.000000e+00 : f32
    %max3A_99 = vector.broadcast %max3A_98 : f32 to vector<1024x128xf32>
    %max3A_100 = arith.maximumf %add3A_97, %max3A_99 : vector<1024x128xf32>
    %get3A_101 = arith.constant 0 : index
    %get3A_102 = arith.constant 0 : index
    %get3A_103 = vector.load %arg6[%get3A_101, %get3A_102] : memref<128x256xf32, #tpu.memory_space<vmem>>, vector<128x256xf32>
    %dot_general3A_104 = arith.constant dense<0.000000e+00> : vector<1024x256xf32>
    %dot_general3A_105 = tpu.matmul %max3A_100, %get3A_103, %dot_general3A_104 {dimension_numbers = #tpu.dot_dimension_numbers<[1], [0], [0], [1], [0, 0, 1, 1], [], []>, transpose_lhs_hint = false} : vector<1024x128xf32>, vector<128x256xf32>, vector<1024x256xf32> -> vector<1024x256xf32>
    %get3A_106 = arith.constant 0 : index
    %get3A_107 = arith.constant 0 : index
    %get3A_108 = vector.load %arg7[%get3A_106, %get3A_107] : memref<1x256xf32, #tpu.memory_space<vmem>>, vector<1x256xf32>
    %add3A_109 = vector.broadcast %get3A_108 : vector<1x256xf32> to vector<1024x256xf32>
    %add3A_110 = arith.addf %dot_general3A_105, %add3A_109 : vector<1024x256xf32>
    %max3A_111 = arith.constant 0.000000e+00 : f32
    %max3A_112 = vector.broadcast %max3A_111 : f32 to vector<1024x256xf32>
    %max3A_113 = arith.maximumf %add3A_110, %max3A_112 : vector<1024x256xf32>
    %get3A_114 = arith.constant 0 : index
    %get3A_115 = arith.constant 0 : index
    %get3A_116 = vector.load %arg8[%get3A_114, %get3A_115] : memref<256x512xf32, #tpu.memory_space<vmem>>, vector<256x512xf32>
    %dot_general3A_117 = arith.constant dense<0.000000e+00> : vector<1024x512xf32>
    %dot_general3A_118 = tpu.matmul %max3A_113, %get3A_116, %dot_general3A_117 {dimension_numbers = #tpu.dot_dimension_numbers<[1], [0], [0], [1], [0, 0, 1, 1], [], []>, transpose_lhs_hint = false} : vector<1024x256xf32>, vector<256x512xf32>, vector<1024x512xf32> -> vector<1024x512xf32>
    %get3A_119 = arith.constant 0 : index
    %get3A_120 = arith.constant 0 : index
    %get3A_121 = vector.load %arg9[%get3A_119, %get3A_120] : memref<1x512xf32, #tpu.memory_space<vmem>>, vector<1x512xf32>
    %add3A_122 = vector.broadcast %get3A_121 : vector<1x512xf32> to vector<1024x512xf32>
    %add3A_123 = arith.addf %dot_general3A_118, %add3A_122 : vector<1024x512xf32>
    %reshape3A = vector.shape_cast %add3A_123 : vector<1024x512xf32> to vector<32x32x512xf32>
    %reduce_max3A = arith.constant dense<0xFF800000> : vector<32x512xf32>
    %reduce_max3A_124 = vector.multi_reduction <maximumf>, %reshape3A, %reduce_max3A [1] : vector<32x32x512xf32> to vector<32x512xf32>
    %mul3A_125 = arith.constant 32 : i32
    %mul3A_126 = arith.muli %arg0, %mul3A_125 : i32
    %swap3A = arith.index_cast %mul3A_126 : i32 to index
    %swap3A_127 = arith.constant 0 : index
    %swap3A_128 = vector.load %arg20[%swap3A, %swap3A_127] : memref<320x512xf32, #tpu.memory_space<vmem>>, vector<32x512xf32>
    tpu.vector_store %arg20[%swap3A, %swap3A_127], %reduce_max3A_124 {strides = array<i32>} : memref<320x512xf32, #tpu.memory_space<vmem>>, vector<32x512xf32>,
    %concatenate3A_129 = tpu.concatenate %mul3A_17, %mul3A_21, %mul3A_25 in 0 : vector<1x1024xf32>, vector<1x1024xf32>, vector<1x1024xf32> -> vector<3x1024xf32>
    %get3A_130 = arith.constant 0 : index
    %get3A_131 = arith.constant 0 : index
    %get3A_132 = vector.load %arg3[%get3A_130, %get3A_131] : memref<1024x32xf32, #tpu.memory_space<vmem>>, vector<1024x32xf32>
    %dot_general3A_133 = arith.constant dense<0.000000e+00> : vector<32x3xf32>
    %dot_general3A_134 = tpu.matmul %get3A_132, %concatenate3A_129, %dot_general3A_133 {dimension_numbers = #tpu.dot_dimension_numbers<[0], [1], [1], [0], [0, 1, 1, 0], [], []>, transpose_lhs_hint = false} : vector<1024x32xf32>, vector<3x1024xf32>, vector<32x3xf32> -> vector<32x3xf32>
    %mul3A_135 = arith.constant 3.125000e-02 : f32
    %mul3A_136 = vector.broadcast %mul3A_135 : f32 to vector<32x3xf32>
    %mul3A_137 = arith.mulf %dot_general3A_134, %mul3A_136 : vector<32x3xf32>
    %mul3A_138 = arith.constant 32 : i32
    %mul3A_139 = arith.muli %arg0, %mul3A_138 : i32
    %swap3A_140 = arith.index_cast %mul3A_139 : i32 to index
    %swap3A_141 = arith.constant 0 : index
    %swap3A_142 = vector.load %arg21[%swap3A_140, %swap3A_141] : memref<320x3xf32, #tpu.memory_space<vmem>>, vector<32x3xf32>
    tpu.vector_store %arg21[%swap3A_140, %swap3A_141], %mul3A_137 {strides = array<i32>} : memref<320x3xf32, #tpu.memory_space<vmem>>, vector<32x3xf32>,
    %eq3A = arith.constant 9 : i32
    %eq3A_143 = arith.cmpi eq, %arg0, %eq3A : i32
    %convert_element_type3A = arith.extui %eq3A_143 : i1 to i32
    %cond3A = arith.constant 0 : i32
    %cond3A_144 = arith.cmpi ne, %convert_element_type3A, %cond3A : i32
    scf.if %cond3A_144 {
      %get3A_145 = arith.constant 0 : index
      %get3A_146 = arith.constant 0 : index
      %get3A_147 = vector.load %arg21[%get3A_145, %get3A_146] : memref<320x3xf32, #tpu.memory_space<vmem>>, vector<320x3xf32>
      %get3A_148 = arith.constant 0 : index
      %get3A_149 = arith.constant 0 : index
      %get3A_150 = vector.load %arg10[%get3A_148, %get3A_149] : memref<3x256xf32, #tpu.memory_space<vmem>>, vector<3x256xf32>
      %dot_general3A_151 = arith.constant dense<0.000000e+00> : vector<320x256xf32>
      %dot_general3A_152 = tpu.matmul %get3A_147, %get3A_150, %dot_general3A_151 {dimension_numbers = #tpu.dot_dimension_numbers<[1], [0], [0], [1], [0, 0, 1, 1], [], []>, transpose_lhs_hint = false} : vector<320x3xf32>, vector<3x256xf32>, vector<320x256xf32> -> vector<320x256xf32>
      %get3A_153 = arith.constant 0 : index
      %get3A_154 = arith.constant 0 : index
      %get3A_155 = vector.load %arg20[%get3A_153, %get3A_154] : memref<320x512xf32, #tpu.memory_space<vmem>>, vector<320x512xf32>
      %get3A_156 = arith.constant 0 : index
      %get3A_157 = arith.constant 0 : index
      %get3A_158 = vector.load %arg11[%get3A_156, %get3A_157] : memref<512x256xf32, #tpu.memory_space<vmem>>, vector<512x256xf32>
      %dot_general3A_159 = arith.constant dense<0.000000e+00> : vector<320x256xf32>
      %dot_general3A_160 = tpu.matmul %get3A_155, %get3A_158, %dot_general3A_159 {dimension_numbers = #tpu.dot_dimension_numbers<[1], [0], [0], [1], [0, 0, 1, 1], [], []>, transpose_lhs_hint = false} : vector<320x512xf32>, vector<512x256xf32>, vector<320x256xf32> -> vector<320x256xf32>
      %add3A_161 = arith.addf %dot_general3A_152, %dot_general3A_160 : vector<320x256xf32>
      %get3A_162 = arith.constant 0 : index
      %get3A_163 = arith.constant 0 : index
      %get3A_164 = vector.load %arg12[%get3A_162, %get3A_163] : memref<1x256xf32, #tpu.memory_space<vmem>>, vector<1x256xf32>
      %add3A_165 = vector.broadcast %get3A_164 : vector<1x256xf32> to vector<320x256xf32>
      %add3A_166 = arith.addf %add3A_161, %add3A_165 : vector<320x256xf32>
      %max3A_167 = arith.constant 0.000000e+00 : f32
      %max3A_168 = vector.broadcast %max3A_167 : f32 to vector<320x256xf32>
      %max3A_169 = arith.maximumf %add3A_166, %max3A_168 : vector<320x256xf32>
      %get3A_170 = arith.constant 0 : index
      %get3A_171 = arith.constant 0 : index
      %get3A_172 = vector.load %arg13[%get3A_170, %get3A_171] : memref<256x128xf32, #tpu.memory_space<vmem>>, vector<256x128xf32>
      %dot_general3A_173 = arith.constant dense<0.000000e+00> : vector<320x128xf32>
      %dot_general3A_174 = tpu.matmul %max3A_169, %get3A_172, %dot_general3A_173 {dimension_numbers = #tpu.dot_dimension_numbers<[1], [0], [0], [1], [0, 0, 1, 1], [], []>, transpose_lhs_hint = false} : vector<320x256xf32>, vector<256x128xf32>, vector<320x128xf32> -> vector<320x128xf32>
      %get3A_175 = arith.constant 0 : index
      %get3A_176 = arith.constant 0 : index
      %get3A_177 = vector.load %arg14[%get3A_175, %get3A_176] : memref<1x128xf32, #tpu.memory_space<vmem>>, vector<1x128xf32>
      %add3A_178 = vector.broadcast %get3A_177 : vector<1x128xf32> to vector<320x128xf32>
      %add3A_179 = arith.addf %dot_general3A_174, %add3A_178 : vector<320x128xf32>
      %max3A_180 = arith.constant 0.000000e+00 : f32
      %max3A_181 = vector.broadcast %max3A_180 : f32 to vector<320x128xf32>
      %max3A_182 = arith.maximumf %add3A_179, %max3A_181 : vector<320x128xf32>
      %get3A_183 = arith.constant 0 : index
      %get3A_184 = arith.constant 0 : index
      %get3A_185 = vector.load %arg15[%get3A_183, %get3A_184] : memref<128x96xf32, #tpu.memory_space<vmem>>, vector<128x96xf32>
      %dot_general3A_186 = arith.constant dense<0.000000e+00> : vector<320x96xf32>
      %dot_general3A_187 = tpu.matmul %max3A_182, %get3A_185, %dot_general3A_186 {dimension_numbers = #tpu.dot_dimension_numbers<[1], [0], [0], [1], [0, 0, 1, 1], [], []>, transpose_lhs_hint = false} : vector<320x128xf32>, vector<128x96xf32>, vector<320x96xf32> -> vector<320x96xf32>
      %get3A_188 = arith.constant 0 : index
      %get3A_189 = arith.constant 0 : index
      %get3A_190 = vector.load %arg16[%get3A_188, %get3A_189] : memref<1x96xf32, #tpu.memory_space<vmem>>, vector<1x96xf32>
      %add3A_191 = vector.broadcast %get3A_190 : vector<1x96xf32> to vector<320x96xf32>
      %add3A_192 = arith.addf %dot_general3A_187, %add3A_191 : vector<320x96xf32>
      %get3A_193 = arith.constant 0 : index
      %get3A_194 = arith.constant 0 : index
      %get3A_195 = vector.load %arg17[%get3A_193, %get3A_194] : memref<320x3xf32, #tpu.memory_space<vmem>>, vector<320x3xf32>
      %get3A_196 = arith.constant 0 : index
      %get3A_197 = arith.constant 0 : index
      %get3A_198 = vector.load %arg18[%get3A_196, %get3A_197] : memref<3x96xf32, #tpu.memory_space<vmem>>, vector<3x96xf32>
      %dot_general3A_199 = arith.constant dense<0.000000e+00> : vector<320x96xf32>
      %dot_general3A_200 = tpu.matmul %get3A_195, %get3A_198, %dot_general3A_199 {dimension_numbers = #tpu.dot_dimension_numbers<[1], [0], [0], [1], [0, 0, 1, 1], [], []>, transpose_lhs_hint = false} : vector<320x3xf32>, vector<3x96xf32>, vector<320x96xf32> -> vector<320x96xf32>
      %mul3A_201 = arith.constant 2.000000e-01 : f32
      %mul3A_202 = vector.broadcast %mul3A_201 : f32 to vector<320x96xf32>
      %mul3A_203 = arith.mulf %add3A_192, %mul3A_202 : vector<320x96xf32>
      %add3A_204 = arith.addf %mul3A_203, %dot_general3A_200 : vector<320x96xf32>
      %swap3A_205 = arith.constant 0 : index
      %swap3A_206 = arith.constant 0 : index
      %swap3A_207 = vector.load %arg19[%swap3A_205, %swap3A_206] : memref<320x96xf32, #tpu.memory_space<vmem>>, vector<320x96xf32>
      tpu.vector_store %arg19[%swap3A_205, %swap3A_206], %add3A_204 {strides = array<i32>} : memref<320x96xf32, #tpu.memory_space<vmem>>, vector<320x96xf32>,
    } else {
    }
    return
  }
  func.func @transform_0(%arg0: i32) -> (i32, i32) {
    %c0_i32 = arith.constant 0 : i32
    %c0_i32_0 = arith.constant 0 : i32
    return %c0_i32, %arg0 : i32, i32
  }
  func.func @transform_1(%arg0: i32) -> (i32, i32) {
    %c0_i32 = arith.constant 0 : i32
    %c0_i32_0 = arith.constant 0 : i32
    return %c0_i32, %arg0 : i32, i32
  }
  func.func @transform_2(%arg0: i32) -> (i32, i32) {
    %c0_i32 = arith.constant 0 : i32
    %c0_i32_0 = arith.constant 0 : i32
    %c0_i32_1 = arith.constant 0 : i32
    return %c0_i32, %c0_i32_0 : i32, i32
  }
  func.func @transform_3(%arg0: i32) -> (i32, i32) {
    %c0_i32 = arith.constant 0 : i32
    %c0_i32_0 = arith.constant 0 : i32
    %c0_i32_1 = arith.constant 0 : i32
    return %c0_i32, %c0_i32_0 : i32, i32
  }
  func.func @transform_4(%arg0: i32) -> (i32, i32) {
    %c0_i32 = arith.constant 0 : i32
    %c0_i32_0 = arith.constant 0 : i32
    %c0_i32_1 = arith.constant 0 : i32
    return %c0_i32, %c0_i32_0 : i32, i32
  }
  func.func @transform_5(%arg0: i32) -> (i32, i32) {
    %c0_i32 = arith.constant 0 : i32
    %c0_i32_0 = arith.constant 0 : i32
    %c0_i32_1 = arith.constant 0 : i32
    return %c0_i32, %c0_i32_0 : i32, i32
  }
  func.func @transform_6(%arg0: i32) -> (i32, i32) {
    %c0_i32 = arith.constant 0 : i32
    %c0_i32_0 = arith.constant 0 : i32
    %c0_i32_1 = arith.constant 0 : i32
    return %c0_i32, %c0_i32_0 : i32, i32
  }
  func.func @transform_7(%arg0: i32) -> (i32, i32) {
    %c0_i32 = arith.constant 0 : i32
    %c0_i32_0 = arith.constant 0 : i32
    %c0_i32_1 = arith.constant 0 : i32
    return %c0_i32, %c0_i32_0 : i32, i32
  }
  func.func @transform_8(%arg0: i32) -> (i32, i32) {
    %c0_i32 = arith.constant 0 : i32
    %c0_i32_0 = arith.constant 0 : i32
    %c0_i32_1 = arith.constant 0 : i32
    return %c0_i32, %c0_i32_0 : i32, i32
  }
  func.func @transform_9(%arg0: i32) -> (i32, i32) {
    %c0_i32 = arith.constant 0 : i32
    %c0_i32_0 = arith.constant 0 : i32
    %c0_i32_1 = arith.constant 0 : i32
    return %c0_i32, %c0_i32_0 : i32, i32
  }
  func.func @transform_10(%arg0: i32) -> (i32, i32) {
    %c0_i32 = arith.constant 0 : i32
    %c0_i32_0 = arith.constant 0 : i32
    %c0_i32_1 = arith.constant 0 : i32
    return %c0_i32, %c0_i32_0 : i32, i32
  }
  func.func @transform_11(%arg0: i32) -> (i32, i32) {
    %c0_i32 = arith.constant 0 : i32
    %c0_i32_0 = arith.constant 0 : i32
    %c0_i32_1 = arith.constant 0 : i32
    return %c0_i32, %c0_i32_0 : i32, i32
  }
  func.func @transform_12(%arg0: i32) -> (i32, i32) {
    %c0_i32 = arith.constant 0 : i32
    %c0_i32_0 = arith.constant 0 : i32
    %c0_i32_1 = arith.constant 0 : i32
    return %c0_i32, %c0_i32_0 : i32, i32
  }
  func.func @transform_13(%arg0: i32) -> (i32, i32) {
    %c0_i32 = arith.constant 0 : i32
    %c0_i32_0 = arith.constant 0 : i32
    %c0_i32_1 = arith.constant 0 : i32
    return %c0_i32, %c0_i32_0 : i32, i32
  }
  func.func @transform_14(%arg0: i32) -> (i32, i32) {
    %c0_i32 = arith.constant 0 : i32
    %c0_i32_0 = arith.constant 0 : i32
    %c0_i32_1 = arith.constant 0 : i32
    return %c0_i32, %c0_i32_0 : i32, i32
  }
  func.func @transform_15(%arg0: i32) -> (i32, i32) {
    %c0_i32 = arith.constant 0 : i32
    %c0_i32_0 = arith.constant 0 : i32
    %c0_i32_1 = arith.constant 0 : i32
    return %c0_i32, %c0_i32_0 : i32, i32
  }
  func.func @transform_16(%arg0: i32) -> (i32, i32) {
    %c0_i32 = arith.constant 0 : i32
    %c0_i32_0 = arith.constant 0 : i32
    %c0_i32_1 = arith.constant 0 : i32
    return %c0_i32, %c0_i32_0 : i32, i32
  }
  func.func @transform_17(%arg0: i32) -> (i32, i32) {
    %c0_i32 = arith.constant 0 : i32
    %c0_i32_0 = arith.constant 0 : i32
    %c0_i32_1 = arith.constant 0 : i32
    return %c0_i32, %c0_i32_0 : i32, i32
  }
  func.func @transform_18(%arg0: i32) -> (i32, i32) {
    %c0_i32 = arith.constant 0 : i32
    %c0_i32_0 = arith.constant 0 : i32
    %c0_i32_1 = arith.constant 0 : i32
    return %c0_i32, %c0_i32_0 : i32, i32
  }
}

</mosaic_0001>

<sc_bundles>
// kernel: kernel.6.cloned.1.call-start
scs
__scs_entry_jumppad:
0x0: {  	(pc) =	sbr.rel $0x88, $3  }
0x1: {  	(tag) =	ssettag $0x0;
	lr =	simm.s32 $0x1  }
0x2: {  	[smem:$0x3F93] =	sst lr;
	_ =	strace $0xD0000000  }
0x3: {  	_ = 	snop  }
0x4: {  	_ = 	snop  }
0x5: {  	_ = 	snop  }
0x6: {  	_ = 	snop  }
0x7: {  	_ = 	snop  }
__scs_overlays_trampoline_lowered:
0x8: {  	[smem:$0x3FA2] =	sst s0  }
0x9: {  	[smem:$0x3FA3] =	sst s1  }
0xa: {  	[smem:$0x3FA4] =	sst s2  }
0xb: {  	[smem:$0x3FA5] =	sst s3  }
0xc: {  	[smem:$0x3FA6] =	sst s4  }
0xd: {  	[smem:$0x3FA7] =	sst s5  }
0xe: {  	[smem:$0x3FA8] =	sst s6  }
0xf: {  	[smem:$0x3FA9] =	sst s7  }
0x10: {  	[smem:$0x3FAA] =	sst s8  }
0x11: {  	[smem:$0x3FAB] =	sst s9;
	s0 =	simm.s32 @!p0 $0x0  }
0x12: {  	s1 =	sld [smem:$0x3F91];
	s0 =	simm.s32 @p0 $0x1  }
0x13: {  	[smem:$0x3FAC] =	sst s0;
	s0 =	simm.s32 @!p1 $0x0  }
0x14: {  	s2 =	sld [smem:$0x3F90];
	s0 =	simm.s32 @p1 $0x1  }
0x15: {  	[smem:$0x3FAD] =	sst s0;
	s0 =	simm.s32 @!p2 $0x0  }
0x16: {  	s3 =	sld [smem:$0x3FDB];
	s0 =	simm.s32 @p2 $0x1  }
0x17: {  	s4 =	simm.s32 $0x1BF5;
	[smem:$0x3FAF] =	sst s0  }
0x18: {  	s0 =	sld [smem:$0x3F92];
	_ =	swait.ge [sflag:s4], $0x0  }
0x19: {  	s7 =	sld [smem:$0x3F93]  }
0x1a: {  	s8 =	sadd.s32 $0xFFFFE003, lr  }
0x1b: {  	s9 =	sadd.s32 $0xFFFFFEF7, lr;
	s5 =	simm.s32 $0xFFFFFFFF;
	p2 =	slt.u32 s8, $0xFFFFF086  }
0x1c: {  	p1 =	slt.u32 s9, $0xF7A;
	s5 =	simm.s32 @!p2 $0x0  }
0x1d: {  	s5 =	simm.s32 @p1 $0x1;
	p0 =	seq.s32 s7, s2  }
0x1e: {  	s7 =	smul.u32 @!p0 $0xF7A, s2;
	p2 =	seq.s32 @!p0 s5, $0x0  }
0x1f: {  	s9 =	smul.u32 $0xF7A, s1;
	s8 =	simm.s32 @!p0 $0x1BF5;
	p2 =	por !p2, p0  }
0x20: {  	[sflag:s8] =	ssyncset.s32 @!p0 $0xFFFFF086;
	s6 =	sadd.s32 @!p0 s3, s7;
	s7 =	simm.s32 @!p0 $0x108  }
0x21: {  	s3 =	sadd.s32 s3, s9;
	s6 =	sadd.s32 @!p0 $0x88, s6;
	s7 =	simm.s32 @p2 $0x1082  }
0x22: {  	[simem:s7], [sflag:s8] =	dma.local @!p0 [hbm:s6], $0xF7A  }
0x23: {  	s9 =	sor.u32 $0xD0000000, s2;
	s6 =	simm.s32 $0x108;
	_ =	swait.ge @!p0 [sflag:s8], $0x0  }
0x24: {  	s3 =	sadd.s32 $0x88, s3;
	s6 =	simm.s32 @!p1 $0x1082;
	[sflag:s4] =	ssyncset.s32 $0xFFFFF086  }
0x25: {  	[simem:s6], [sflag:s4] =	dma.local [hbm:s3], $0xF7A  }
0x26: {  	[smem:$0x3F93] =	sst s1;
	(tag) =	ssettag s2;
	_ =	strace s9  }
0x27: {  	s1 =	sld [smem:$0x3FA3]  }
0x28: {  	s2 =	sld [smem:$0x3FA4]  }
0x29: {  	s4 =	sld [smem:$0x3FA6]  }
0x2a: {  	p0 =	seq.s32 s5, $0x0;
	s5 =	sld [smem:$0x3FA7]  }
0x2b: {  	s6 =	sld [smem:$0x3FA8]  }
0x2c: {  	s7 =	sld [smem:$0x3FA9]  }
0x2d: {  	s3 =	simm.s32 $0x108;
	s8 =	sld [smem:$0x3FAA]  }
0x2e: {  	s3 =	simm.s32 @!p0 $0x1082;
	s9 =	sld [smem:$0x3FAB]  }
0x2f: {  	lr =	sadd.s32 s0, s3;
	s0 =	sld [smem:$0x3FA2]  }
0x30: {  	s3 =	sld [smem:$0x3FA5]  }
0x31: {  	[smem:$0x3FAE] =	sst s10  }
0x32: {  	s10 =	sld [smem:$0x3FAC];
	_ =	sdelay $0x3  }
0x33: {  	p0 =	seq.s32 s10, $0x1;
	s10 =	sld [smem:$0x3FAE];
	_ =	sdelay $0x3  }
0x34: {  	[smem:$0x3FAE] =	sst s10  }
0x35: {  	s10 =	sld [smem:$0x3FAD];
	_ =	sdelay $0x3  }
0x36: {  	p1 =	seq.s32 s10, $0x1;
	s10 =	sld [smem:$0x3FAE];
	_ =	sdelay $0x3  }
0x37: {  	[smem:$0x3FAE] =	sst s10  }
0x38: {  	s10 =	sld [smem:$0x3FAF]  }
0x39: {  	_ = 	snop;
	(pc) =	sbr.ind lr, $3  }
0x3a: {  	_ = 	snop  }
0x3b: {  	_ = 	snop  }
0x3c: {  	p2 =	seq.s32 s10, $0x1;
	s10 =	sld [smem:$0x3FAE]  }
0x3d: {  	_ =	shalt  }
0x3e: {  	_ =	shalt  }
0x3f: {  	_ =	shalt  }
0x40: {  	_ =	shalt  }
0x41: {  	_ =	shalt  }
0x42: {  	_ =	shalt  }
0x43: {  	_ =	shalt  }
0x44: {  	_ =	shalt  }
0x45: {  	_ =	shalt  }
0x46: {  	_ =	shalt  }
0x47: {  	_ =	shalt  }
0x48: {  	_ =	shalt  }
0x49: {  	_ =	shalt  }
0x4a: {  	_ =	shalt  }
0x4b: {  	_ =	shalt  }
0x4c: {  	_ =	shalt  }
0x4d: {  	_ =	shalt  }
0x4e: {  	_ =	shalt  }
0x4f: {  	_ =	shalt  }
0x50: {  	_ =	shalt  }
0x51: {  	_ =	shalt  }
0x52: {  	_ =	shalt  }
0x53: {  	_ =	shalt  }
0x54: {  	_ =	shalt  }
0x55: {  	_ =	shalt  }
0x56: {  	_ =	shalt  }
0x57: {  	_ =	shalt  }
0x58: {  	_ =	shalt  }
0x59: {  	_ =	shalt  }
0x5a: {  	_ =	shalt  }
0x5b: {  	_ =	shalt  }
0x5c: {  	_ =	shalt  }
0x5d: {  	_ =	shalt  }
0x5e: {  	_ =	shalt  }
0x5f: {  	_ =	shalt  }
0x60: {  	_ =	shalt  }
0x61: {  	_ =	shalt  }
0x62: {  	_ =	shalt  }
0x63: {  	_ =	shalt  }
0x64: {  	_ =	shalt  }
0x65: {  	_ =	shalt  }
0x66: {  	_ =	shalt  }
0x67: {  	_ =	shalt  }
0x68: {  	_ =	shalt  }
0x69: {  	_ =	shalt  }
0x6a: {  	_ =	shalt  }
0x6b: {  	_ =	shalt  }
0x6c: {  	_ =	shalt  }
0x6d: {  	_ =	shalt  }
0x6e: {  	_ =	shalt  }
0x6f: {  	_ =	shalt  }
0x70: {  	_ =	shalt  }
0x71: {  	_ =	shalt  }
0x72: {  	_ =	shalt  }
0x73: {  	_ =	shalt  }
0x74: {  	_ =	shalt  }
0x75: {  	_ =	shalt  }
0x76: {  	_ =	shalt  }
0x77: {  	_ =	shalt  }
0x78: {  	_ =	shalt  }
0x79: {  	_ =	shalt  }
0x7a: {  	_ =	shalt  }
0x7b: {  	_ =	shalt  }
0x7c: {  	_ =	shalt  }
0x7d: {  	_ =	shalt  }
0x7e: {  	_ =	shalt  }
0x7f: {  	_ =	shalt  }
0x80: {  	_ =	shalt  }
0x81: {  	_ =	shalt  }
0x82: {  	_ =	shalt  }
0x83: {  	_ =	shalt  }
0x84: {  	_ =	shalt  }
0x85: {  	_ =	shalt  }
0x86: {  	_ =	shalt  }
0x87: {  	_ =	shalt  }
.Lfunc_end0:
.L_simem_size_0:
called_computation_lowered:
.L_overlay_start_0:
0x88: {  	s2 =	sld [smem:$0x3FD9]  }
0x89: {  	s3 =	sld [smem:$0x3FFE];
	_ =	sdelay $0x1  }
0x8a: {  	s1 =	srdreg.scid  }
0x8b: {  	s0 =	sand.u32 $0x1, s1  }
0x8c: {  	s14 =	sshll.u32 s0, $0xA;
	s2 =	sadd.s32 s3, s2  }
0x8d: {  	s2 =	sadd.s32 s2, s14  }
0x8e: {  	[smem:$0x3FBA] =	sst s2  }
0x8f: {  	_ = 	snop  }
0x90: {  	s2 =	sld [smem:$0x3FD0];
	_ =	sdelay $0x2  }
0x91: {  	s15 =	simm.s32 $0xA;
	s4 =	simm.s32 $0x10  }
0x92: {  	[smem:s4], [sflag:s15] =	dma.local [hbm:s2], $0x1  }
0x93: {  	_ =	swait.eq [sflag:s15], $0x1  }
0x94: {  	[sflag:s15] =	ssyncset.done $0x0  }
0x95: {  	[sflag:s15] =	ssyncadd.s32 $0xFFFFFFFF  }
0x96: {  	s16 =	sld [smem:$0x13];
	(tm) =	ssettm $0x1  }
0x97: {  	s17 =	sld [smem:$0x3FFB];
	_ =	sdelay $0x3  }
0x98: {  	_ =	strace s17  }
0x99: {  	s3 =	sld [smem:$0x3FFC];
	_ =	sdelay $0x3  }
0x9a: {  	_ =	strace s3  }
0x9b: {  	s3 =	sld [smem:$0x3FFD];
	_ =	sdelay $0x3  }
0x9c: {  	_ =	strace s3  }
0x9d: {  	_ =	strace $0x8FFFFFFF  }
0x9e: {  	s18 =	sld [smem:$0x3FDB];
	_ =	sdelay $0x1  }
0x9f: {  	s19 =	simm.s32 $_scs_section_size  }
0xa0: {  	s5 =	simm.s32 $_size__tile_overlayer_lowered;
	s6 =	simm.s32 $_tile_overlayer_lowered  }
0xa1: {  	s22 =	simm.s32 $0x1BFF;
	s21 =	sshll.u32 s6, $0x1;
	s3 =	sadd.s32 s19, s18  }
0xa2: {  	s7 =	simm.s32 $0x0;
	s20 =	sshll.u32 s5, $0x1;
	s5 =	sadd.s32 s21, s3  }
0xa3: {  	[timem:s7], [sflag:s22] =	dma.local [hbm:s5], s20  }
0xa4: {  	_ =	swait.ge [sflag:s22], s20  }
0xa5: {  	s4 =	ssub.s32 $0x0, s20;
	[sflag:s22] =	ssyncset.done $0x0  }
0xa6: {  	[sflag:s22] =	ssyncadd.s32 s4;
	_ =	sdelay $0x1  }
0xa7: {  	s23 =	simm.s32 $0x1B8B  }
0xa8: {  	_ =	swait.ge [sflag:s23], $0x1  }
0xa9: {  	[sflag:s23] =	ssyncset.done $0x0  }
0xaa: {  	s25 =	simm.s32 $0x1B8E;
	s24 =	sld [smem:$0x3FFE];
	[sflag:s23] =	ssyncadd.s32 $0xFFFFFFFF  }
0xab: {  	s26 =	simm.s32 $execute0_lowered;
	[smem:$0x3FD2] =	sst s25  }
0xac: {  	s5 =	sshll.u32 s26, $0x1;
	_ =	strace $0x80000046;
	[dreg:$0x1] =	wrdreg $0xFFFFFFFF  }
0xad: {  	s28 =	simm.s32 $_size_execute0_lowered;
	s3 =	sadd.s32 s3, s5;
	[dreg:$0x0] =	wrdreg $0x0  }
0xae: {  	s5 =	sshll.u32 s28, $0x1;
	[dreg:$0x2] =	wrdreg s3  }
0xaf: {  	[dreg:$0x3] =	wrdreg s5  }
0xb0: {  	[dreg:$0x4] =	wrdreg $0xC0  }
0xb1: {  	_ =	task [dreg:s7], $0x5FFFF  }
0xb2: {  	[dreg:$0x1] =	wrdreg $0xFFFFFFFF  }
0xb3: {  	[dreg:$0x0] =	wrdreg $0x60  }
0xb4: {  	[dreg:$0x2] =	wrdreg s24  }
0xb5: {  	[dreg:$0x3] =	wrdreg s16  }
0xb6: {  	[dreg:$0x4] =	wrdreg $0x9  }
0xb7: {  	_ =	task.clear_ibuf [dreg:s7], $0x5FFFF;
	_ =	strace $0x90000046  }
0xb8: {  	s29 =	simm.s32 $0x9;
	_ =	strace $0x80000048  }
0xb9: {  	_ =	swait.ge [sflag:s29], $0x1  }
0xba: {  	[sflag:s29] =	ssyncadd.s32 $0xFFFFFFFF  }
0xbb: {  	_ =	strace $0x90000048  }
0xbc: {  	_ =	sfence  }
0xbd: {  	s30 =	sld [smem:$0x0];
	_ =	sdelay $0x2  }
0xbe: {  	s31 =	sshll.u32 s1, $0xD;
	s1 =	sshrl.u32 s1, $0x2  }
0xbf: {  	s3 =	sand.u32 $0x4000, s31;
	s1 =	sadd.s32 s1, s30  }
0xc0: {  	s0 =	sor.u32 s3, s0;
	s1 =	sshll.u32 s1, $0x11  }
0xc1: {  	s0 =	sor.u32 s1, s0  }
0xc2: {  	s0 =	sadd.s32 $0x8F2B, s0  }
0xc3: {  	[sflag:s0] =	ssyncadd.remote.s32 $0x1  }
0xc4: {  	_ =	sfence.sel $0xFFFF  }
0xc5: {  	[dreg:$0x0] =	wrdreg $0xFFFFFFFF;
	(pc) =	sbr.abs _section_cstart, $3  }
0xc6: {  	[dreg:$0x1] =	wrdreg $0xFFFFFFFF  }
0xc7: {  	_ =	task.clear_ibuf [dreg:s7], $0x2FFFF;
	_ =	strace $0x9FFFFFFF  }
0xc8: {  	(tm) =	ssettm $0x7FFFFFFF  }
0xc9: {  	_ =	shalt  }
tec
execute0_lowered:
.L_overlay_start_1:
0x0: {  	(tag) =	ssettag $0x1  }
0x1: {  	s1 =	srdreg.scid;
	s0 =	stileid.u32  }
0x2: {  	s14 =	rddreg [dreg:$0x0];
	s12 =	sand.u32 $0x1, s1;
	s30 =	sshll.u32 s0, $0x1  }
0x3: {  	s3 =	rddreg [dreg:$0x1];
	s13 =	sor.u32 s12, s30  }
0x4: {  	s2 =	simm.s32 $0x0;
	s1 =	rddreg [dreg:$0x2];
	s4 =	smul.u32 $0x28, s13  }
0x5: {  	[smem:$0x7FF] =	sst s2  }
0x6: {  	_ =	strace $0x80000047;
	s4 =	sadd.s32 s3, s4;
	s3 =	simm.s32 $0x2  }
0x7: {  	[tilespmem:s2], [sflag:$0x2] =	stream.linear.gather [hbm4b:s4+s2], $0x140, $0x38;
	[tilespmem:$0x1540] =	vst v63  }
0x8: {  	_ =	swait.ge [sflag:s3], $0x140  }
0x9: {  	s6 =	simm.s32 $0x50;
	s7 =	simm.s32 $0x140;
	[sflag:s3] =	ssyncset.done $0x0  }
0xa: {  	s8 =	simm.s32 $0x1;
	s5 =	sadd.s32 $0x2600, s14;
	[sflag:s3] =	ssyncadd.s32 $0xFFFFFEC0  }
0xb: {  	[tilespmem:s7], [sflag:$0x1] =	stream.indirect.gather [hbm4b:s5+s6], $0x10, s2, s6, $0xb8;
	[tilespmem:$0x1540] =	vst v63  }
0xc: {  	_ =	swait.ge [sflag:s8], $0x500  }
0xd: {  	[sflag:s8] =	ssyncset.done $0x0  }
0xe: {  	s9 =	simm.s32 $0x640;
	[sflag:s8] =	ssyncadd.s32 $0xFFFFFB00  }
0xf: {  	[tilespmem:s9], [sflag:$0x1] =	stream.indirect.gather [hbm4b:s5+s6], $0x10, s6, s6, $0xb8;
	[tilespmem:$0x1540] =	vst v63  }
0x10: {  	_ =	swait.ge [sflag:s8], $0x500  }
0x11: {  	s10 =	simm.s32 $0xA0;
	s11 =	simm.s32 $0xB40;
	[sflag:s8] =	ssyncset.done $0x0  }
0x12: {  	s16 =	ssub.s32 $0x2, s12;
	s12 =	simm.s32 $0xF0;
	[sflag:s8] =	ssyncadd.s32 $0xFFFFFB00  }
0x13: {  	[tilespmem:s11], [sflag:$0x1] =	stream.indirect.gather [hbm4b:s5+s6], $0x10, s10, s6, $0xb8;
	[tilespmem:$0x1540] =	vst v63  }
0x14: {  	s15 =	smul.u32 $0x280, s13;
	s17 =	sshrl.u32 s16, $0x1;
	_ =	swait.ge [sflag:s8], $0x500  }
0x15: {  	s13 =	simm.s32 $0x1040;
	s31 =	ssub.s32 s16, s17;
	[sflag:s8] =	ssyncset.done $0x0  }
0x16: {  	s14 =	sadd.s32 s15, s14;
	s15 =	smax.u32 s31, $0x1;
	[sflag:s8] =	ssyncadd.s32 $0xFFFFFB00  }
0x17: {  	[tilespmem:s13], [sflag:$0x1] =	stream.indirect.gather [hbm4b:s5+s6], $0x10, s12, s6, $0xb8;
	[tilespmem:$0x1540] =	vst v63  }
0x18: {  	p0 =	sne.s32 s15, $0x1;
	_ =	swait.ge [sflag:s8], $0x500  }
.Ltmp0:
0x19: {  	[sflag:s8] =	ssyncset.done $0x0;
	(pc) =	sbr.rel @!p0 .LBB2_2-.Ltmp0, $4  }
0x1a: {  	s14 =	sadd.s32 $0x7600, s14;
	[sflag:s8] =	ssyncadd.s32 $0xFFFFFB00  }
0x1b: {  	[hbm4b:s14+s2] =	stream.linear.scatter [tilespmem:s7], [sflag:$0x2], $0x1400, $0x38;
	[tilespmem:$0x1540] =	vst v63  }
0x1c: {  	_ =	swait.ge [sflag:s3], $0x1400  }
0x1d: {  	s15 =	sadd.s32 $0xFFFFFFFF, s15;
	[sflag:s3] =	ssyncset.done $0x0  }
.LBB2_1:
0x1e: {  	p0 =	sne.s32 s15, $0x1;
	s15 =	sadd.s32 $0xFFFFFFFF, s15;
	[sflag:s3] =	ssyncadd.s32 $0xFFFFEC00  }
0x1f: {  	[tilespmem:s2], [sflag:$0x2] =	stream.linear.gather [hbm4b:s4+s2], $0x140, $0x38;
	[tilespmem:$0x1540] =	vst v63  }
0x20: {  	_ =	swait.ge [sflag:s3], $0x140  }
0x21: {  	[sflag:s3] =	ssyncset.done $0x0  }
0x22: {  	[sflag:s3] =	ssyncadd.s32 $0xFFFFFEC0  }
0x23: {  	[tilespmem:s7], [sflag:$0x1] =	stream.indirect.gather [hbm4b:s5+s6], $0x10, s2, s6, $0xb8;
	[tilespmem:$0x1540] =	vst v63  }
0x24: {  	_ =	swait.ge [sflag:s8], $0x500  }
0x25: {  	[sflag:s8] =	ssyncset.done $0x0  }
0x26: {  	[sflag:s8] =	ssyncadd.s32 $0xFFFFFB00  }
0x27: {  	[tilespmem:s9], [sflag:$0x1] =	stream.indirect.gather [hbm4b:s5+s6], $0x10, s6, s6, $0xb8;
	[tilespmem:$0x1540] =	vst v63  }
0x28: {  	_ =	swait.ge [sflag:s8], $0x500  }
0x29: {  	[sflag:s8] =	ssyncset.done $0x0  }
0x2a: {  	[sflag:s8] =	ssyncadd.s32 $0xFFFFFB00  }
0x2b: {  	[tilespmem:s11], [sflag:$0x1] =	stream.indirect.gather [hbm4b:s5+s6], $0x10, s10, s6, $0xb8;
	[tilespmem:$0x1540] =	vst v63  }
0x2c: {  	_ =	swait.ge [sflag:s8], $0x500  }
0x2d: {  	[sflag:s8] =	ssyncset.done $0x0  }
0x2e: {  	[sflag:s8] =	ssyncadd.s32 $0xFFFFFB00  }
0x2f: {  	[tilespmem:s13], [sflag:$0x1] =	stream.indirect.gather [hbm4b:s5+s6], $0x10, s12, s6, $0xb8;
	[tilespmem:$0x1540] =	vst v63  }
0x30: {  	_ =	swait.ge [sflag:s8], $0x500  }
.Ltmp1:
0x31: {  	[sflag:s8] =	ssyncset.done $0x0;
	(pc) =	sbr.rel @p0 .LBB2_1-.Ltmp1, $4  }
0x32: {  	[sflag:s8] =	ssyncadd.s32 $0xFFFFFB00  }
0x33: {  	[hbm4b:s14+s2] =	stream.linear.scatter [tilespmem:s7], [sflag:$0x2], $0x1400, $0x38;
	[tilespmem:$0x1540] =	vst v63  }
0x34: {  	_ =	swait.ge [sflag:s3], $0x1400  }
0x35: {  	[sflag:s3] =	ssyncset.done $0x0  }
.LBB2_2:
0x36: {  	[sflag:s3] =	ssyncadd.s32 $0xFFFFEC00  }
0x37: {  	_ =	sfence.sel $0x180000  }
0x38: {  	[bflag:$0x0] =	sbarrier.arrive $0xFFFF  }
0x39: {  	p0 =	sne.s32 s0, $0x0;
	_ =	strace $0x90000047  }
0x3a: {  	s0 =	sadd.s32 @!p0 $0x100000, s1;
	[bflag:$0x2] =	sbarrier.arrive $0xFFFF  }
0x3b: {  	[sflag:s0] =	ssyncadd.tile.s32 @!p0 $0x1;
	_ =	shalt  }
.Lfunc_end2:
_tile_overlayer_lowered:
.L_overlay_start_2:
0x3c: {  	(tag) =	ssettag $0x2  }
0x3d: {  	s0 =	rddreg [dreg:$0x0];
	s2 =	stileid.u32  }
0x3e: {  	s1 =	rddreg [dreg:$0x1];
	p0 =	sne.s32 s2, $0x0  }
0x3f: {  	s3 =	rddreg [dreg:$0x2];
	[bflag:$0x3] =	sbarrier.arrive $0xFFFF;
	s2 =	simm.s32 @!p0 $0x1C02  }
0x40: {  	[timem:s3], [sflag:s2] =	dma.local @!p0 [hbm:s0], s1  }
0x41: {  	s0 =	simm.s32 @!p0 $0x2  }
0x42: {  	_ =	swait.ge @!p0 [sflag:s0], s1  }
0x43: {  	s1 =	ssub.s32 @!p0 $0x0, s1;
	[sflag:s0] =	ssyncset.done @!p0 $0x0  }
0x44: {  	[sflag:s0] =	ssyncadd.s32 @!p0 s1  }
0x45: {  	[bflag:$0x3] =	sbarrier.arrive $0xFFFF  }
0x46: {  	_ =	shalt  }

</sc_bundles>
